<compile_context>
chip_gen: v7x
topology: tpu7x:2x2x1
jax: 0.10.2.dev20260603
libtpu: 0.0.44.dev20260713+nightly
codegen_flags: <defaults>
</compile_context>

<pallas_src>
import functools

import jax
import jax.numpy as jnp
from jax import lax
from jax.experimental import pallas as pl
from jax.experimental.pallas import tpu as pltpu
from jax.experimental.pallas import tpu_sc as plsc

B = 8
NGT = 50
DN = 100
TOTAL = B * DN * NGT
PERB = DN * NGT
HID = 256

NW = 32
SHARE = 1248
QPAD = 1280
CHUNK = 128
NCH = 10
LAST = SHARE - 9 * CHUNK
LDBL = 72
NUPAD = 40032

BOX_BLK = 1000


@functools.cache
def _build_sc():
    mesh = plsc.VectorSubcoreMesh(core_axis_name="c", subcore_axis_name="s")
    return pl.kernel(
        _sc_body,
        mesh=mesh,
        out_type=(
            jax.ShapeDtypeStruct((B, PERB, HID), jnp.float32),
            jax.ShapeDtypeStruct((TOTAL,), jnp.int32),
        ),
        scratch_types=[
            pltpu.VMEM((LDBL,), jnp.int32),
            pltpu.VMEM((QPAD,), jnp.float32),
            pltpu.VMEM((QPAD,), jnp.int32),
            pltpu.VMEM((NCH, CHUNK), jnp.int32),
            pltpu.VMEM((QPAD,), jnp.int32),
            pltpu.VMEM((CHUNK, HID), jnp.float32),
            pltpu.VMEM((CHUNK, HID), jnp.float32),
            pltpu.VMEM((CHUNK, HID), jnp.float32),
            pltpu.SemaphoreType.DMA,
            pltpu.SemaphoreType.DMA,
            pltpu.SemaphoreType.DMA,
            pltpu.SemaphoreType.DMA,
            pltpu.SemaphoreType.DMA,
            pltpu.SemaphoreType.DMA,
            pltpu.SemaphoreType.DMA,
        ],
    )


def _sc_body(ldbl_h, nu_h, rl_h, table_h,
             q_out, lab_out,
             ldbl_v, nu_v, rl_v, idx_v, lab_v, rows0_v, rows1_v, rows2_v,
             sem_in, sem_g0, sem_g1, sem_g2, sem_o0, sem_o1, sem_o2):
    wid = lax.axis_index("s") * 2 + lax.axis_index("c")
    b = wid // 4
    lw = lax.rem(wid, 4)
    lrow0 = lw * SHARE
    qrow0 = b * PERB + lrow0
    qphase0 = lax.rem(qrow0, NGT)
    is_big = lw == 3

    ins = [
        pltpu.async_copy(ldbl_h.at[pl.ds(b * LDBL, LDBL)], ldbl_v, sem_in),
        pltpu.async_copy(nu_h.at[pl.ds(qrow0, QPAD)], nu_v, sem_in),
        pltpu.async_copy(rl_h.at[pl.ds(qrow0, QPAD)], rl_v, sem_in),
    ]
    for c in ins:
        c.wait()

    NB = 3
    rows = (rows0_v, rows1_v, rows2_v)
    gsem = (sem_g0, sem_g1, sem_g2)
    osem = (sem_o0, sem_o1, sem_o2)
    gh = [None] * NB
    oh = [None] * NB

    for j in range(NCH):
        def grp(k, carry, j=j):
            off = j * CHUNK + k * 16
            phase = lax.rem(qphase0 + off, NGT)
            rep = ldbl_v[pl.ds(phase, 16)]
            lab_v[pl.ds(off, 16)] = rep
            nu = nu_v[pl.ds(off, 16)]
            rl = rl_v[pl.ds(off, 16)]
            idx_v[j, pl.ds(k * 16, 16)] = jnp.where(nu < 0.5, rl, rep)
            return carry
        lax.fori_loop(0, CHUNK // 16, grp, 0)
        s = j % NB
        if oh[s] is not None:
            oh[s].wait()
            oh[s] = None
        gh[s] = pltpu.async_copy(table_h.at[idx_v.at[j]], rows[s], gsem[s])
        if j >= 2:
            p = (j - 2) % NB
            gh[p].wait()
            gh[p] = None
            oh[p] = pltpu.async_copy(
                rows[p].at[pl.ds(0, CHUNK)],
                q_out.at[b, pl.ds(lrow0 + (j - 2) * CHUNK, CHUNK)], osem[p])

    for j in (NCH - 2,):
        p = j % NB
        gh[p].wait()
        gh[p] = None
        oh[p] = pltpu.async_copy(
            rows[p].at[pl.ds(0, CHUNK)],
            q_out.at[b, pl.ds(lrow0 + j * CHUNK, CHUNK)], osem[p])

    s = (NCH - 1) % NB
    gh[s].wait()
    oh[s] = pltpu.async_copy(
        rows[s].at[pl.ds(0, LAST)],
        q_out.at[b, pl.ds(lrow0 + (NCH - 1) * CHUNK, LAST)], osem[s])

    @pl.when(is_big)
    def _():
        pltpu.sync_copy(
            rows[s].at[pl.ds(LAST, 8)],
            q_out.at[b, pl.ds(lrow0 + (NCH - 1) * CHUNK + LAST, 8)])

    pltpu.sync_copy(lab_v.at[pl.ds(0, SHARE)],
                    lab_out.at[pl.ds(qrow0, SHARE)])

    @pl.when(is_big)
    def _():
        pltpu.sync_copy(lab_v.at[pl.ds(SHARE, 8)],
                        lab_out.at[pl.ds(qrow0 + SHARE, 8)])

    for h in oh:
        if h is not None:
            h.wait()


def _box_body(bnr_ref, rep_ref, comp_ref, refo_ref, tbo_ref, qpos_ref):
    reps = PERB // BOX_BLK
    rep = jnp.concatenate([rep_ref[...]] * reps, axis=2)
    comp = jnp.concatenate([comp_ref[...]] * reps, axis=2)
    bn = bnr_ref[...] * 0.8 - 0.4
    out = jnp.minimum(jnp.maximum(rep + bn * comp, 0.0), 1.0)
    refo_ref[...] = out
    tbo_ref[...] = rep
    qpos_ref[...] = jnp.zeros_like(qpos_ref)


@functools.cache
def _build_box():
    return pl.pallas_call(
        _box_body,
        grid=(B,),
        in_specs=[
            pl.BlockSpec((1, 4, PERB), lambda b: (b, 0, 0)),
            pl.BlockSpec((1, 4, BOX_BLK), lambda b: (b, 0, 0)),
            pl.BlockSpec((1, 4, BOX_BLK), lambda b: (b, 0, 0)),
        ],
        out_specs=[
            pl.BlockSpec((1, 4, PERB), lambda b: (b, 0, 0)),
            pl.BlockSpec((1, 4, PERB), lambda b: (b, 0, 0)),
            pl.BlockSpec((1, PERB, HID), lambda b: (b, 0, 0)),
        ],
        out_shape=[
            jax.ShapeDtypeStruct((B, 4, PERB), jnp.float32),
            jax.ShapeDtypeStruct((B, 4, PERB), jnp.float32),
            jax.ShapeDtypeStruct((B, PERB, HID), jnp.float32),
        ],
    )


def kernel(labels, boxes, noise_u, rand_labels, box_noise_raw, table):
    labels = labels.astype(jnp.int32)
    ldbl = jnp.concatenate([labels, labels[:, : LDBL - NGT]], axis=1)
    nu = jnp.pad(noise_u.reshape(-1), (0, NUPAD - TOTAL))
    rl = jnp.pad(rand_labels.astype(jnp.int32).reshape(-1),
                 (0, NUPAD - TOTAL))
    boxes_t = jnp.transpose(boxes, (0, 2, 1))
    comp_t = jnp.concatenate([boxes_t[:, 2:4], boxes_t[:, 2:4]], axis=1)
    rep_pre = jnp.tile(boxes_t, (1, 1, BOX_BLK // NGT))
    comp_pre = jnp.tile(comp_t, (1, 1, BOX_BLK // NGT))
    bnr_t = jnp.transpose(box_noise_raw, (0, 2, 1))
    q, lab = _build_sc()(ldbl.reshape(-1), nu, rl, table)
    refo_t, tbo_t, dn_query_pos = _build_box()(bnr_t, rep_pre, comp_pre)
    dn_ref = jnp.transpose(refo_t, (0, 2, 1))
    dn_target_boxes = jnp.transpose(tbo_t, (0, 2, 1))
    dn_target_labels = lab.reshape(B, PERB)
    return (q, dn_ref, dn_query_pos, dn_target_labels, dn_target_boxes)

# --- scband reference (transcript-rebuilt; emitter-appended) ---
"""Pipeline reference for scband-denoising-generator-42305427865914 (READ-ONLY COPY).

The authoritative reference and input builder live on the scoring server;
editing this copy changes nothing except your own understanding.
"""

import jax, jax.numpy as jnp
import numpy as np

B = 8
NGT = 50
DN = 100
NUM_CLASSES = 1000
HIDDEN = 256
LABEL_NOISE_RATIO = 0.5
BOX_NOISE_SCALE = 0.4
TOTAL_DN = DN * NGT


def setup_inputs(seed: int = 0) -> dict:
    key = jax.random.key(seed)
    k1, k2, k3, k4, k5, k6 = jax.random.split(key, 6)
    labels = jax.random.randint(k1, (B, NGT), 0, NUM_CLASSES)
    boxes = jax.random.uniform(k2, (B, NGT, 4), dtype=jnp.float32)
    noise_u = jax.random.uniform(k3, (B, TOTAL_DN), dtype=jnp.float32)
    rand_labels = jax.random.randint(k4, (B, TOTAL_DN), 0, NUM_CLASSES)
    box_noise_raw = jax.random.uniform(k5, (B, TOTAL_DN, 4), dtype=jnp.float32)
    table = jax.random.normal(k6, (NUM_CLASSES, HIDDEN), dtype=jnp.float32)
    return {
        'labels': labels,
        'boxes': boxes,
        'noise_u': noise_u,
        'rand_labels': rand_labels,
        'box_noise_raw': box_noise_raw,
        'table': table,
    }


def reference(labels, boxes, noise_u, rand_labels, box_noise_raw, table):
    # Every image has NGT ground truths (max_gt == n for all b), so the
    # per-batch python loop of the torch module vectorizes cleanly and the
    # valid_mask is all-True (no padding slots).
    # rep = gt.repeat(dn_number) -> tile whole sequence DN times
    rep_labels = jnp.tile(labels, (1, DN))                # [B, TOTAL_DN]
    rep_boxes = jnp.tile(boxes, (1, DN, 1))               # [B, TOTAL_DN, 4]

    # --- label noise ---
    noise_mask = noise_u < LABEL_NOISE_RATIO
    noisy_labels = jnp.where(noise_mask, rand_labels, rep_labels)

    # --- box noise ---
    bn = (box_noise_raw * 2.0 - 1.0) * BOX_NOISE_SCALE
    noisy_cx = rep_boxes[..., 0] + bn[..., 0] * rep_boxes[..., 2]
    noisy_cy = rep_boxes[..., 1] + bn[..., 1] * rep_boxes[..., 3]
    noisy_w = rep_boxes[..., 2] * (1.0 + bn[..., 2])
    noisy_h = rep_boxes[..., 3] * (1.0 + bn[..., 3])
    dn_boxes = jnp.clip(jnp.stack([noisy_cx, noisy_cy, noisy_w, noisy_h], axis=-1), 0.0, 1.0)

    # valid_mask is all True here, clamp(min=0) is a no-op for valid labels
    safe_labels = jnp.clip(noisy_labels, 0, None)
    dn_query = jnp.take(table, safe_labels, axis=0)       # [B, TOTAL_DN, HIDDEN]
    valid_mask = (noisy_labels >= 0)
    dn_query = dn_query * valid_mask[..., None].astype(jnp.float32)

    dn_ref = dn_boxes
    dn_query_pos = jnp.zeros_like(dn_query)

    # dn_targets: uncorrupted repeated GT (no padding since all images full)
    dn_target_labels = rep_labels
    dn_target_boxes = rep_boxes

    return (dn_query, dn_ref, dn_query_pos, dn_target_labels, dn_target_boxes)

if __name__ == "__main__":
    import jax
    _d = setup_inputs()
    print(jax.jit(kernel)(*tuple(_d.values())))

</pallas_src>

<mosaic_0001>
#map = affine_map<(d0, d1) -> (0)>
#map1 = affine_map<(d0, d1) -> (0, 0)>
#map2 = affine_map<(d0, d1) -> (0, 0, 0)>
module attributes {stable_mosaic.version = 14 : i64} {
  func.func @_sc_body(%arg0: i32, %arg1: i32, %arg2: memref<576xi32, #tpu.memory_space<hbm>>, %arg3: memref<40032xf32, #tpu.memory_space<hbm>>, %arg4: memref<40032xi32, #tpu.memory_space<hbm>>, %arg5: memref<1000x256xf32, #tpu.memory_space<hbm>>, %arg6: memref<8x5000x256xf32, #tpu.memory_space<hbm>>, %arg7: memref<40000xi32, #tpu.memory_space<hbm>>, %arg8: memref<72xi32, #tpu.memory_space<vmem>>, %arg9: memref<1280xf32, #tpu.memory_space<vmem>>, %arg10: memref<1280xi32, #tpu.memory_space<vmem>>, %arg11: memref<10x128xi32, #tpu.memory_space<vmem>>, %arg12: memref<1280xi32, #tpu.memory_space<vmem>>, %arg13: memref<128x256xf32, #tpu.memory_space<vmem>>, %arg14: memref<128x256xf32, #tpu.memory_space<vmem>>, %arg15: memref<128x256xf32, #tpu.memory_space<vmem>>, %arg16: memref<!tpu.dma_semaphore, #tpu.memory_space<semaphore_mem>>, %arg17: memref<!tpu.dma_semaphore, #tpu.memory_space<semaphore_mem>>, %arg18: memref<!tpu.dma_semaphore, #tpu.memory_space<semaphore_mem>>, %arg19: memref<!tpu.dma_semaphore, #tpu.memory_space<semaphore_mem>>, %arg20: memref<!tpu.dma_semaphore, #tpu.memory_space<semaphore_mem>>, %arg21: memref<!tpu.dma_semaphore, #tpu.memory_space<semaphore_mem>>, %arg22: memref<!tpu.dma_semaphore, #tpu.memory_space<semaphore_mem>>) attributes {dimension_semantics = [#tpu.dimension_semantics<core_parallel>, #tpu.dimension_semantics<subcore_parallel>], iteration_bounds = array<i64: 2, 16>, scalar_prefetch = 0 : i64, scratch_operands = 15 : i64, tpu.core_type = #tpu.core_type<sc_vector_subcore>, window_params = [{transform_indices = #map}, {transform_indices = #map}, {transform_indices = #map}, {transform_indices = #map1}, {transform_indices = #map2}, {transform_indices = #map}]} {
    %mul3A = arith.constant 2 : i32
    %mul3A_0 = arith.muli %arg1, %mul3A : i32
    %add3A = arith.addi %mul3A_0, %arg0 : i32
    %jit3A = arith.constant 4 : i32
    %div3A = arith.divsi %add3A, %jit3A : i32
    %sign3A = arith.constant 0 : i32
    %sign3A_1 = arith.cmpi sgt, %add3A, %sign3A : i32
    %sign3A_2 = arith.extui %sign3A_1 : i1 to i32
    %sign3A_3 = arith.constant 0 : i32
    %sign3A_4 = arith.cmpi slt, %add3A, %sign3A_3 : i32
    %sign3A_5 = arith.extui %sign3A_4 : i1 to i32
    %sign3A_6 = arith.subi %sign3A_2, %sign3A_5 : i32
    %sign3A_7 = arith.constant 0 : i32
    %sign3A_8 = arith.cmpi sgt, %jit3A, %sign3A_7 : i32
    %sign3A_9 = arith.extui %sign3A_8 : i1 to i32
    %sign3A_10 = arith.constant 0 : i32
    %sign3A_11 = arith.cmpi slt, %jit3A, %sign3A_10 : i32
    %sign3A_12 = arith.extui %sign3A_11 : i1 to i32
    %sign3A_13 = arith.subi %sign3A_9, %sign3A_12 : i32
    %ne3A = arith.cmpi ne, %sign3A_6, %sign3A_13 : i32
    %rem3A = arith.remsi %add3A, %jit3A : i32
    %ne3A_14 = arith.constant 0 : i32
    %ne3A_15 = arith.cmpi ne, %rem3A, %ne3A_14 : i32
    %and3A = arith.andi %ne3A, %ne3A_15 : i1
    %sub3A = arith.constant 1 : i32
    %sub3A_16 = arith.subi %div3A, %sub3A : i32
    %select_n3A = arith.select %and3A, %sub3A_16, %div3A : i32
    %rem3A_17 = arith.constant 4 : i32
    %rem3A_18 = arith.remsi %add3A, %rem3A_17 : i32
    %mul3A_19 = arith.constant 1248 : i32
    %mul3A_20 = arith.muli %rem3A_18, %mul3A_19 : i32
    %mul3A_21 = arith.constant 5000 : i32
    %mul3A_22 = arith.muli %select_n3A, %mul3A_21 : i32
    %add3A_23 = arith.addi %mul3A_22, %mul3A_20 : i32
    %rem3A_24 = arith.constant 50 : i32
    %rem3A_25 = arith.remsi %add3A_23, %rem3A_24 : i32
    %eq3A = arith.constant 3 : i32
    %eq3A_26 = arith.cmpi eq, %rem3A_18, %eq3A : i32
    %mul3A_27 = arith.constant 72 : i32
    %mul3A_28 = arith.muli %select_n3A, %mul3A_27 : i32
    %dma_start3A = tpu.memref_slice %arg2[%mul3A_28] : memref<576xi32, #tpu.memory_space<hbm>> -> memref<72xi32, #tpu.memory_space<hbm>>
    %dma_start3A_29 = tpu.memref_slice %arg2[%mul3A_28] : memref<576xi32, #tpu.memory_space<hbm>> -> memref<72xi32, #tpu.memory_space<hbm>>
    tpu.enqueue_dma source(%dma_start3A_29 : memref<72xi32, #tpu.memory_space<hbm>>) target(%arg8 : memref<72xi32, #tpu.memory_space<vmem>>) target_semaphore(%arg16 : memref<!tpu.dma_semaphore, #tpu.memory_space<semaphore_mem>>)
    %dma_start3A_30 = tpu.memref_slice %arg3[%add3A_23] : memref<40032xf32, #tpu.memory_space<hbm>> -> memref<1280xf32, #tpu.memory_space<hbm>>
    %dma_start3A_31 = tpu.memref_slice %arg3[%add3A_23] : memref<40032xf32, #tpu.memory_space<hbm>> -> memref<1280xf32, #tpu.memory_space<hbm>>
    tpu.enqueue_dma source(%dma_start3A_31 : memref<1280xf32, #tpu.memory_space<hbm>>) target(%arg9 : memref<1280xf32, #tpu.memory_space<vmem>>) target_semaphore(%arg16 : memref<!tpu.dma_semaphore, #tpu.memory_space<semaphore_mem>>)
    %dma_start3A_32 = tpu.memref_slice %arg4[%add3A_23] : memref<40032xi32, #tpu.memory_space<hbm>> -> memref<1280xi32, #tpu.memory_space<hbm>>
    %dma_start3A_33 = tpu.memref_slice %arg4[%add3A_23] : memref<40032xi32, #tpu.memory_space<hbm>> -> memref<1280xi32, #tpu.memory_space<hbm>>
    tpu.enqueue_dma source(%dma_start3A_33 : memref<1280xi32, #tpu.memory_space<hbm>>) target(%arg10 : memref<1280xi32, #tpu.memory_space<vmem>>) target_semaphore(%arg16 : memref<!tpu.dma_semaphore, #tpu.memory_space<semaphore_mem>>)
    %dma_wait3A = tpu.memref_slice %arg2[%mul3A_28] : memref<576xi32, #tpu.memory_space<hbm>> -> memref<72xi32, #tpu.memory_space<hbm>>
    %dma_wait3A_34 = tpu.memref_slice %arg2[%mul3A_28] : memref<576xi32, #tpu.memory_space<hbm>> -> memref<72xi32, #tpu.memory_space<hbm>>
    tpu.wait_dma2 semaphore(%arg16 : memref<!tpu.dma_semaphore, #tpu.memory_space<semaphore_mem>>) src(%dma_wait3A_34 : memref<72xi32, #tpu.memory_space<hbm>>) dst(%arg8 : memref<72xi32, #tpu.memory_space<vmem>>)
    %dma_wait3A_35 = tpu.memref_slice %arg3[%add3A_23] : memref<40032xf32, #tpu.memory_space<hbm>> -> memref<1280xf32, #tpu.memory_space<hbm>>
    %dma_wait3A_36 = tpu.memref_slice %arg3[%add3A_23] : memref<40032xf32, #tpu.memory_space<hbm>> -> memref<1280xf32, #tpu.memory_space<hbm>>
    tpu.wait_dma2 semaphore(%arg16 : memref<!tpu.dma_semaphore, #tpu.memory_space<semaphore_mem>>) src(%dma_wait3A_36 : memref<1280xf32, #tpu.memory_space<hbm>>) dst(%arg9 : memref<1280xf32, #tpu.memory_space<vmem>>)
    %dma_wait3A_37 = tpu.memref_slice %arg4[%add3A_23] : memref<40032xi32, #tpu.memory_space<hbm>> -> memref<1280xi32, #tpu.memory_space<hbm>>
    %dma_wait3A_38 = tpu.memref_slice %arg4[%add3A_23] : memref<40032xi32, #tpu.memory_space<hbm>> -> memref<1280xi32, #tpu.memory_space<hbm>>
    tpu.wait_dma2 semaphore(%arg16 : memref<!tpu.dma_semaphore, #tpu.memory_space<semaphore_mem>>) src(%dma_wait3A_38 : memref<1280xi32, #tpu.memory_space<hbm>>) dst(%arg10 : memref<1280xi32, #tpu.memory_space<vmem>>)
    %scan3A = arith.constant 0 : i32
    %scan3A_39 = arith.constant 0 : i32
    %scan3A_40 = arith.constant 8 : i32
    %scan3A_41 = arith.addi %scan3A_39, %scan3A_40 : i32
    %scan3A_42 = arith.constant 1 : i32
    scf.for %scan3A_502 = %scan3A_39 to %scan3A_41 step %scan3A_42  : i32 {
      %mul3A_503 = arith.constant 16 : i32
      %mul3A_504 = arith.muli %scan3A_502, %mul3A_503 : i32
      %add3A_505 = arith.constant 0 : i32
      %add3A_506 = arith.addi %add3A_505, %mul3A_504 : i32
      %add3A_507 = arith.addi %rem3A_25, %add3A_506 : i32
      %rem3A_508 = arith.constant 50 : i32
      %rem3A_509 = arith.remsi %add3A_507, %rem3A_508 : i32
      %get3A = arith.index_cast %rem3A_509 : i32 to index
      %get3A_510 = tpu.vector_load %arg8[%get3A] {strides = array<i32>} : memref<72xi32, #tpu.memory_space<vmem>>, vector<16xi32>,
      %get3A_511 = vector.shape_cast %get3A_510 : vector<16xi32> to vector<16xi32>
      %swap3A = arith.index_cast %add3A_506 : i32 to index
      %swap3A_512 = tpu.vector_load %arg12[%swap3A] {strides = array<i32>} : memref<1280xi32, #tpu.memory_space<vmem>>, vector<16xi32>,
      %swap3A_513 = vector.shape_cast %swap3A_512 : vector<16xi32> to vector<16xi32>
      %swap3A_514 = vector.shape_cast %get3A_511 : vector<16xi32> to vector<16xi32>
      tpu.vector_store %arg12[%swap3A], %swap3A_514 {strides = array<i32>} : memref<1280xi32, #tpu.memory_space<vmem>>, vector<16xi32>,
      %get3A_515 = arith.index_cast %add3A_506 : i32 to index
      %get3A_516 = tpu.vector_load %arg9[%get3A_515] {strides = array<i32>} : memref<1280xf32, #tpu.memory_space<vmem>>, vector<16xf32>,
      %get3A_517 = vector.shape_cast %get3A_516 : vector<16xf32> to vector<16xf32>
      %get3A_518 = arith.index_cast %add3A_506 : i32 to index
      %get3A_519 = tpu.vector_load %arg10[%get3A_518] {strides = array<i32>} : memref<1280xi32, #tpu.memory_space<vmem>>, vector<16xi32>,
      %get3A_520 = vector.shape_cast %get3A_519 : vector<16xi32> to vector<16xi32>
      %lt3A = arith.constant 5.000000e-01 : f32
      %lt3A_521 = vector.broadcast %lt3A : f32 to vector<16xf32>
      %lt3A_522 = arith.cmpf olt, %get3A_517, %lt3A_521 : vector<16xf32>
      %select_n3A_523 = arith.select %lt3A_522, %get3A_520, %get3A_511 : vector<16xi1>, vector<16xi32>
      %mul3A_524 = arith.constant 16 : i32
      %mul3A_525 = arith.muli %scan3A_502, %mul3A_524 : i32
      %swap3A_526 = arith.constant 0 : i32
      %swap3A_527 = arith.index_cast %swap3A_526 : i32 to index
      %swap3A_528 = arith.index_cast %mul3A_525 : i32 to index
      %swap3A_529 = tpu.vector_load %arg11[%swap3A_527, %swap3A_528] {strides = array<i32>} : memref<10x128xi32, #tpu.memory_space<vmem>>, vector<1x16xi32>,
      %swap3A_530 = vector.shape_cast %swap3A_529 : vector<1x16xi32> to vector<16xi32>
      %swap3A_531 = vector.shape_cast %select_n3A_523 : vector<16xi32> to vector<1x16xi32>
      tpu.vector_store %arg11[%swap3A_527, %swap3A_528], %swap3A_531 {strides = array<i32>} : memref<10x128xi32, #tpu.memory_space<vmem>>, vector<1x16xi32>,
    }
    %scan3A_43 = arith.constant 8 : i32
    %dma_start3A_44 = arith.constant 0 : i32
    %dma_start3A_45 = arith.constant 0 : i32
    %dma_start3A_46 = tpu.memref_slice %arg11[%dma_start3A_44, %dma_start3A_45] : memref<10x128xi32, #tpu.memory_space<vmem>> -> memref<1x128xi32, #tpu.memory_space<vmem>>
    %dma_start3A_47 = tpu.memref_squeeze %dma_start3A_46 : memref<1x128xi32, #tpu.memory_space<vmem>> -> memref<128xi32, #tpu.memory_space<vmem>>
    %dma_start3A_48 = arith.constant 0 : i32
    %dma_start3A_49 = arith.constant 0 : i32
    %dma_start3A_50 = tpu.memref_slice %arg5[%dma_start3A_48, %dma_start3A_49] : memref<1000x256xf32, #tpu.memory_space<hbm>> -> memref<1000x256xf32, #tpu.memory_space<hbm>>
    tpu.enqueue_indirect_dma source(%dma_start3A_50 : memref<1000x256xf32, #tpu.memory_space<hbm>>) target(%arg13 : memref<128x256xf32, #tpu.memory_space<vmem>>) offsets(%dma_start3A_47 : memref<128xi32, #tpu.memory_space<vmem>>) semaphore(%arg17 : memref<!tpu.dma_semaphore, #tpu.memory_space<semaphore_mem>>)
    %scan3A_51 = arith.constant 0 : i32
    %scan3A_52 = arith.constant 0 : i32
    %scan3A_53 = arith.constant 8 : i32
    %scan3A_54 = arith.addi %scan3A_52, %scan3A_53 : i32
    %scan3A_55 = arith.constant 1 : i32
    scf.for %scan3A_502 = %scan3A_52 to %scan3A_54 step %scan3A_55  : i32 {
      %mul3A_503 = arith.constant 16 : i32
      %mul3A_504 = arith.muli %scan3A_502, %mul3A_503 : i32
      %add3A_505 = arith.constant 128 : i32
      %add3A_506 = arith.addi %add3A_505, %mul3A_504 : i32
      %add3A_507 = arith.addi %rem3A_25, %add3A_506 : i32
      %rem3A_508 = arith.constant 50 : i32
      %rem3A_509 = arith.remsi %add3A_507, %rem3A_508 : i32
      %get3A = arith.index_cast %rem3A_509 : i32 to index
      %get3A_510 = tpu.vector_load %arg8[%get3A] {strides = array<i32>} : memref<72xi32, #tpu.memory_space<vmem>>, vector<16xi32>,
      %get3A_511 = vector.shape_cast %get3A_510 : vector<16xi32> to vector<16xi32>
      %swap3A = arith.index_cast %add3A_506 : i32 to index
      %swap3A_512 = tpu.vector_load %arg12[%swap3A] {strides = array<i32>} : memref<1280xi32, #tpu.memory_space<vmem>>, vector<16xi32>,
      %swap3A_513 = vector.shape_cast %swap3A_512 : vector<16xi32> to vector<16xi32>
      %swap3A_514 = vector.shape_cast %get3A_511 : vector<16xi32> to vector<16xi32>
      tpu.vector_store %arg12[%swap3A], %swap3A_514 {strides = array<i32>} : memref<1280xi32, #tpu.memory_space<vmem>>, vector<16xi32>,
      %get3A_515 = arith.index_cast %add3A_506 : i32 to index
      %get3A_516 = tpu.vector_load %arg9[%get3A_515] {strides = array<i32>} : memref<1280xf32, #tpu.memory_space<vmem>>, vector<16xf32>,
      %get3A_517 = vector.shape_cast %get3A_516 : vector<16xf32> to vector<16xf32>
      %get3A_518 = arith.index_cast %add3A_506 : i32 to index
      %get3A_519 = tpu.vector_load %arg10[%get3A_518] {strides = array<i32>} : memref<1280xi32, #tpu.memory_space<vmem>>, vector<16xi32>,
      %get3A_520 = vector.shape_cast %get3A_519 : vector<16xi32> to vector<16xi32>
      %lt3A = arith.constant 5.000000e-01 : f32
      %lt3A_521 = vector.broadcast %lt3A : f32 to vector<16xf32>
      %lt3A_522 = arith.cmpf olt, %get3A_517, %lt3A_521 : vector<16xf32>
      %select_n3A_523 = arith.select %lt3A_522, %get3A_520, %get3A_511 : vector<16xi1>, vector<16xi32>
      %mul3A_524 = arith.constant 16 : i32
      %mul3A_525 = arith.muli %scan3A_502, %mul3A_524 : i32
      %swap3A_526 = arith.constant 1 : i32
      %swap3A_527 = arith.index_cast %swap3A_526 : i32 to index
      %swap3A_528 = arith.index_cast %mul3A_525 : i32 to index
      %swap3A_529 = tpu.vector_load %arg11[%swap3A_527, %swap3A_528] {strides = array<i32>} : memref<10x128xi32, #tpu.memory_space<vmem>>, vector<1x16xi32>,
      %swap3A_530 = vector.shape_cast %swap3A_529 : vector<1x16xi32> to vector<16xi32>
      %swap3A_531 = vector.shape_cast %select_n3A_523 : vector<16xi32> to vector<1x16xi32>
      tpu.vector_store %arg11[%swap3A_527, %swap3A_528], %swap3A_531 {strides = array<i32>} : memref<10x128xi32, #tpu.memory_space<vmem>>, vector<1x16xi32>,
    }
    %scan3A_56 = arith.constant 8 : i32
    %dma_start3A_57 = arith.constant 1 : i32
    %dma_start3A_58 = arith.constant 0 : i32
    %dma_start3A_59 = tpu.memref_slice %arg11[%dma_start3A_57, %dma_start3A_58] : memref<10x128xi32, #tpu.memory_space<vmem>> -> memref<1x128xi32, #tpu.memory_space<vmem>>
    %dma_start3A_60 = tpu.memref_squeeze %dma_start3A_59 : memref<1x128xi32, #tpu.memory_space<vmem>> -> memref<128xi32, #tpu.memory_space<vmem>>
    %dma_start3A_61 = arith.constant 0 : i32
    %dma_start3A_62 = arith.constant 0 : i32
    %dma_start3A_63 = tpu.memref_slice %arg5[%dma_start3A_61, %dma_start3A_62] : memref<1000x256xf32, #tpu.memory_space<hbm>> -> memref<1000x256xf32, #tpu.memory_space<hbm>>
    tpu.enqueue_indirect_dma source(%dma_start3A_63 : memref<1000x256xf32, #tpu.memory_space<hbm>>) target(%arg14 : memref<128x256xf32, #tpu.memory_space<vmem>>) offsets(%dma_start3A_60 : memref<128xi32, #tpu.memory_space<vmem>>) semaphore(%arg18 : memref<!tpu.dma_semaphore, #tpu.memory_space<semaphore_mem>>)
    %scan3A_64 = arith.constant 0 : i32
    %scan3A_65 = arith.constant 0 : i32
    %scan3A_66 = arith.constant 8 : i32
    %scan3A_67 = arith.addi %scan3A_65, %scan3A_66 : i32
    %scan3A_68 = arith.constant 1 : i32
    scf.for %scan3A_502 = %scan3A_65 to %scan3A_67 step %scan3A_68  : i32 {
      %mul3A_503 = arith.constant 16 : i32
      %mul3A_504 = arith.muli %scan3A_502, %mul3A_503 : i32
      %add3A_505 = arith.constant 256 : i32
      %add3A_506 = arith.addi %add3A_505, %mul3A_504 : i32
      %add3A_507 = arith.addi %rem3A_25, %add3A_506 : i32
      %rem3A_508 = arith.constant 50 : i32
      %rem3A_509 = arith.remsi %add3A_507, %rem3A_508 : i32
      %get3A = arith.index_cast %rem3A_509 : i32 to index
      %get3A_510 = tpu.vector_load %arg8[%get3A] {strides = array<i32>} : memref<72xi32, #tpu.memory_space<vmem>>, vector<16xi32>,
      %get3A_511 = vector.shape_cast %get3A_510 : vector<16xi32> to vector<16xi32>
      %swap3A = arith.index_cast %add3A_506 : i32 to index
      %swap3A_512 = tpu.vector_load %arg12[%swap3A] {strides = array<i32>} : memref<1280xi32, #tpu.memory_space<vmem>>, vector<16xi32>,
      %swap3A_513 = vector.shape_cast %swap3A_512 : vector<16xi32> to vector<16xi32>
      %swap3A_514 = vector.shape_cast %get3A_511 : vector<16xi32> to vector<16xi32>
      tpu.vector_store %arg12[%swap3A], %swap3A_514 {strides = array<i32>} : memref<1280xi32, #tpu.memory_space<vmem>>, vector<16xi32>,
      %get3A_515 = arith.index_cast %add3A_506 : i32 to index
      %get3A_516 = tpu.vector_load %arg9[%get3A_515] {strides = array<i32>} : memref<1280xf32, #tpu.memory_space<vmem>>, vector<16xf32>,
      %get3A_517 = vector.shape_cast %get3A_516 : vector<16xf32> to vector<16xf32>
      %get3A_518 = arith.index_cast %add3A_506 : i32 to index
      %get3A_519 = tpu.vector_load %arg10[%get3A_518] {strides = array<i32>} : memref<1280xi32, #tpu.memory_space<vmem>>, vector<16xi32>,
      %get3A_520 = vector.shape_cast %get3A_519 : vector<16xi32> to vector<16xi32>
      %lt3A = arith.constant 5.000000e-01 : f32
      %lt3A_521 = vector.broadcast %lt3A : f32 to vector<16xf32>
      %lt3A_522 = arith.cmpf olt, %get3A_517, %lt3A_521 : vector<16xf32>
      %select_n3A_523 = arith.select %lt3A_522, %get3A_520, %get3A_511 : vector<16xi1>, vector<16xi32>
      %mul3A_524 = arith.constant 16 : i32
      %mul3A_525 = arith.muli %scan3A_502, %mul3A_524 : i32
      %swap3A_526 = arith.constant 2 : i32
      %swap3A_527 = arith.index_cast %swap3A_526 : i32 to index
      %swap3A_528 = arith.index_cast %mul3A_525 : i32 to index
      %swap3A_529 = tpu.vector_load %arg11[%swap3A_527, %swap3A_528] {strides = array<i32>} : memref<10x128xi32, #tpu.memory_space<vmem>>, vector<1x16xi32>,
      %swap3A_530 = vector.shape_cast %swap3A_529 : vector<1x16xi32> to vector<16xi32>
      %swap3A_531 = vector.shape_cast %select_n3A_523 : vector<16xi32> to vector<1x16xi32>
      tpu.vector_store %arg11[%swap3A_527, %swap3A_528], %swap3A_531 {strides = array<i32>} : memref<10x128xi32, #tpu.memory_space<vmem>>, vector<1x16xi32>,
    }
    %scan3A_69 = arith.constant 8 : i32
    %dma_start3A_70 = arith.constant 2 : i32
    %dma_start3A_71 = arith.constant 0 : i32
    %dma_start3A_72 = tpu.memref_slice %arg11[%dma_start3A_70, %dma_start3A_71] : memref<10x128xi32, #tpu.memory_space<vmem>> -> memref<1x128xi32, #tpu.memory_space<vmem>>
    %dma_start3A_73 = tpu.memref_squeeze %dma_start3A_72 : memref<1x128xi32, #tpu.memory_space<vmem>> -> memref<128xi32, #tpu.memory_space<vmem>>
    %dma_start3A_74 = arith.constant 0 : i32
    %dma_start3A_75 = arith.constant 0 : i32
    %dma_start3A_76 = tpu.memref_slice %arg5[%dma_start3A_74, %dma_start3A_75] : memref<1000x256xf32, #tpu.memory_space<hbm>> -> memref<1000x256xf32, #tpu.memory_space<hbm>>
    tpu.enqueue_indirect_dma source(%dma_start3A_76 : memref<1000x256xf32, #tpu.memory_space<hbm>>) target(%arg15 : memref<128x256xf32, #tpu.memory_space<vmem>>) offsets(%dma_start3A_73 : memref<128xi32, #tpu.memory_space<vmem>>) semaphore(%arg19 : memref<!tpu.dma_semaphore, #tpu.memory_space<semaphore_mem>>)
    %dma_wait3A_77 = arith.constant 0 : i32
    %dma_wait3A_78 = arith.constant 0 : i32
    %dma_wait3A_79 = tpu.memref_slice %arg11[%dma_wait3A_77, %dma_wait3A_78] : memref<10x128xi32, #tpu.memory_space<vmem>> -> memref<1x128xi32, #tpu.memory_space<vmem>>
    %dma_wait3A_80 = tpu.memref_squeeze %dma_wait3A_79 : memref<1x128xi32, #tpu.memory_space<vmem>> -> memref<128xi32, #tpu.memory_space<vmem>>
    %dma_wait3A_81 = arith.constant 0 : i32
    %dma_wait3A_82 = arith.constant 0 : i32
    %dma_wait3A_83 = tpu.memref_slice %arg5[%dma_wait3A_81, %dma_wait3A_82] : memref<1000x256xf32, #tpu.memory_space<hbm>> -> memref<1000x256xf32, #tpu.memory_space<hbm>>
    tpu.wait_indirect_dma semaphore(%arg17 : memref<!tpu.dma_semaphore, #tpu.memory_space<semaphore_mem>>) src(%dma_wait3A_83 : memref<1000x256xf32, #tpu.memory_space<hbm>>) dst(%arg13 : memref<128x256xf32, #tpu.memory_space<vmem>>)
    %add3A_84 = arith.constant 0 : i32
    %add3A_85 = arith.addi %mul3A_20, %add3A_84 : i32
    %dma_start3A_86 = arith.constant 0 : i32
    %dma_start3A_87 = arith.constant 0 : i32
    %dma_start3A_88 = tpu.memref_slice %arg13[%dma_start3A_86, %dma_start3A_87] : memref<128x256xf32, #tpu.memory_space<vmem>> -> memref<128x256xf32, #tpu.memory_space<vmem>>
    %dma_start3A_89 = arith.constant 0 : i32
    %dma_start3A_90 = tpu.memref_slice %arg6[%select_n3A, %add3A_85, %dma_start3A_89] : memref<8x5000x256xf32, #tpu.memory_space<hbm>> -> memref<1x128x256xf32, #tpu.memory_space<hbm>>
    %dma_start3A_91 = tpu.memref_squeeze %dma_start3A_90 : memref<1x128x256xf32, #tpu.memory_space<hbm>> -> memref<128x256xf32, #tpu.memory_space<hbm>>
    %dma_start3A_92 = arith.constant 0 : i32
    %dma_start3A_93 = tpu.memref_slice %arg6[%select_n3A, %add3A_85, %dma_start3A_92] : memref<8x5000x256xf32, #tpu.memory_space<hbm>> -> memref<1x128x256xf32, #tpu.memory_space<hbm>>
    %dma_start3A_94 = tpu.memref_squeeze %dma_start3A_93 : memref<1x128x256xf32, #tpu.memory_space<hbm>> -> memref<128x256xf32, #tpu.memory_space<hbm>>
    %dma_start3A_95 = arith.constant 0 : i32
    %dma_start3A_96 = arith.constant 0 : i32
    %dma_start3A_97 = tpu.memref_slice %arg13[%dma_start3A_95, %dma_start3A_96] : memref<128x256xf32, #tpu.memory_space<vmem>> -> memref<128x256xf32, #tpu.memory_space<vmem>>
    tpu.enqueue_dma source(%dma_start3A_97 : memref<128x256xf32, #tpu.memory_space<vmem>>) target(%dma_start3A_94 : memref<128x256xf32, #tpu.memory_space<hbm>>) target_semaphore(%arg20 : memref<!tpu.dma_semaphore, #tpu.memory_space<semaphore_mem>>)
    %scan3A_98 = arith.constant 0 : i32
    %scan3A_99 = arith.constant 0 : i32
    %scan3A_100 = arith.constant 8 : i32
    %scan3A_101 = arith.addi %scan3A_99, %scan3A_100 : i32
    %scan3A_102 = arith.constant 1 : i32
    scf.for %scan3A_502 = %scan3A_99 to %scan3A_101 step %scan3A_102  : i32 {
      %mul3A_503 = arith.constant 16 : i32
      %mul3A_504 = arith.muli %scan3A_502, %mul3A_503 : i32
      %add3A_505 = arith.constant 384 : i32
      %add3A_506 = arith.addi %add3A_505, %mul3A_504 : i32
      %add3A_507 = arith.addi %rem3A_25, %add3A_506 : i32
      %rem3A_508 = arith.constant 50 : i32
      %rem3A_509 = arith.remsi %add3A_507, %rem3A_508 : i32
      %get3A = arith.index_cast %rem3A_509 : i32 to index
      %get3A_510 = tpu.vector_load %arg8[%get3A] {strides = array<i32>} : memref<72xi32, #tpu.memory_space<vmem>>, vector<16xi32>,
      %get3A_511 = vector.shape_cast %get3A_510 : vector<16xi32> to vector<16xi32>
      %swap3A = arith.index_cast %add3A_506 : i32 to index
      %swap3A_512 = tpu.vector_load %arg12[%swap3A] {strides = array<i32>} : memref<1280xi32, #tpu.memory_space<vmem>>, vector<16xi32>,
      %swap3A_513 = vector.shape_cast %swap3A_512 : vector<16xi32> to vector<16xi32>
      %swap3A_514 = vector.shape_cast %get3A_511 : vector<16xi32> to vector<16xi32>
      tpu.vector_store %arg12[%swap3A], %swap3A_514 {strides = array<i32>} : memref<1280xi32, #tpu.memory_space<vmem>>, vector<16xi32>,
      %get3A_515 = arith.index_cast %add3A_506 : i32 to index
      %get3A_516 = tpu.vector_load %arg9[%get3A_515] {strides = array<i32>} : memref<1280xf32, #tpu.memory_space<vmem>>, vector<16xf32>,
      %get3A_517 = vector.shape_cast %get3A_516 : vector<16xf32> to vector<16xf32>
      %get3A_518 = arith.index_cast %add3A_506 : i32 to index
      %get3A_519 = tpu.vector_load %arg10[%get3A_518] {strides = array<i32>} : memref<1280xi32, #tpu.memory_space<vmem>>, vector<16xi32>,
      %get3A_520 = vector.shape_cast %get3A_519 : vector<16xi32> to vector<16xi32>
      %lt3A = arith.constant 5.000000e-01 : f32
      %lt3A_521 = vector.broadcast %lt3A : f32 to vector<16xf32>
      %lt3A_522 = arith.cmpf olt, %get3A_517, %lt3A_521 : vector<16xf32>
      %select_n3A_523 = arith.select %lt3A_522, %get3A_520, %get3A_511 : vector<16xi1>, vector<16xi32>
      %mul3A_524 = arith.constant 16 : i32
      %mul3A_525 = arith.muli %scan3A_502, %mul3A_524 : i32
      %swap3A_526 = arith.constant 3 : i32
      %swap3A_527 = arith.index_cast %swap3A_526 : i32 to index
      %swap3A_528 = arith.index_cast %mul3A_525 : i32 to index
      %swap3A_529 = tpu.vector_load %arg11[%swap3A_527, %swap3A_528] {strides = array<i32>} : memref<10x128xi32, #tpu.memory_space<vmem>>, vector<1x16xi32>,
      %swap3A_530 = vector.shape_cast %swap3A_529 : vector<1x16xi32> to vector<16xi32>
      %swap3A_531 = vector.shape_cast %select_n3A_523 : vector<16xi32> to vector<1x16xi32>
      tpu.vector_store %arg11[%swap3A_527, %swap3A_528], %swap3A_531 {strides = array<i32>} : memref<10x128xi32, #tpu.memory_space<vmem>>, vector<1x16xi32>,
    }
    %scan3A_103 = arith.constant 8 : i32
    %dma_wait3A_104 = arith.constant 0 : i32
    %dma_wait3A_105 = arith.constant 0 : i32
    %dma_wait3A_106 = tpu.memref_slice %arg13[%dma_wait3A_104, %dma_wait3A_105] : memref<128x256xf32, #tpu.memory_space<vmem>> -> memref<128x256xf32, #tpu.memory_space<vmem>>
    %dma_wait3A_107 = arith.constant 0 : i32
    %dma_wait3A_108 = tpu.memref_slice %arg6[%select_n3A, %add3A_85, %dma_wait3A_107] : memref<8x5000x256xf32, #tpu.memory_space<hbm>> -> memref<1x128x256xf32, #tpu.memory_space<hbm>>
    %dma_wait3A_109 = tpu.memref_squeeze %dma_wait3A_108 : memref<1x128x256xf32, #tpu.memory_space<hbm>> -> memref<128x256xf32, #tpu.memory_space<hbm>>
    %dma_wait3A_110 = arith.constant 0 : i32
    %dma_wait3A_111 = tpu.memref_slice %arg6[%select_n3A, %add3A_85, %dma_wait3A_110] : memref<8x5000x256xf32, #tpu.memory_space<hbm>> -> memref<1x128x256xf32, #tpu.memory_space<hbm>>
    %dma_wait3A_112 = tpu.memref_squeeze %dma_wait3A_111 : memref<1x128x256xf32, #tpu.memory_space<hbm>> -> memref<128x256xf32, #tpu.memory_space<hbm>>
    %dma_wait3A_113 = arith.constant 0 : i32
    %dma_wait3A_114 = arith.constant 0 : i32
    %dma_wait3A_115 = tpu.memref_slice %arg13[%dma_wait3A_113, %dma_wait3A_114] : memref<128x256xf32, #tpu.memory_space<vmem>> -> memref<128x256xf32, #tpu.memory_space<vmem>>
    tpu.wait_dma2 semaphore(%arg20 : memref<!tpu.dma_semaphore, #tpu.memory_space<semaphore_mem>>) src(%dma_wait3A_115 : memref<128x256xf32, #tpu.memory_space<vmem>>) dst(%dma_wait3A_112 : memref<128x256xf32, #tpu.memory_space<hbm>>)
    %dma_start3A_116 = arith.constant 3 : i32
    %dma_start3A_117 = arith.constant 0 : i32
    %dma_start3A_118 = tpu.memref_slice %arg11[%dma_start3A_116, %dma_start3A_117] : memref<10x128xi32, #tpu.memory_space<vmem>> -> memref<1x128xi32, #tpu.memory_space<vmem>>
    %dma_start3A_119 = tpu.memref_squeeze %dma_start3A_118 : memref<1x128xi32, #tpu.memory_space<vmem>> -> memref<128xi32, #tpu.memory_space<vmem>>
    %dma_start3A_120 = arith.constant 0 : i32
    %dma_start3A_121 = arith.constant 0 : i32
    %dma_start3A_122 = tpu.memref_slice %arg5[%dma_start3A_120, %dma_start3A_121] : memref<1000x256xf32, #tpu.memory_space<hbm>> -> memref<1000x256xf32, #tpu.memory_space<hbm>>
    tpu.enqueue_indirect_dma source(%dma_start3A_122 : memref<1000x256xf32, #tpu.memory_space<hbm>>) target(%arg13 : memref<128x256xf32, #tpu.memory_space<vmem>>) offsets(%dma_start3A_119 : memref<128xi32, #tpu.memory_space<vmem>>) semaphore(%arg17 : memref<!tpu.dma_semaphore, #tpu.memory_space<semaphore_mem>>)
    %dma_wait3A_123 = arith.constant 1 : i32
    %dma_wait3A_124 = arith.constant 0 : i32
    %dma_wait3A_125 = tpu.memref_slice %arg11[%dma_wait3A_123, %dma_wait3A_124] : memref<10x128xi32, #tpu.memory_space<vmem>> -> memref<1x128xi32, #tpu.memory_space<vmem>>
    %dma_wait3A_126 = tpu.memref_squeeze %dma_wait3A_125 : memref<1x128xi32, #tpu.memory_space<vmem>> -> memref<128xi32, #tpu.memory_space<vmem>>
    %dma_wait3A_127 = arith.constant 0 : i32
    %dma_wait3A_128 = arith.constant 0 : i32
    %dma_wait3A_129 = tpu.memref_slice %arg5[%dma_wait3A_127, %dma_wait3A_128] : memref<1000x256xf32, #tpu.memory_space<hbm>> -> memref<1000x256xf32, #tpu.memory_space<hbm>>
    tpu.wait_indirect_dma semaphore(%arg18 : memref<!tpu.dma_semaphore, #tpu.memory_space<semaphore_mem>>) src(%dma_wait3A_129 : memref<1000x256xf32, #tpu.memory_space<hbm>>) dst(%arg14 : memref<128x256xf32, #tpu.memory_space<vmem>>)
    %add3A_130 = arith.constant 128 : i32
    %add3A_131 = arith.addi %mul3A_20, %add3A_130 : i32
    %dma_start3A_132 = arith.constant 0 : i32
    %dma_start3A_133 = arith.constant 0 : i32
    %dma_start3A_134 = tpu.memref_slice %arg14[%dma_start3A_132, %dma_start3A_133] : memref<128x256xf32, #tpu.memory_space<vmem>> -> memref<128x256xf32, #tpu.memory_space<vmem>>
    %dma_start3A_135 = arith.constant 0 : i32
    %dma_start3A_136 = tpu.memref_slice %arg6[%select_n3A, %add3A_131, %dma_start3A_135] : memref<8x5000x256xf32, #tpu.memory_space<hbm>> -> memref<1x128x256xf32, #tpu.memory_space<hbm>>
    %dma_start3A_137 = tpu.memref_squeeze %dma_start3A_136 : memref<1x128x256xf32, #tpu.memory_space<hbm>> -> memref<128x256xf32, #tpu.memory_space<hbm>>
    %dma_start3A_138 = arith.constant 0 : i32
    %dma_start3A_139 = tpu.memref_slice %arg6[%select_n3A, %add3A_131, %dma_start3A_138] : memref<8x5000x256xf32, #tpu.memory_space<hbm>> -> memref<1x128x256xf32, #tpu.memory_space<hbm>>
    %dma_start3A_140 = tpu.memref_squeeze %dma_start3A_139 : memref<1x128x256xf32, #tpu.memory_space<hbm>> -> memref<128x256xf32, #tpu.memory_space<hbm>>
    %dma_start3A_141 = arith.constant 0 : i32
    %dma_start3A_142 = arith.constant 0 : i32
    %dma_start3A_143 = tpu.memref_slice %arg14[%dma_start3A_141, %dma_start3A_142] : memref<128x256xf32, #tpu.memory_space<vmem>> -> memref<128x256xf32, #tpu.memory_space<vmem>>
    tpu.enqueue_dma source(%dma_start3A_143 : memref<128x256xf32, #tpu.memory_space<vmem>>) target(%dma_start3A_140 : memref<128x256xf32, #tpu.memory_space<hbm>>) target_semaphore(%arg21 : memref<!tpu.dma_semaphore, #tpu.memory_space<semaphore_mem>>)
    %scan3A_144 = arith.constant 0 : i32
    %scan3A_145 = arith.constant 0 : i32
    %scan3A_146 = arith.constant 8 : i32
    %scan3A_147 = arith.addi %scan3A_145, %scan3A_146 : i32
    %scan3A_148 = arith.constant 1 : i32
    scf.for %scan3A_502 = %scan3A_145 to %scan3A_147 step %scan3A_148  : i32 {
      %mul3A_503 = arith.constant 16 : i32
      %mul3A_504 = arith.muli %scan3A_502, %mul3A_503 : i32
      %add3A_505 = arith.constant 512 : i32
      %add3A_506 = arith.addi %add3A_505, %mul3A_504 : i32
      %add3A_507 = arith.addi %rem3A_25, %add3A_506 : i32
      %rem3A_508 = arith.constant 50 : i32
      %rem3A_509 = arith.remsi %add3A_507, %rem3A_508 : i32
      %get3A = arith.index_cast %rem3A_509 : i32 to index
      %get3A_510 = tpu.vector_load %arg8[%get3A] {strides = array<i32>} : memref<72xi32, #tpu.memory_space<vmem>>, vector<16xi32>,
      %get3A_511 = vector.shape_cast %get3A_510 : vector<16xi32> to vector<16xi32>
      %swap3A = arith.index_cast %add3A_506 : i32 to index
      %swap3A_512 = tpu.vector_load %arg12[%swap3A] {strides = array<i32>} : memref<1280xi32, #tpu.memory_space<vmem>>, vector<16xi32>,
      %swap3A_513 = vector.shape_cast %swap3A_512 : vector<16xi32> to vector<16xi32>
      %swap3A_514 = vector.shape_cast %get3A_511 : vector<16xi32> to vector<16xi32>
      tpu.vector_store %arg12[%swap3A], %swap3A_514 {strides = array<i32>} : memref<1280xi32, #tpu.memory_space<vmem>>, vector<16xi32>,
      %get3A_515 = arith.index_cast %add3A_506 : i32 to index
      %get3A_516 = tpu.vector_load %arg9[%get3A_515] {strides = array<i32>} : memref<1280xf32, #tpu.memory_space<vmem>>, vector<16xf32>,
      %get3A_517 = vector.shape_cast %get3A_516 : vector<16xf32> to vector<16xf32>
      %get3A_518 = arith.index_cast %add3A_506 : i32 to index
      %get3A_519 = tpu.vector_load %arg10[%get3A_518] {strides = array<i32>} : memref<1280xi32, #tpu.memory_space<vmem>>, vector<16xi32>,
      %get3A_520 = vector.shape_cast %get3A_519 : vector<16xi32> to vector<16xi32>
      %lt3A = arith.constant 5.000000e-01 : f32
      %lt3A_521 = vector.broadcast %lt3A : f32 to vector<16xf32>
      %lt3A_522 = arith.cmpf olt, %get3A_517, %lt3A_521 : vector<16xf32>
      %select_n3A_523 = arith.select %lt3A_522, %get3A_520, %get3A_511 : vector<16xi1>, vector<16xi32>
      %mul3A_524 = arith.constant 16 : i32
      %mul3A_525 = arith.muli %scan3A_502, %mul3A_524 : i32
      %swap3A_526 = arith.constant 4 : i32
      %swap3A_527 = arith.index_cast %swap3A_526 : i32 to index
      %swap3A_528 = arith.index_cast %mul3A_525 : i32 to index
      %swap3A_529 = tpu.vector_load %arg11[%swap3A_527, %swap3A_528] {strides = array<i32>} : memref<10x128xi32, #tpu.memory_space<vmem>>, vector<1x16xi32>,
      %swap3A_530 = vector.shape_cast %swap3A_529 : vector<1x16xi32> to vector<16xi32>
      %swap3A_531 = vector.shape_cast %select_n3A_523 : vector<16xi32> to vector<1x16xi32>
      tpu.vector_store %arg11[%swap3A_527, %swap3A_528], %swap3A_531 {strides = array<i32>} : memref<10x128xi32, #tpu.memory_space<vmem>>, vector<1x16xi32>,
    }
    %scan3A_149 = arith.constant 8 : i32
    %dma_wait3A_150 = arith.constant 0 : i32
    %dma_wait3A_151 = arith.constant 0 : i32
    %dma_wait3A_152 = tpu.memref_slice %arg14[%dma_wait3A_150, %dma_wait3A_151] : memref<128x256xf32, #tpu.memory_space<vmem>> -> memref<128x256xf32, #tpu.memory_space<vmem>>
    %dma_wait3A_153 = arith.constant 0 : i32
    %dma_wait3A_154 = tpu.memref_slice %arg6[%select_n3A, %add3A_131, %dma_wait3A_153] : memref<8x5000x256xf32, #tpu.memory_space<hbm>> -> memref<1x128x256xf32, #tpu.memory_space<hbm>>
    %dma_wait3A_155 = tpu.memref_squeeze %dma_wait3A_154 : memref<1x128x256xf32, #tpu.memory_space<hbm>> -> memref<128x256xf32, #tpu.memory_space<hbm>>
    %dma_wait3A_156 = arith.constant 0 : i32
    %dma_wait3A_157 = tpu.memref_slice %arg6[%select_n3A, %add3A_131, %dma_wait3A_156] : memref<8x5000x256xf32, #tpu.memory_space<hbm>> -> memref<1x128x256xf32, #tpu.memory_space<hbm>>
    %dma_wait3A_158 = tpu.memref_squeeze %dma_wait3A_157 : memref<1x128x256xf32, #tpu.memory_space<hbm>> -> memref<128x256xf32, #tpu.memory_space<hbm>>
    %dma_wait3A_159 = arith.constant 0 : i32
    %dma_wait3A_160 = arith.constant 0 : i32
    %dma_wait3A_161 = tpu.memref_slice %arg14[%dma_wait3A_159, %dma_wait3A_160] : memref<128x256xf32, #tpu.memory_space<vmem>> -> memref<128x256xf32, #tpu.memory_space<vmem>>
    tpu.wait_dma2 semaphore(%arg21 : memref<!tpu.dma_semaphore, #tpu.memory_space<semaphore_mem>>) src(%dma_wait3A_161 : memref<128x256xf32, #tpu.memory_space<vmem>>) dst(%dma_wait3A_158 : memref<128x256xf32, #tpu.memory_space<hbm>>)
    %dma_start3A_162 = arith.constant 4 : i32
    %dma_start3A_163 = arith.constant 0 : i32
    %dma_start3A_164 = tpu.memref_slice %arg11[%dma_start3A_162, %dma_start3A_163] : memref<10x128xi32, #tpu.memory_space<vmem>> -> memref<1x128xi32, #tpu.memory_space<vmem>>
    %dma_start3A_165 = tpu.memref_squeeze %dma_start3A_164 : memref<1x128xi32, #tpu.memory_space<vmem>> -> memref<128xi32, #tpu.memory_space<vmem>>
    %dma_start3A_166 = arith.constant 0 : i32
    %dma_start3A_167 = arith.constant 0 : i32
    %dma_start3A_168 = tpu.memref_slice %arg5[%dma_start3A_166, %dma_start3A_167] : memref<1000x256xf32, #tpu.memory_space<hbm>> -> memref<1000x256xf32, #tpu.memory_space<hbm>>
    tpu.enqueue_indirect_dma source(%dma_start3A_168 : memref<1000x256xf32, #tpu.memory_space<hbm>>) target(%arg14 : memref<128x256xf32, #tpu.memory_space<vmem>>) offsets(%dma_start3A_165 : memref<128xi32, #tpu.memory_space<vmem>>) semaphore(%arg18 : memref<!tpu.dma_semaphore, #tpu.memory_space<semaphore_mem>>)
    %dma_wait3A_169 = arith.constant 2 : i32
    %dma_wait3A_170 = arith.constant 0 : i32
    %dma_wait3A_171 = tpu.memref_slice %arg11[%dma_wait3A_169, %dma_wait3A_170] : memref<10x128xi32, #tpu.memory_space<vmem>> -> memref<1x128xi32, #tpu.memory_space<vmem>>
    %dma_wait3A_172 = tpu.memref_squeeze %dma_wait3A_171 : memref<1x128xi32, #tpu.memory_space<vmem>> -> memref<128xi32, #tpu.memory_space<vmem>>
    %dma_wait3A_173 = arith.constant 0 : i32
    %dma_wait3A_174 = arith.constant 0 : i32
    %dma_wait3A_175 = tpu.memref_slice %arg5[%dma_wait3A_173, %dma_wait3A_174] : memref<1000x256xf32, #tpu.memory_space<hbm>> -> memref<1000x256xf32, #tpu.memory_space<hbm>>
    tpu.wait_indirect_dma semaphore(%arg19 : memref<!tpu.dma_semaphore, #tpu.memory_space<semaphore_mem>>) src(%dma_wait3A_175 : memref<1000x256xf32, #tpu.memory_space<hbm>>) dst(%arg15 : memref<128x256xf32, #tpu.memory_space<vmem>>)
    %add3A_176 = arith.constant 256 : i32
    %add3A_177 = arith.addi %mul3A_20, %add3A_176 : i32
    %dma_start3A_178 = arith.constant 0 : i32
    %dma_start3A_179 = arith.constant 0 : i32
    %dma_start3A_180 = tpu.memref_slice %arg15[%dma_start3A_178, %dma_start3A_179] : memref<128x256xf32, #tpu.memory_space<vmem>> -> memref<128x256xf32, #tpu.memory_space<vmem>>
    %dma_start3A_181 = arith.constant 0 : i32
    %dma_start3A_182 = tpu.memref_slice %arg6[%select_n3A, %add3A_177, %dma_start3A_181] : memref<8x5000x256xf32, #tpu.memory_space<hbm>> -> memref<1x128x256xf32, #tpu.memory_space<hbm>>
    %dma_start3A_183 = tpu.memref_squeeze %dma_start3A_182 : memref<1x128x256xf32, #tpu.memory_space<hbm>> -> memref<128x256xf32, #tpu.memory_space<hbm>>
    %dma_start3A_184 = arith.constant 0 : i32
    %dma_start3A_185 = tpu.memref_slice %arg6[%select_n3A, %add3A_177, %dma_start3A_184] : memref<8x5000x256xf32, #tpu.memory_space<hbm>> -> memref<1x128x256xf32, #tpu.memory_space<hbm>>
    %dma_start3A_186 = tpu.memref_squeeze %dma_start3A_185 : memref<1x128x256xf32, #tpu.memory_space<hbm>> -> memref<128x256xf32, #tpu.memory_space<hbm>>
    %dma_start3A_187 = arith.constant 0 : i32
    %dma_start3A_188 = arith.constant 0 : i32
    %dma_start3A_189 = tpu.memref_slice %arg15[%dma_start3A_187, %dma_start3A_188] : memref<128x256xf32, #tpu.memory_space<vmem>> -> memref<128x256xf32, #tpu.memory_space<vmem>>
    tpu.enqueue_dma source(%dma_start3A_189 : memref<128x256xf32, #tpu.memory_space<vmem>>) target(%dma_start3A_186 : memref<128x256xf32, #tpu.memory_space<hbm>>) target_semaphore(%arg22 : memref<!tpu.dma_semaphore, #tpu.memory_space<semaphore_mem>>)
    %scan3A_190 = arith.constant 0 : i32
    %scan3A_191 = arith.constant 0 : i32
    %scan3A_192 = arith.constant 8 : i32
    %scan3A_193 = arith.addi %scan3A_191, %scan3A_192 : i32
    %scan3A_194 = arith.constant 1 : i32
    scf.for %scan3A_502 = %scan3A_191 to %scan3A_193 step %scan3A_194  : i32 {
      %mul3A_503 = arith.constant 16 : i32
      %mul3A_504 = arith.muli %scan3A_502, %mul3A_503 : i32
      %add3A_505 = arith.constant 640 : i32
      %add3A_506 = arith.addi %add3A_505, %mul3A_504 : i32
      %add3A_507 = arith.addi %rem3A_25, %add3A_506 : i32
      %rem3A_508 = arith.constant 50 : i32
      %rem3A_509 = arith.remsi %add3A_507, %rem3A_508 : i32
      %get3A = arith.index_cast %rem3A_509 : i32 to index
      %get3A_510 = tpu.vector_load %arg8[%get3A] {strides = array<i32>} : memref<72xi32, #tpu.memory_space<vmem>>, vector<16xi32>,
      %get3A_511 = vector.shape_cast %get3A_510 : vector<16xi32> to vector<16xi32>
      %swap3A = arith.index_cast %add3A_506 : i32 to index
      %swap3A_512 = tpu.vector_load %arg12[%swap3A] {strides = array<i32>} : memref<1280xi32, #tpu.memory_space<vmem>>, vector<16xi32>,
      %swap3A_513 = vector.shape_cast %swap3A_512 : vector<16xi32> to vector<16xi32>
      %swap3A_514 = vector.shape_cast %get3A_511 : vector<16xi32> to vector<16xi32>
      tpu.vector_store %arg12[%swap3A], %swap3A_514 {strides = array<i32>} : memref<1280xi32, #tpu.memory_space<vmem>>, vector<16xi32>,
      %get3A_515 = arith.index_cast %add3A_506 : i32 to index
      %get3A_516 = tpu.vector_load %arg9[%get3A_515] {strides = array<i32>} : memref<1280xf32, #tpu.memory_space<vmem>>, vector<16xf32>,
      %get3A_517 = vector.shape_cast %get3A_516 : vector<16xf32> to vector<16xf32>
      %get3A_518 = arith.index_cast %add3A_506 : i32 to index
      %get3A_519 = tpu.vector_load %arg10[%get3A_518] {strides = array<i32>} : memref<1280xi32, #tpu.memory_space<vmem>>, vector<16xi32>,
      %get3A_520 = vector.shape_cast %get3A_519 : vector<16xi32> to vector<16xi32>
      %lt3A = arith.constant 5.000000e-01 : f32
      %lt3A_521 = vector.broadcast %lt3A : f32 to vector<16xf32>
      %lt3A_522 = arith.cmpf olt, %get3A_517, %lt3A_521 : vector<16xf32>
      %select_n3A_523 = arith.select %lt3A_522, %get3A_520, %get3A_511 : vector<16xi1>, vector<16xi32>
      %mul3A_524 = arith.constant 16 : i32
      %mul3A_525 = arith.muli %scan3A_502, %mul3A_524 : i32
      %swap3A_526 = arith.constant 5 : i32
      %swap3A_527 = arith.index_cast %swap3A_526 : i32 to index
      %swap3A_528 = arith.index_cast %mul3A_525 : i32 to index
      %swap3A_529 = tpu.vector_load %arg11[%swap3A_527, %swap3A_528] {strides = array<i32>} : memref<10x128xi32, #tpu.memory_space<vmem>>, vector<1x16xi32>,
      %swap3A_530 = vector.shape_cast %swap3A_529 : vector<1x16xi32> to vector<16xi32>
      %swap3A_531 = vector.shape_cast %select_n3A_523 : vector<16xi32> to vector<1x16xi32>
      tpu.vector_store %arg11[%swap3A_527, %swap3A_528], %swap3A_531 {strides = array<i32>} : memref<10x128xi32, #tpu.memory_space<vmem>>, vector<1x16xi32>,
    }
    %scan3A_195 = arith.constant 8 : i32
    %dma_wait3A_196 = arith.constant 0 : i32
    %dma_wait3A_197 = arith.constant 0 : i32
    %dma_wait3A_198 = tpu.memref_slice %arg15[%dma_wait3A_196, %dma_wait3A_197] : memref<128x256xf32, #tpu.memory_space<vmem>> -> memref<128x256xf32, #tpu.memory_space<vmem>>
    %dma_wait3A_199 = arith.constant 0 : i32
    %dma_wait3A_200 = tpu.memref_slice %arg6[%select_n3A, %add3A_177, %dma_wait3A_199] : memref<8x5000x256xf32, #tpu.memory_space<hbm>> -> memref<1x128x256xf32, #tpu.memory_space<hbm>>
    %dma_wait3A_201 = tpu.memref_squeeze %dma_wait3A_200 : memref<1x128x256xf32, #tpu.memory_space<hbm>> -> memref<128x256xf32, #tpu.memory_space<hbm>>
    %dma_wait3A_202 = arith.constant 0 : i32
    %dma_wait3A_203 = tpu.memref_slice %arg6[%select_n3A, %add3A_177, %dma_wait3A_202] : memref<8x5000x256xf32, #tpu.memory_space<hbm>> -> memref<1x128x256xf32, #tpu.memory_space<hbm>>
    %dma_wait3A_204 = tpu.memref_squeeze %dma_wait3A_203 : memref<1x128x256xf32, #tpu.memory_space<hbm>> -> memref<128x256xf32, #tpu.memory_space<hbm>>
    %dma_wait3A_205 = arith.constant 0 : i32
    %dma_wait3A_206 = arith.constant 0 : i32
    %dma_wait3A_207 = tpu.memref_slice %arg15[%dma_wait3A_205, %dma_wait3A_206] : memref<128x256xf32, #tpu.memory_space<vmem>> -> memref<128x256xf32, #tpu.memory_space<vmem>>
    tpu.wait_dma2 semaphore(%arg22 : memref<!tpu.dma_semaphore, #tpu.memory_space<semaphore_mem>>) src(%dma_wait3A_207 : memref<128x256xf32, #tpu.memory_space<vmem>>) dst(%dma_wait3A_204 : memref<128x256xf32, #tpu.memory_space<hbm>>)
    %dma_start3A_208 = arith.constant 5 : i32
    %dma_start3A_209 = arith.constant 0 : i32
    %dma_start3A_210 = tpu.memref_slice %arg11[%dma_start3A_208, %dma_start3A_209] : memref<10x128xi32, #tpu.memory_space<vmem>> -> memref<1x128xi32, #tpu.memory_space<vmem>>
    %dma_start3A_211 = tpu.memref_squeeze %dma_start3A_210 : memref<1x128xi32, #tpu.memory_space<vmem>> -> memref<128xi32, #tpu.memory_space<vmem>>
    %dma_start3A_212 = arith.constant 0 : i32
    %dma_start3A_213 = arith.constant 0 : i32
    %dma_start3A_214 = tpu.memref_slice %arg5[%dma_start3A_212, %dma_start3A_213] : memref<1000x256xf32, #tpu.memory_space<hbm>> -> memref<1000x256xf32, #tpu.memory_space<hbm>>
    tpu.enqueue_indirect_dma source(%dma_start3A_214 : memref<1000x256xf32, #tpu.memory_space<hbm>>) target(%arg15 : memref<128x256xf32, #tpu.memory_space<vmem>>) offsets(%dma_start3A_211 : memref<128xi32, #tpu.memory_space<vmem>>) semaphore(%arg19 : memref<!tpu.dma_semaphore, #tpu.memory_space<semaphore_mem>>)
    %dma_wait3A_215 = arith.constant 3 : i32
    %dma_wait3A_216 = arith.constant 0 : i32
    %dma_wait3A_217 = tpu.memref_slice %arg11[%dma_wait3A_215, %dma_wait3A_216] : memref<10x128xi32, #tpu.memory_space<vmem>> -> memref<1x128xi32, #tpu.memory_space<vmem>>
    %dma_wait3A_218 = tpu.memref_squeeze %dma_wait3A_217 : memref<1x128xi32, #tpu.memory_space<vmem>> -> memref<128xi32, #tpu.memory_space<vmem>>
    %dma_wait3A_219 = arith.constant 0 : i32
    %dma_wait3A_220 = arith.constant 0 : i32
    %dma_wait3A_221 = tpu.memref_slice %arg5[%dma_wait3A_219, %dma_wait3A_220] : memref<1000x256xf32, #tpu.memory_space<hbm>> -> memref<1000x256xf32, #tpu.memory_space<hbm>>
    tpu.wait_indirect_dma semaphore(%arg17 : memref<!tpu.dma_semaphore, #tpu.memory_space<semaphore_mem>>) src(%dma_wait3A_221 : memref<1000x256xf32, #tpu.memory_space<hbm>>) dst(%arg13 : memref<128x256xf32, #tpu.memory_space<vmem>>)
    %add3A_222 = arith.constant 384 : i32
    %add3A_223 = arith.addi %mul3A_20, %add3A_222 : i32
    %dma_start3A_224 = arith.constant 0 : i32
    %dma_start3A_225 = arith.constant 0 : i32
    %dma_start3A_226 = tpu.memref_slice %arg13[%dma_start3A_224, %dma_start3A_225] : memref<128x256xf32, #tpu.memory_space<vmem>> -> memref<128x256xf32, #tpu.memory_space<vmem>>
    %dma_start3A_227 = arith.constant 0 : i32
    %dma_start3A_228 = tpu.memref_slice %arg6[%select_n3A, %add3A_223, %dma_start3A_227] : memref<8x5000x256xf32, #tpu.memory_space<hbm>> -> memref<1x128x256xf32, #tpu.memory_space<hbm>>
    %dma_start3A_229 = tpu.memref_squeeze %dma_start3A_228 : memref<1x128x256xf32, #tpu.memory_space<hbm>> -> memref<128x256xf32, #tpu.memory_space<hbm>>
    %dma_start3A_230 = arith.constant 0 : i32
    %dma_start3A_231 = tpu.memref_slice %arg6[%select_n3A, %add3A_223, %dma_start3A_230] : memref<8x5000x256xf32, #tpu.memory_space<hbm>> -> memref<1x128x256xf32, #tpu.memory_space<hbm>>
    %dma_start3A_232 = tpu.memref_squeeze %dma_start3A_231 : memref<1x128x256xf32, #tpu.memory_space<hbm>> -> memref<128x256xf32, #tpu.memory_space<hbm>>
    %dma_start3A_233 = arith.constant 0 : i32
    %dma_start3A_234 = arith.constant 0 : i32
    %dma_start3A_235 = tpu.memref_slice %arg13[%dma_start3A_233, %dma_start3A_234] : memref<128x256xf32, #tpu.memory_space<vmem>> -> memref<128x256xf32, #tpu.memory_space<vmem>>
    tpu.enqueue_dma source(%dma_start3A_235 : memref<128x256xf32, #tpu.memory_space<vmem>>) target(%dma_start3A_232 : memref<128x256xf32, #tpu.memory_space<hbm>>) target_semaphore(%arg20 : memref<!tpu.dma_semaphore, #tpu.memory_space<semaphore_mem>>)
    %scan3A_236 = arith.constant 0 : i32
    %scan3A_237 = arith.constant 0 : i32
    %scan3A_238 = arith.constant 8 : i32
    %scan3A_239 = arith.addi %scan3A_237, %scan3A_238 : i32
    %scan3A_240 = arith.constant 1 : i32
    scf.for %scan3A_502 = %scan3A_237 to %scan3A_239 step %scan3A_240  : i32 {
      %mul3A_503 = arith.constant 16 : i32
      %mul3A_504 = arith.muli %scan3A_502, %mul3A_503 : i32
      %add3A_505 = arith.constant 768 : i32
      %add3A_506 = arith.addi %add3A_505, %mul3A_504 : i32
      %add3A_507 = arith.addi %rem3A_25, %add3A_506 : i32
      %rem3A_508 = arith.constant 50 : i32
      %rem3A_509 = arith.remsi %add3A_507, %rem3A_508 : i32
      %get3A = arith.index_cast %rem3A_509 : i32 to index
      %get3A_510 = tpu.vector_load %arg8[%get3A] {strides = array<i32>} : memref<72xi32, #tpu.memory_space<vmem>>, vector<16xi32>,
      %get3A_511 = vector.shape_cast %get3A_510 : vector<16xi32> to vector<16xi32>
      %swap3A = arith.index_cast %add3A_506 : i32 to index
      %swap3A_512 = tpu.vector_load %arg12[%swap3A] {strides = array<i32>} : memref<1280xi32, #tpu.memory_space<vmem>>, vector<16xi32>,
      %swap3A_513 = vector.shape_cast %swap3A_512 : vector<16xi32> to vector<16xi32>
      %swap3A_514 = vector.shape_cast %get3A_511 : vector<16xi32> to vector<16xi32>
      tpu.vector_store %arg12[%swap3A], %swap3A_514 {strides = array<i32>} : memref<1280xi32, #tpu.memory_space<vmem>>, vector<16xi32>,
      %get3A_515 = arith.index_cast %add3A_506 : i32 to index
      %get3A_516 = tpu.vector_load %arg9[%get3A_515] {strides = array<i32>} : memref<1280xf32, #tpu.memory_space<vmem>>, vector<16xf32>,
      %get3A_517 = vector.shape_cast %get3A_516 : vector<16xf32> to vector<16xf32>
      %get3A_518 = arith.index_cast %add3A_506 : i32 to index
      %get3A_519 = tpu.vector_load %arg10[%get3A_518] {strides = array<i32>} : memref<1280xi32, #tpu.memory_space<vmem>>, vector<16xi32>,
      %get3A_520 = vector.shape_cast %get3A_519 : vector<16xi32> to vector<16xi32>
      %lt3A = arith.constant 5.000000e-01 : f32
      %lt3A_521 = vector.broadcast %lt3A : f32 to vector<16xf32>
      %lt3A_522 = arith.cmpf olt, %get3A_517, %lt3A_521 : vector<16xf32>
      %select_n3A_523 = arith.select %lt3A_522, %get3A_520, %get3A_511 : vector<16xi1>, vector<16xi32>
      %mul3A_524 = arith.constant 16 : i32
      %mul3A_525 = arith.muli %scan3A_502, %mul3A_524 : i32
      %swap3A_526 = arith.constant 6 : i32
      %swap3A_527 = arith.index_cast %swap3A_526 : i32 to index
      %swap3A_528 = arith.index_cast %mul3A_525 : i32 to index
      %swap3A_529 = tpu.vector_load %arg11[%swap3A_527, %swap3A_528] {strides = array<i32>} : memref<10x128xi32, #tpu.memory_space<vmem>>, vector<1x16xi32>,
      %swap3A_530 = vector.shape_cast %swap3A_529 : vector<1x16xi32> to vector<16xi32>
      %swap3A_531 = vector.shape_cast %select_n3A_523 : vector<16xi32> to vector<1x16xi32>
      tpu.vector_store %arg11[%swap3A_527, %swap3A_528], %swap3A_531 {strides = array<i32>} : memref<10x128xi32, #tpu.memory_space<vmem>>, vector<1x16xi32>,
    }
    %scan3A_241 = arith.constant 8 : i32
    %dma_wait3A_242 = arith.constant 0 : i32
    %dma_wait3A_243 = arith.constant 0 : i32
    %dma_wait3A_244 = tpu.memref_slice %arg13[%dma_wait3A_242, %dma_wait3A_243] : memref<128x256xf32, #tpu.memory_space<vmem>> -> memref<128x256xf32, #tpu.memory_space<vmem>>
    %dma_wait3A_245 = arith.constant 0 : i32
    %dma_wait3A_246 = tpu.memref_slice %arg6[%select_n3A, %add3A_223, %dma_wait3A_245] : memref<8x5000x256xf32, #tpu.memory_space<hbm>> -> memref<1x128x256xf32, #tpu.memory_space<hbm>>
    %dma_wait3A_247 = tpu.memref_squeeze %dma_wait3A_246 : memref<1x128x256xf32, #tpu.memory_space<hbm>> -> memref<128x256xf32, #tpu.memory_space<hbm>>
    %dma_wait3A_248 = arith.constant 0 : i32
    %dma_wait3A_249 = tpu.memref_slice %arg6[%select_n3A, %add3A_223, %dma_wait3A_248] : memref<8x5000x256xf32, #tpu.memory_space<hbm>> -> memref<1x128x256xf32, #tpu.memory_space<hbm>>
    %dma_wait3A_250 = tpu.memref_squeeze %dma_wait3A_249 : memref<1x128x256xf32, #tpu.memory_space<hbm>> -> memref<128x256xf32, #tpu.memory_space<hbm>>
    %dma_wait3A_251 = arith.constant 0 : i32
    %dma_wait3A_252 = arith.constant 0 : i32
    %dma_wait3A_253 = tpu.memref_slice %arg13[%dma_wait3A_251, %dma_wait3A_252] : memref<128x256xf32, #tpu.memory_space<vmem>> -> memref<128x256xf32, #tpu.memory_space<vmem>>
    tpu.wait_dma2 semaphore(%arg20 : memref<!tpu.dma_semaphore, #tpu.memory_space<semaphore_mem>>) src(%dma_wait3A_253 : memref<128x256xf32, #tpu.memory_space<vmem>>) dst(%dma_wait3A_250 : memref<128x256xf32, #tpu.memory_space<hbm>>)
    %dma_start3A_254 = arith.constant 6 : i32
    %dma_start3A_255 = arith.constant 0 : i32
    %dma_start3A_256 = tpu.memref_slice %arg11[%dma_start3A_254, %dma_start3A_255] : memref<10x128xi32, #tpu.memory_space<vmem>> -> memref<1x128xi32, #tpu.memory_space<vmem>>
    %dma_start3A_257 = tpu.memref_squeeze %dma_start3A_256 : memref<1x128xi32, #tpu.memory_space<vmem>> -> memref<128xi32, #tpu.memory_space<vmem>>
    %dma_start3A_258 = arith.constant 0 : i32
    %dma_start3A_259 = arith.constant 0 : i32
    %dma_start3A_260 = tpu.memref_slice %arg5[%dma_start3A_258, %dma_start3A_259] : memref<1000x256xf32, #tpu.memory_space<hbm>> -> memref<1000x256xf32, #tpu.memory_space<hbm>>
    tpu.enqueue_indirect_dma source(%dma_start3A_260 : memref<1000x256xf32, #tpu.memory_space<hbm>>) target(%arg13 : memref<128x256xf32, #tpu.memory_space<vmem>>) offsets(%dma_start3A_257 : memref<128xi32, #tpu.memory_space<vmem>>) semaphore(%arg17 : memref<!tpu.dma_semaphore, #tpu.memory_space<semaphore_mem>>)
    %dma_wait3A_261 = arith.constant 4 : i32
    %dma_wait3A_262 = arith.constant 0 : i32
    %dma_wait3A_263 = tpu.memref_slice %arg11[%dma_wait3A_261, %dma_wait3A_262] : memref<10x128xi32, #tpu.memory_space<vmem>> -> memref<1x128xi32, #tpu.memory_space<vmem>>
    %dma_wait3A_264 = tpu.memref_squeeze %dma_wait3A_263 : memref<1x128xi32, #tpu.memory_space<vmem>> -> memref<128xi32, #tpu.memory_space<vmem>>
    %dma_wait3A_265 = arith.constant 0 : i32
    %dma_wait3A_266 = arith.constant 0 : i32
    %dma_wait3A_267 = tpu.memref_slice %arg5[%dma_wait3A_265, %dma_wait3A_266] : memref<1000x256xf32, #tpu.memory_space<hbm>> -> memref<1000x256xf32, #tpu.memory_space<hbm>>
    tpu.wait_indirect_dma semaphore(%arg18 : memref<!tpu.dma_semaphore, #tpu.memory_space<semaphore_mem>>) src(%dma_wait3A_267 : memref<1000x256xf32, #tpu.memory_space<hbm>>) dst(%arg14 : memref<128x256xf32, #tpu.memory_space<vmem>>)
    %add3A_268 = arith.constant 512 : i32
    %add3A_269 = arith.addi %mul3A_20, %add3A_268 : i32
    %dma_start3A_270 = arith.constant 0 : i32
    %dma_start3A_271 = arith.constant 0 : i32
    %dma_start3A_272 = tpu.memref_slice %arg14[%dma_start3A_270, %dma_start3A_271] : memref<128x256xf32, #tpu.memory_space<vmem>> -> memref<128x256xf32, #tpu.memory_space<vmem>>
    %dma_start3A_273 = arith.constant 0 : i32
    %dma_start3A_274 = tpu.memref_slice %arg6[%select_n3A, %add3A_269, %dma_start3A_273] : memref<8x5000x256xf32, #tpu.memory_space<hbm>> -> memref<1x128x256xf32, #tpu.memory_space<hbm>>
    %dma_start3A_275 = tpu.memref_squeeze %dma_start3A_274 : memref<1x128x256xf32, #tpu.memory_space<hbm>> -> memref<128x256xf32, #tpu.memory_space<hbm>>
    %dma_start3A_276 = arith.constant 0 : i32
    %dma_start3A_277 = tpu.memref_slice %arg6[%select_n3A, %add3A_269, %dma_start3A_276] : memref<8x5000x256xf32, #tpu.memory_space<hbm>> -> memref<1x128x256xf32, #tpu.memory_space<hbm>>
    %dma_start3A_278 = tpu.memref_squeeze %dma_start3A_277 : memref<1x128x256xf32, #tpu.memory_space<hbm>> -> memref<128x256xf32, #tpu.memory_space<hbm>>
    %dma_start3A_279 = arith.constant 0 : i32
    %dma_start3A_280 = arith.constant 0 : i32
    %dma_start3A_281 = tpu.memref_slice %arg14[%dma_start3A_279, %dma_start3A_280] : memref<128x256xf32, #tpu.memory_space<vmem>> -> memref<128x256xf32, #tpu.memory_space<vmem>>
    tpu.enqueue_dma source(%dma_start3A_281 : memref<128x256xf32, #tpu.memory_space<vmem>>) target(%dma_start3A_278 : memref<128x256xf32, #tpu.memory_space<hbm>>) target_semaphore(%arg21 : memref<!tpu.dma_semaphore, #tpu.memory_space<semaphore_mem>>)
    %scan3A_282 = arith.constant 0 : i32
    %scan3A_283 = arith.constant 0 : i32
    %scan3A_284 = arith.constant 8 : i32
    %scan3A_285 = arith.addi %scan3A_283, %scan3A_284 : i32
    %scan3A_286 = arith.constant 1 : i32
    scf.for %scan3A_502 = %scan3A_283 to %scan3A_285 step %scan3A_286  : i32 {
      %mul3A_503 = arith.constant 16 : i32
      %mul3A_504 = arith.muli %scan3A_502, %mul3A_503 : i32
      %add3A_505 = arith.constant 896 : i32
      %add3A_506 = arith.addi %add3A_505, %mul3A_504 : i32
      %add3A_507 = arith.addi %rem3A_25, %add3A_506 : i32
      %rem3A_508 = arith.constant 50 : i32
      %rem3A_509 = arith.remsi %add3A_507, %rem3A_508 : i32
      %get3A = arith.index_cast %rem3A_509 : i32 to index
      %get3A_510 = tpu.vector_load %arg8[%get3A] {strides = array<i32>} : memref<72xi32, #tpu.memory_space<vmem>>, vector<16xi32>,
      %get3A_511 = vector.shape_cast %get3A_510 : vector<16xi32> to vector<16xi32>
      %swap3A = arith.index_cast %add3A_506 : i32 to index
      %swap3A_512 = tpu.vector_load %arg12[%swap3A] {strides = array<i32>} : memref<1280xi32, #tpu.memory_space<vmem>>, vector<16xi32>,
      %swap3A_513 = vector.shape_cast %swap3A_512 : vector<16xi32> to vector<16xi32>
      %swap3A_514 = vector.shape_cast %get3A_511 : vector<16xi32> to vector<16xi32>
      tpu.vector_store %arg12[%swap3A], %swap3A_514 {strides = array<i32>} : memref<1280xi32, #tpu.memory_space<vmem>>, vector<16xi32>,
      %get3A_515 = arith.index_cast %add3A_506 : i32 to index
      %get3A_516 = tpu.vector_load %arg9[%get3A_515] {strides = array<i32>} : memref<1280xf32, #tpu.memory_space<vmem>>, vector<16xf32>,
      %get3A_517 = vector.shape_cast %get3A_516 : vector<16xf32> to vector<16xf32>
      %get3A_518 = arith.index_cast %add3A_506 : i32 to index
      %get3A_519 = tpu.vector_load %arg10[%get3A_518] {strides = array<i32>} : memref<1280xi32, #tpu.memory_space<vmem>>, vector<16xi32>,
      %get3A_520 = vector.shape_cast %get3A_519 : vector<16xi32> to vector<16xi32>
      %lt3A = arith.constant 5.000000e-01 : f32
      %lt3A_521 = vector.broadcast %lt3A : f32 to vector<16xf32>
      %lt3A_522 = arith.cmpf olt, %get3A_517, %lt3A_521 : vector<16xf32>
      %select_n3A_523 = arith.select %lt3A_522, %get3A_520, %get3A_511 : vector<16xi1>, vector<16xi32>
      %mul3A_524 = arith.constant 16 : i32
      %mul3A_525 = arith.muli %scan3A_502, %mul3A_524 : i32
      %swap3A_526 = arith.constant 7 : i32
      %swap3A_527 = arith.index_cast %swap3A_526 : i32 to index
      %swap3A_528 = arith.index_cast %mul3A_525 : i32 to index
      %swap3A_529 = tpu.vector_load %arg11[%swap3A_527, %swap3A_528] {strides = array<i32>} : memref<10x128xi32, #tpu.memory_space<vmem>>, vector<1x16xi32>,
      %swap3A_530 = vector.shape_cast %swap3A_529 : vector<1x16xi32> to vector<16xi32>
      %swap3A_531 = vector.shape_cast %select_n3A_523 : vector<16xi32> to vector<1x16xi32>
      tpu.vector_store %arg11[%swap3A_527, %swap3A_528], %swap3A_531 {strides = array<i32>} : memref<10x128xi32, #tpu.memory_space<vmem>>, vector<1x16xi32>,
    }
    %scan3A_287 = arith.constant 8 : i32
    %dma_wait3A_288 = arith.constant 0 : i32
    %dma_wait3A_289 = arith.constant 0 : i32
    %dma_wait3A_290 = tpu.memref_slice %arg14[%dma_wait3A_288, %dma_wait3A_289] : memref<128x256xf32, #tpu.memory_space<vmem>> -> memref<128x256xf32, #tpu.memory_space<vmem>>
    %dma_wait3A_291 = arith.constant 0 : i32
    %dma_wait3A_292 = tpu.memref_slice %arg6[%select_n3A, %add3A_269, %dma_wait3A_291] : memref<8x5000x256xf32, #tpu.memory_space<hbm>> -> memref<1x128x256xf32, #tpu.memory_space<hbm>>
    %dma_wait3A_293 = tpu.memref_squeeze %dma_wait3A_292 : memref<1x128x256xf32, #tpu.memory_space<hbm>> -> memref<128x256xf32, #tpu.memory_space<hbm>>
    %dma_wait3A_294 = arith.constant 0 : i32
    %dma_wait3A_295 = tpu.memref_slice %arg6[%select_n3A, %add3A_269, %dma_wait3A_294] : memref<8x5000x256xf32, #tpu.memory_space<hbm>> -> memref<1x128x256xf32, #tpu.memory_space<hbm>>
    %dma_wait3A_296 = tpu.memref_squeeze %dma_wait3A_295 : memref<1x128x256xf32, #tpu.memory_space<hbm>> -> memref<128x256xf32, #tpu.memory_space<hbm>>
    %dma_wait3A_297 = arith.constant 0 : i32
    %dma_wait3A_298 = arith.constant 0 : i32
    %dma_wait3A_299 = tpu.memref_slice %arg14[%dma_wait3A_297, %dma_wait3A_298] : memref<128x256xf32, #tpu.memory_space<vmem>> -> memref<128x256xf32, #tpu.memory_space<vmem>>
    tpu.wait_dma2 semaphore(%arg21 : memref<!tpu.dma_semaphore, #tpu.memory_space<semaphore_mem>>) src(%dma_wait3A_299 : memref<128x256xf32, #tpu.memory_space<vmem>>) dst(%dma_wait3A_296 : memref<128x256xf32, #tpu.memory_space<hbm>>)
    %dma_start3A_300 = arith.constant 7 : i32
    %dma_start3A_301 = arith.constant 0 : i32
    %dma_start3A_302 = tpu.memref_slice %arg11[%dma_start3A_300, %dma_start3A_301] : memref<10x128xi32, #tpu.memory_space<vmem>> -> memref<1x128xi32, #tpu.memory_space<vmem>>
    %dma_start3A_303 = tpu.memref_squeeze %dma_start3A_302 : memref<1x128xi32, #tpu.memory_space<vmem>> -> memref<128xi32, #tpu.memory_space<vmem>>
    %dma_start3A_304 = arith.constant 0 : i32
    %dma_start3A_305 = arith.constant 0 : i32
    %dma_start3A_306 = tpu.memref_slice %arg5[%dma_start3A_304, %dma_start3A_305] : memref<1000x256xf32, #tpu.memory_space<hbm>> -> memref<1000x256xf32, #tpu.memory_space<hbm>>
    tpu.enqueue_indirect_dma source(%dma_start3A_306 : memref<1000x256xf32, #tpu.memory_space<hbm>>) target(%arg14 : memref<128x256xf32, #tpu.memory_space<vmem>>) offsets(%dma_start3A_303 : memref<128xi32, #tpu.memory_space<vmem>>) semaphore(%arg18 : memref<!tpu.dma_semaphore, #tpu.memory_space<semaphore_mem>>)
    %dma_wait3A_307 = arith.constant 5 : i32
    %dma_wait3A_308 = arith.constant 0 : i32
    %dma_wait3A_309 = tpu.memref_slice %arg11[%dma_wait3A_307, %dma_wait3A_308] : memref<10x128xi32, #tpu.memory_space<vmem>> -> memref<1x128xi32, #tpu.memory_space<vmem>>
    %dma_wait3A_310 = tpu.memref_squeeze %dma_wait3A_309 : memref<1x128xi32, #tpu.memory_space<vmem>> -> memref<128xi32, #tpu.memory_space<vmem>>
    %dma_wait3A_311 = arith.constant 0 : i32
    %dma_wait3A_312 = arith.constant 0 : i32
    %dma_wait3A_313 = tpu.memref_slice %arg5[%dma_wait3A_311, %dma_wait3A_312] : memref<1000x256xf32, #tpu.memory_space<hbm>> -> memref<1000x256xf32, #tpu.memory_space<hbm>>
    tpu.wait_indirect_dma semaphore(%arg19 : memref<!tpu.dma_semaphore, #tpu.memory_space<semaphore_mem>>) src(%dma_wait3A_313 : memref<1000x256xf32, #tpu.memory_space<hbm>>) dst(%arg15 : memref<128x256xf32, #tpu.memory_space<vmem>>)
    %add3A_314 = arith.constant 640 : i32
    %add3A_315 = arith.addi %mul3A_20, %add3A_314 : i32
    %dma_start3A_316 = arith.constant 0 : i32
    %dma_start3A_317 = arith.constant 0 : i32
    %dma_start3A_318 = tpu.memref_slice %arg15[%dma_start3A_316, %dma_start3A_317] : memref<128x256xf32, #tpu.memory_space<vmem>> -> memref<128x256xf32, #tpu.memory_space<vmem>>
    %dma_start3A_319 = arith.constant 0 : i32
    %dma_start3A_320 = tpu.memref_slice %arg6[%select_n3A, %add3A_315, %dma_start3A_319] : memref<8x5000x256xf32, #tpu.memory_space<hbm>> -> memref<1x128x256xf32, #tpu.memory_space<hbm>>
    %dma_start3A_321 = tpu.memref_squeeze %dma_start3A_320 : memref<1x128x256xf32, #tpu.memory_space<hbm>> -> memref<128x256xf32, #tpu.memory_space<hbm>>
    %dma_start3A_322 = arith.constant 0 : i32
    %dma_start3A_323 = tpu.memref_slice %arg6[%select_n3A, %add3A_315, %dma_start3A_322] : memref<8x5000x256xf32, #tpu.memory_space<hbm>> -> memref<1x128x256xf32, #tpu.memory_space<hbm>>
    %dma_start3A_324 = tpu.memref_squeeze %dma_start3A_323 : memref<1x128x256xf32, #tpu.memory_space<hbm>> -> memref<128x256xf32, #tpu.memory_space<hbm>>
    %dma_start3A_325 = arith.constant 0 : i32
    %dma_start3A_326 = arith.constant 0 : i32
    %dma_start3A_327 = tpu.memref_slice %arg15[%dma_start3A_325, %dma_start3A_326] : memref<128x256xf32, #tpu.memory_space<vmem>> -> memref<128x256xf32, #tpu.memory_space<vmem>>
    tpu.enqueue_dma source(%dma_start3A_327 : memref<128x256xf32, #tpu.memory_space<vmem>>) target(%dma_start3A_324 : memref<128x256xf32, #tpu.memory_space<hbm>>) target_semaphore(%arg22 : memref<!tpu.dma_semaphore, #tpu.memory_space<semaphore_mem>>)
    %scan3A_328 = arith.constant 0 : i32
    %scan3A_329 = arith.constant 0 : i32
    %scan3A_330 = arith.constant 8 : i32
    %scan3A_331 = arith.addi %scan3A_329, %scan3A_330 : i32
    %scan3A_332 = arith.constant 1 : i32
    scf.for %scan3A_502 = %scan3A_329 to %scan3A_331 step %scan3A_332  : i32 {
      %mul3A_503 = arith.constant 16 : i32
      %mul3A_504 = arith.muli %scan3A_502, %mul3A_503 : i32
      %add3A_505 = arith.constant 1024 : i32
      %add3A_506 = arith.addi %add3A_505, %mul3A_504 : i32
      %add3A_507 = arith.addi %rem3A_25, %add3A_506 : i32
      %rem3A_508 = arith.constant 50 : i32
      %rem3A_509 = arith.remsi %add3A_507, %rem3A_508 : i32
      %get3A = arith.index_cast %rem3A_509 : i32 to index
      %get3A_510 = tpu.vector_load %arg8[%get3A] {strides = array<i32>} : memref<72xi32, #tpu.memory_space<vmem>>, vector<16xi32>,
      %get3A_511 = vector.shape_cast %get3A_510 : vector<16xi32> to vector<16xi32>
      %swap3A = arith.index_cast %add3A_506 : i32 to index
      %swap3A_512 = tpu.vector_load %arg12[%swap3A] {strides = array<i32>} : memref<1280xi32, #tpu.memory_space<vmem>>, vector<16xi32>,
      %swap3A_513 = vector.shape_cast %swap3A_512 : vector<16xi32> to vector<16xi32>
      %swap3A_514 = vector.shape_cast %get3A_511 : vector<16xi32> to vector<16xi32>
      tpu.vector_store %arg12[%swap3A], %swap3A_514 {strides = array<i32>} : memref<1280xi32, #tpu.memory_space<vmem>>, vector<16xi32>,
      %get3A_515 = arith.index_cast %add3A_506 : i32 to index
      %get3A_516 = tpu.vector_load %arg9[%get3A_515] {strides = array<i32>} : memref<1280xf32, #tpu.memory_space<vmem>>, vector<16xf32>,
      %get3A_517 = vector.shape_cast %get3A_516 : vector<16xf32> to vector<16xf32>
      %get3A_518 = arith.index_cast %add3A_506 : i32 to index
      %get3A_519 = tpu.vector_load %arg10[%get3A_518] {strides = array<i32>} : memref<1280xi32, #tpu.memory_space<vmem>>, vector<16xi32>,
      %get3A_520 = vector.shape_cast %get3A_519 : vector<16xi32> to vector<16xi32>
      %lt3A = arith.constant 5.000000e-01 : f32
      %lt3A_521 = vector.broadcast %lt3A : f32 to vector<16xf32>
      %lt3A_522 = arith.cmpf olt, %get3A_517, %lt3A_521 : vector<16xf32>
      %select_n3A_523 = arith.select %lt3A_522, %get3A_520, %get3A_511 : vector<16xi1>, vector<16xi32>
      %mul3A_524 = arith.constant 16 : i32
      %mul3A_525 = arith.muli %scan3A_502, %mul3A_524 : i32
      %swap3A_526 = arith.constant 8 : i32
      %swap3A_527 = arith.index_cast %swap3A_526 : i32 to index
      %swap3A_528 = arith.index_cast %mul3A_525 : i32 to index
      %swap3A_529 = tpu.vector_load %arg11[%swap3A_527, %swap3A_528] {strides = array<i32>} : memref<10x128xi32, #tpu.memory_space<vmem>>, vector<1x16xi32>,
      %swap3A_530 = vector.shape_cast %swap3A_529 : vector<1x16xi32> to vector<16xi32>
      %swap3A_531 = vector.shape_cast %select_n3A_523 : vector<16xi32> to vector<1x16xi32>
      tpu.vector_store %arg11[%swap3A_527, %swap3A_528], %swap3A_531 {strides = array<i32>} : memref<10x128xi32, #tpu.memory_space<vmem>>, vector<1x16xi32>,
    }
    %scan3A_333 = arith.constant 8 : i32
    %dma_wait3A_334 = arith.constant 0 : i32
    %dma_wait3A_335 = arith.constant 0 : i32
    %dma_wait3A_336 = tpu.memref_slice %arg15[%dma_wait3A_334, %dma_wait3A_335] : memref<128x256xf32, #tpu.memory_space<vmem>> -> memref<128x256xf32, #tpu.memory_space<vmem>>
    %dma_wait3A_337 = arith.constant 0 : i32
    %dma_wait3A_338 = tpu.memref_slice %arg6[%select_n3A, %add3A_315, %dma_wait3A_337] : memref<8x5000x256xf32, #tpu.memory_space<hbm>> -> memref<1x128x256xf32, #tpu.memory_space<hbm>>
    %dma_wait3A_339 = tpu.memref_squeeze %dma_wait3A_338 : memref<1x128x256xf32, #tpu.memory_space<hbm>> -> memref<128x256xf32, #tpu.memory_space<hbm>>
    %dma_wait3A_340 = arith.constant 0 : i32
    %dma_wait3A_341 = tpu.memref_slice %arg6[%select_n3A, %add3A_315, %dma_wait3A_340] : memref<8x5000x256xf32, #tpu.memory_space<hbm>> -> memref<1x128x256xf32, #tpu.memory_space<hbm>>
    %dma_wait3A_342 = tpu.memref_squeeze %dma_wait3A_341 : memref<1x128x256xf32, #tpu.memory_space<hbm>> -> memref<128x256xf32, #tpu.memory_space<hbm>>
    %dma_wait3A_343 = arith.constant 0 : i32
    %dma_wait3A_344 = arith.constant 0 : i32
    %dma_wait3A_345 = tpu.memref_slice %arg15[%dma_wait3A_343, %dma_wait3A_344] : memref<128x256xf32, #tpu.memory_space<vmem>> -> memref<128x256xf32, #tpu.memory_space<vmem>>
    tpu.wait_dma2 semaphore(%arg22 : memref<!tpu.dma_semaphore, #tpu.memory_space<semaphore_mem>>) src(%dma_wait3A_345 : memref<128x256xf32, #tpu.memory_space<vmem>>) dst(%dma_wait3A_342 : memref<128x256xf32, #tpu.memory_space<hbm>>)
    %dma_start3A_346 = arith.constant 8 : i32
    %dma_start3A_347 = arith.constant 0 : i32
    %dma_start3A_348 = tpu.memref_slice %arg11[%dma_start3A_346, %dma_start3A_347] : memref<10x128xi32, #tpu.memory_space<vmem>> -> memref<1x128xi32, #tpu.memory_space<vmem>>
    %dma_start3A_349 = tpu.memref_squeeze %dma_start3A_348 : memref<1x128xi32, #tpu.memory_space<vmem>> -> memref<128xi32, #tpu.memory_space<vmem>>
    %dma_start3A_350 = arith.constant 0 : i32
    %dma_start3A_351 = arith.constant 0 : i32
    %dma_start3A_352 = tpu.memref_slice %arg5[%dma_start3A_350, %dma_start3A_351] : memref<1000x256xf32, #tpu.memory_space<hbm>> -> memref<1000x256xf32, #tpu.memory_space<hbm>>
    tpu.enqueue_indirect_dma source(%dma_start3A_352 : memref<1000x256xf32, #tpu.memory_space<hbm>>) target(%arg15 : memref<128x256xf32, #tpu.memory_space<vmem>>) offsets(%dma_start3A_349 : memref<128xi32, #tpu.memory_space<vmem>>) semaphore(%arg19 : memref<!tpu.dma_semaphore, #tpu.memory_space<semaphore_mem>>)
    %dma_wait3A_353 = arith.constant 6 : i32
    %dma_wait3A_354 = arith.constant 0 : i32
    %dma_wait3A_355 = tpu.memref_slice %arg11[%dma_wait3A_353, %dma_wait3A_354] : memref<10x128xi32, #tpu.memory_space<vmem>> -> memref<1x128xi32, #tpu.memory_space<vmem>>
    %dma_wait3A_356 = tpu.memref_squeeze %dma_wait3A_355 : memref<1x128xi32, #tpu.memory_space<vmem>> -> memref<128xi32, #tpu.memory_space<vmem>>
    %dma_wait3A_357 = arith.constant 0 : i32
    %dma_wait3A_358 = arith.constant 0 : i32
    %dma_wait3A_359 = tpu.memref_slice %arg5[%dma_wait3A_357, %dma_wait3A_358] : memref<1000x256xf32, #tpu.memory_space<hbm>> -> memref<1000x256xf32, #tpu.memory_space<hbm>>
    tpu.wait_indirect_dma semaphore(%arg17 : memref<!tpu.dma_semaphore, #tpu.memory_space<semaphore_mem>>) src(%dma_wait3A_359 : memref<1000x256xf32, #tpu.memory_space<hbm>>) dst(%arg13 : memref<128x256xf32, #tpu.memory_space<vmem>>)
    %add3A_360 = arith.constant 768 : i32
    %add3A_361 = arith.addi %mul3A_20, %add3A_360 : i32
    %dma_start3A_362 = arith.constant 0 : i32
    %dma_start3A_363 = arith.constant 0 : i32
    %dma_start3A_364 = tpu.memref_slice %arg13[%dma_start3A_362, %dma_start3A_363] : memref<128x256xf32, #tpu.memory_space<vmem>> -> memref<128x256xf32, #tpu.memory_space<vmem>>
    %dma_start3A_365 = arith.constant 0 : i32
    %dma_start3A_366 = tpu.memref_slice %arg6[%select_n3A, %add3A_361, %dma_start3A_365] : memref<8x5000x256xf32, #tpu.memory_space<hbm>> -> memref<1x128x256xf32, #tpu.memory_space<hbm>>
    %dma_start3A_367 = tpu.memref_squeeze %dma_start3A_366 : memref<1x128x256xf32, #tpu.memory_space<hbm>> -> memref<128x256xf32, #tpu.memory_space<hbm>>
    %dma_start3A_368 = arith.constant 0 : i32
    %dma_start3A_369 = tpu.memref_slice %arg6[%select_n3A, %add3A_361, %dma_start3A_368] : memref<8x5000x256xf32, #tpu.memory_space<hbm>> -> memref<1x128x256xf32, #tpu.memory_space<hbm>>
    %dma_start3A_370 = tpu.memref_squeeze %dma_start3A_369 : memref<1x128x256xf32, #tpu.memory_space<hbm>> -> memref<128x256xf32, #tpu.memory_space<hbm>>
    %dma_start3A_371 = arith.constant 0 : i32
    %dma_start3A_372 = arith.constant 0 : i32
    %dma_start3A_373 = tpu.memref_slice %arg13[%dma_start3A_371, %dma_start3A_372] : memref<128x256xf32, #tpu.memory_space<vmem>> -> memref<128x256xf32, #tpu.memory_space<vmem>>
    tpu.enqueue_dma source(%dma_start3A_373 : memref<128x256xf32, #tpu.memory_space<vmem>>) target(%dma_start3A_370 : memref<128x256xf32, #tpu.memory_space<hbm>>) target_semaphore(%arg20 : memref<!tpu.dma_semaphore, #tpu.memory_space<semaphore_mem>>)
    %scan3A_374 = arith.constant 0 : i32
    %scan3A_375 = arith.constant 0 : i32
    %scan3A_376 = arith.constant 8 : i32
    %scan3A_377 = arith.addi %scan3A_375, %scan3A_376 : i32
    %scan3A_378 = arith.constant 1 : i32
    scf.for %scan3A_502 = %scan3A_375 to %scan3A_377 step %scan3A_378  : i32 {
      %mul3A_503 = arith.constant 16 : i32
      %mul3A_504 = arith.muli %scan3A_502, %mul3A_503 : i32
      %add3A_505 = arith.constant 1152 : i32
      %add3A_506 = arith.addi %add3A_505, %mul3A_504 : i32
      %add3A_507 = arith.addi %rem3A_25, %add3A_506 : i32
      %rem3A_508 = arith.constant 50 : i32
      %rem3A_509 = arith.remsi %add3A_507, %rem3A_508 : i32
      %get3A = arith.index_cast %rem3A_509 : i32 to index
      %get3A_510 = tpu.vector_load %arg8[%get3A] {strides = array<i32>} : memref<72xi32, #tpu.memory_space<vmem>>, vector<16xi32>,
      %get3A_511 = vector.shape_cast %get3A_510 : vector<16xi32> to vector<16xi32>
      %swap3A = arith.index_cast %add3A_506 : i32 to index
      %swap3A_512 = tpu.vector_load %arg12[%swap3A] {strides = array<i32>} : memref<1280xi32, #tpu.memory_space<vmem>>, vector<16xi32>,
      %swap3A_513 = vector.shape_cast %swap3A_512 : vector<16xi32> to vector<16xi32>
      %swap3A_514 = vector.shape_cast %get3A_511 : vector<16xi32> to vector<16xi32>
      tpu.vector_store %arg12[%swap3A], %swap3A_514 {strides = array<i32>} : memref<1280xi32, #tpu.memory_space<vmem>>, vector<16xi32>,
      %get3A_515 = arith.index_cast %add3A_506 : i32 to index
      %get3A_516 = tpu.vector_load %arg9[%get3A_515] {strides = array<i32>} : memref<1280xf32, #tpu.memory_space<vmem>>, vector<16xf32>,
      %get3A_517 = vector.shape_cast %get3A_516 : vector<16xf32> to vector<16xf32>
      %get3A_518 = arith.index_cast %add3A_506 : i32 to index
      %get3A_519 = tpu.vector_load %arg10[%get3A_518] {strides = array<i32>} : memref<1280xi32, #tpu.memory_space<vmem>>, vector<16xi32>,
      %get3A_520 = vector.shape_cast %get3A_519 : vector<16xi32> to vector<16xi32>
      %lt3A = arith.constant 5.000000e-01 : f32
      %lt3A_521 = vector.broadcast %lt3A : f32 to vector<16xf32>
      %lt3A_522 = arith.cmpf olt, %get3A_517, %lt3A_521 : vector<16xf32>
      %select_n3A_523 = arith.select %lt3A_522, %get3A_520, %get3A_511 : vector<16xi1>, vector<16xi32>
      %mul3A_524 = arith.constant 16 : i32
      %mul3A_525 = arith.muli %scan3A_502, %mul3A_524 : i32
      %swap3A_526 = arith.constant 9 : i32
      %swap3A_527 = arith.index_cast %swap3A_526 : i32 to index
      %swap3A_528 = arith.index_cast %mul3A_525 : i32 to index
      %swap3A_529 = tpu.vector_load %arg11[%swap3A_527, %swap3A_528] {strides = array<i32>} : memref<10x128xi32, #tpu.memory_space<vmem>>, vector<1x16xi32>,
      %swap3A_530 = vector.shape_cast %swap3A_529 : vector<1x16xi32> to vector<16xi32>
      %swap3A_531 = vector.shape_cast %select_n3A_523 : vector<16xi32> to vector<1x16xi32>
      tpu.vector_store %arg11[%swap3A_527, %swap3A_528], %swap3A_531 {strides = array<i32>} : memref<10x128xi32, #tpu.memory_space<vmem>>, vector<1x16xi32>,
    }
    %scan3A_379 = arith.constant 8 : i32
    %dma_wait3A_380 = arith.constant 0 : i32
    %dma_wait3A_381 = arith.constant 0 : i32
    %dma_wait3A_382 = tpu.memref_slice %arg13[%dma_wait3A_380, %dma_wait3A_381] : memref<128x256xf32, #tpu.memory_space<vmem>> -> memref<128x256xf32, #tpu.memory_space<vmem>>
    %dma_wait3A_383 = arith.constant 0 : i32
    %dma_wait3A_384 = tpu.memref_slice %arg6[%select_n3A, %add3A_361, %dma_wait3A_383] : memref<8x5000x256xf32, #tpu.memory_space<hbm>> -> memref<1x128x256xf32, #tpu.memory_space<hbm>>
    %dma_wait3A_385 = tpu.memref_squeeze %dma_wait3A_384 : memref<1x128x256xf32, #tpu.memory_space<hbm>> -> memref<128x256xf32, #tpu.memory_space<hbm>>
    %dma_wait3A_386 = arith.constant 0 : i32
    %dma_wait3A_387 = tpu.memref_slice %arg6[%select_n3A, %add3A_361, %dma_wait3A_386] : memref<8x5000x256xf32, #tpu.memory_space<hbm>> -> memref<1x128x256xf32, #tpu.memory_space<hbm>>
    %dma_wait3A_388 = tpu.memref_squeeze %dma_wait3A_387 : memref<1x128x256xf32, #tpu.memory_space<hbm>> -> memref<128x256xf32, #tpu.memory_space<hbm>>
    %dma_wait3A_389 = arith.constant 0 : i32
    %dma_wait3A_390 = arith.constant 0 : i32
    %dma_wait3A_391 = tpu.memref_slice %arg13[%dma_wait3A_389, %dma_wait3A_390] : memref<128x256xf32, #tpu.memory_space<vmem>> -> memref<128x256xf32, #tpu.memory_space<vmem>>
    tpu.wait_dma2 semaphore(%arg20 : memref<!tpu.dma_semaphore, #tpu.memory_space<semaphore_mem>>) src(%dma_wait3A_391 : memref<128x256xf32, #tpu.memory_space<vmem>>) dst(%dma_wait3A_388 : memref<128x256xf32, #tpu.memory_space<hbm>>)
    %dma_start3A_392 = arith.constant 9 : i32
    %dma_start3A_393 = arith.constant 0 : i32
    %dma_start3A_394 = tpu.memref_slice %arg11[%dma_start3A_392, %dma_start3A_393] : memref<10x128xi32, #tpu.memory_space<vmem>> -> memref<1x128xi32, #tpu.memory_space<vmem>>
    %dma_start3A_395 = tpu.memref_squeeze %dma_start3A_394 : memref<1x128xi32, #tpu.memory_space<vmem>> -> memref<128xi32, #tpu.memory_space<vmem>>
    %dma_start3A_396 = arith.constant 0 : i32
    %dma_start3A_397 = arith.constant 0 : i32
    %dma_start3A_398 = tpu.memref_slice %arg5[%dma_start3A_396, %dma_start3A_397] : memref<1000x256xf32, #tpu.memory_space<hbm>> -> memref<1000x256xf32, #tpu.memory_space<hbm>>
    tpu.enqueue_indirect_dma source(%dma_start3A_398 : memref<1000x256xf32, #tpu.memory_space<hbm>>) target(%arg13 : memref<128x256xf32, #tpu.memory_space<vmem>>) offsets(%dma_start3A_395 : memref<128xi32, #tpu.memory_space<vmem>>) semaphore(%arg17 : memref<!tpu.dma_semaphore, #tpu.memory_space<semaphore_mem>>)
    %dma_wait3A_399 = arith.constant 7 : i32
    %dma_wait3A_400 = arith.constant 0 : i32
    %dma_wait3A_401 = tpu.memref_slice %arg11[%dma_wait3A_399, %dma_wait3A_400] : memref<10x128xi32, #tpu.memory_space<vmem>> -> memref<1x128xi32, #tpu.memory_space<vmem>>
    %dma_wait3A_402 = tpu.memref_squeeze %dma_wait3A_401 : memref<1x128xi32, #tpu.memory_space<vmem>> -> memref<128xi32, #tpu.memory_space<vmem>>
    %dma_wait3A_403 = arith.constant 0 : i32
    %dma_wait3A_404 = arith.constant 0 : i32
    %dma_wait3A_405 = tpu.memref_slice %arg5[%dma_wait3A_403, %dma_wait3A_404] : memref<1000x256xf32, #tpu.memory_space<hbm>> -> memref<1000x256xf32, #tpu.memory_space<hbm>>
    tpu.wait_indirect_dma semaphore(%arg18 : memref<!tpu.dma_semaphore, #tpu.memory_space<semaphore_mem>>) src(%dma_wait3A_405 : memref<1000x256xf32, #tpu.memory_space<hbm>>) dst(%arg14 : memref<128x256xf32, #tpu.memory_space<vmem>>)
    %add3A_406 = arith.constant 896 : i32
    %add3A_407 = arith.addi %mul3A_20, %add3A_406 : i32
    %dma_start3A_408 = arith.constant 0 : i32
    %dma_start3A_409 = arith.constant 0 : i32
    %dma_start3A_410 = tpu.memref_slice %arg14[%dma_start3A_408, %dma_start3A_409] : memref<128x256xf32, #tpu.memory_space<vmem>> -> memref<128x256xf32, #tpu.memory_space<vmem>>
    %dma_start3A_411 = arith.constant 0 : i32
    %dma_start3A_412 = tpu.memref_slice %arg6[%select_n3A, %add3A_407, %dma_start3A_411] : memref<8x5000x256xf32, #tpu.memory_space<hbm>> -> memref<1x128x256xf32, #tpu.memory_space<hbm>>
    %dma_start3A_413 = tpu.memref_squeeze %dma_start3A_412 : memref<1x128x256xf32, #tpu.memory_space<hbm>> -> memref<128x256xf32, #tpu.memory_space<hbm>>
    %dma_start3A_414 = arith.constant 0 : i32
    %dma_start3A_415 = tpu.memref_slice %arg6[%select_n3A, %add3A_407, %dma_start3A_414] : memref<8x5000x256xf32, #tpu.memory_space<hbm>> -> memref<1x128x256xf32, #tpu.memory_space<hbm>>
    %dma_start3A_416 = tpu.memref_squeeze %dma_start3A_415 : memref<1x128x256xf32, #tpu.memory_space<hbm>> -> memref<128x256xf32, #tpu.memory_space<hbm>>
    %dma_start3A_417 = arith.constant 0 : i32
    %dma_start3A_418 = arith.constant 0 : i32
    %dma_start3A_419 = tpu.memref_slice %arg14[%dma_start3A_417, %dma_start3A_418] : memref<128x256xf32, #tpu.memory_space<vmem>> -> memref<128x256xf32, #tpu.memory_space<vmem>>
    tpu.enqueue_dma source(%dma_start3A_419 : memref<128x256xf32, #tpu.memory_space<vmem>>) target(%dma_start3A_416 : memref<128x256xf32, #tpu.memory_space<hbm>>) target_semaphore(%arg21 : memref<!tpu.dma_semaphore, #tpu.memory_space<semaphore_mem>>)
    %dma_wait3A_420 = arith.constant 8 : i32
    %dma_wait3A_421 = arith.constant 0 : i32
    %dma_wait3A_422 = tpu.memref_slice %arg11[%dma_wait3A_420, %dma_wait3A_421] : memref<10x128xi32, #tpu.memory_space<vmem>> -> memref<1x128xi32, #tpu.memory_space<vmem>>
    %dma_wait3A_423 = tpu.memref_squeeze %dma_wait3A_422 : memref<1x128xi32, #tpu.memory_space<vmem>> -> memref<128xi32, #tpu.memory_space<vmem>>
    %dma_wait3A_424 = arith.constant 0 : i32
    %dma_wait3A_425 = arith.constant 0 : i32
    %dma_wait3A_426 = tpu.memref_slice %arg5[%dma_wait3A_424, %dma_wait3A_425] : memref<1000x256xf32, #tpu.memory_space<hbm>> -> memref<1000x256xf32, #tpu.memory_space<hbm>>
    tpu.wait_indirect_dma semaphore(%arg19 : memref<!tpu.dma_semaphore, #tpu.memory_space<semaphore_mem>>) src(%dma_wait3A_426 : memref<1000x256xf32, #tpu.memory_space<hbm>>) dst(%arg15 : memref<128x256xf32, #tpu.memory_space<vmem>>)
    %add3A_427 = arith.constant 1024 : i32
    %add3A_428 = arith.addi %mul3A_20, %add3A_427 : i32
    %dma_start3A_429 = arith.constant 0 : i32
    %dma_start3A_430 = arith.constant 0 : i32
    %dma_start3A_431 = tpu.memref_slice %arg15[%dma_start3A_429, %dma_start3A_430] : memref<128x256xf32, #tpu.memory_space<vmem>> -> memref<128x256xf32, #tpu.memory_space<vmem>>
    %dma_start3A_432 = arith.constant 0 : i32
    %dma_start3A_433 = tpu.memref_slice %arg6[%select_n3A, %add3A_428, %dma_start3A_432] : memref<8x5000x256xf32, #tpu.memory_space<hbm>> -> memref<1x128x256xf32, #tpu.memory_space<hbm>>
    %dma_start3A_434 = tpu.memref_squeeze %dma_start3A_433 : memref<1x128x256xf32, #tpu.memory_space<hbm>> -> memref<128x256xf32, #tpu.memory_space<hbm>>
    %dma_start3A_435 = arith.constant 0 : i32
    %dma_start3A_436 = tpu.memref_slice %arg6[%select_n3A, %add3A_428, %dma_start3A_435] : memref<8x5000x256xf32, #tpu.memory_space<hbm>> -> memref<1x128x256xf32, #tpu.memory_space<hbm>>
    %dma_start3A_437 = tpu.memref_squeeze %dma_start3A_436 : memref<1x128x256xf32, #tpu.memory_space<hbm>> -> memref<128x256xf32, #tpu.memory_space<hbm>>
    %dma_start3A_438 = arith.constant 0 : i32
    %dma_start3A_439 = arith.constant 0 : i32
    %dma_start3A_440 = tpu.memref_slice %arg15[%dma_start3A_438, %dma_start3A_439] : memref<128x256xf32, #tpu.memory_space<vmem>> -> memref<128x256xf32, #tpu.memory_space<vmem>>
    tpu.enqueue_dma source(%dma_start3A_440 : memref<128x256xf32, #tpu.memory_space<vmem>>) target(%dma_start3A_437 : memref<128x256xf32, #tpu.memory_space<hbm>>) target_semaphore(%arg22 : memref<!tpu.dma_semaphore, #tpu.memory_space<semaphore_mem>>)
    %dma_wait3A_441 = arith.constant 9 : i32
    %dma_wait3A_442 = arith.constant 0 : i32
    %dma_wait3A_443 = tpu.memref_slice %arg11[%dma_wait3A_441, %dma_wait3A_442] : memref<10x128xi32, #tpu.memory_space<vmem>> -> memref<1x128xi32, #tpu.memory_space<vmem>>
    %dma_wait3A_444 = tpu.memref_squeeze %dma_wait3A_443 : memref<1x128xi32, #tpu.memory_space<vmem>> -> memref<128xi32, #tpu.memory_space<vmem>>
    %dma_wait3A_445 = arith.constant 0 : i32
    %dma_wait3A_446 = arith.constant 0 : i32
    %dma_wait3A_447 = tpu.memref_slice %arg5[%dma_wait3A_445, %dma_wait3A_446] : memref<1000x256xf32, #tpu.memory_space<hbm>> -> memref<1000x256xf32, #tpu.memory_space<hbm>>
    tpu.wait_indirect_dma semaphore(%arg17 : memref<!tpu.dma_semaphore, #tpu.memory_space<semaphore_mem>>) src(%dma_wait3A_447 : memref<1000x256xf32, #tpu.memory_space<hbm>>) dst(%arg13 : memref<128x256xf32, #tpu.memory_space<vmem>>)
    %add3A_448 = arith.constant 1152 : i32
    %add3A_449 = arith.addi %mul3A_20, %add3A_448 : i32
    %dma_start3A_450 = arith.constant 0 : i32
    %dma_start3A_451 = arith.constant 0 : i32
    %dma_start3A_452 = tpu.memref_slice %arg13[%dma_start3A_450, %dma_start3A_451] : memref<128x256xf32, #tpu.memory_space<vmem>> -> memref<96x256xf32, #tpu.memory_space<vmem>>
    %dma_start3A_453 = arith.constant 0 : i32
    %dma_start3A_454 = tpu.memref_slice %arg6[%select_n3A, %add3A_449, %dma_start3A_453] : memref<8x5000x256xf32, #tpu.memory_space<hbm>> -> memref<1x96x256xf32, #tpu.memory_space<hbm>>
    %dma_start3A_455 = tpu.memref_squeeze %dma_start3A_454 : memref<1x96x256xf32, #tpu.memory_space<hbm>> -> memref<96x256xf32, #tpu.memory_space<hbm>>
    %dma_start3A_456 = arith.constant 0 : i32
    %dma_start3A_457 = tpu.memref_slice %arg6[%select_n3A, %add3A_449, %dma_start3A_456] : memref<8x5000x256xf32, #tpu.memory_space<hbm>> -> memref<1x96x256xf32, #tpu.memory_space<hbm>>
    %dma_start3A_458 = tpu.memref_squeeze %dma_start3A_457 : memref<1x96x256xf32, #tpu.memory_space<hbm>> -> memref<96x256xf32, #tpu.memory_space<hbm>>
    %dma_start3A_459 = arith.constant 0 : i32
    %dma_start3A_460 = arith.constant 0 : i32
    %dma_start3A_461 = tpu.memref_slice %arg13[%dma_start3A_459, %dma_start3A_460] : memref<128x256xf32, #tpu.memory_space<vmem>> -> memref<96x256xf32, #tpu.memory_space<vmem>>
    tpu.enqueue_dma source(%dma_start3A_461 : memref<96x256xf32, #tpu.memory_space<vmem>>) target(%dma_start3A_458 : memref<96x256xf32, #tpu.memory_space<hbm>>) target_semaphore(%arg20 : memref<!tpu.dma_semaphore, #tpu.memory_space<semaphore_mem>>)
    %convert_element_type3A = arith.extui %eq3A_26 : i1 to i32
    %cond3A = arith.constant 0 : i32
    %cond3A_462 = arith.cmpi ne, %convert_element_type3A, %cond3A : i32
    scf.if %cond3A_462 {
      %add3A_502 = arith.constant 1152 : i32
      %add3A_503 = arith.addi %mul3A_20, %add3A_502 : i32
      %add3A_504 = arith.constant 96 : i32
      %add3A_505 = arith.addi %add3A_503, %add3A_504 : i32
      "tpu.region"() ({
        %run_scoped3A = tpu.sem_alloc : memref<!tpu.dma_semaphore, #tpu.memory_space<semaphore_mem>>
        %dma_start3A_506 = arith.constant 96 : i32
        %dma_start3A_507 = arith.constant 0 : i32
        %dma_start3A_508 = tpu.memref_slice %arg13[%dma_start3A_506, %dma_start3A_507] : memref<128x256xf32, #tpu.memory_space<vmem>> -> memref<8x256xf32, #tpu.memory_space<vmem>>
        %dma_start3A_509 = arith.constant 0 : i32
        %dma_start3A_510 = tpu.memref_slice %arg6[%select_n3A, %add3A_505, %dma_start3A_509] : memref<8x5000x256xf32, #tpu.memory_space<hbm>> -> memref<1x8x256xf32, #tpu.memory_space<hbm>>
        %dma_start3A_511 = tpu.memref_squeeze %dma_start3A_510 : memref<1x8x256xf32, #tpu.memory_space<hbm>> -> memref<8x256xf32, #tpu.memory_space<hbm>>
        %dma_start3A_512 = arith.constant 0 : i32
        %dma_start3A_513 = tpu.memref_slice %arg6[%select_n3A, %add3A_505, %dma_start3A_512] : memref<8x5000x256xf32, #tpu.memory_space<hbm>> -> memref<1x8x256xf32, #tpu.memory_space<hbm>>
        %dma_start3A_514 = tpu.memref_squeeze %dma_start3A_513 : memref<1x8x256xf32, #tpu.memory_space<hbm>> -> memref<8x256xf32, #tpu.memory_space<hbm>>
        %dma_start3A_515 = arith.constant 96 : i32
        %dma_start3A_516 = arith.constant 0 : i32
        %dma_start3A_517 = tpu.memref_slice %arg13[%dma_start3A_515, %dma_start3A_516] : memref<128x256xf32, #tpu.memory_space<vmem>> -> memref<8x256xf32, #tpu.memory_space<vmem>>
        tpu.enqueue_dma source(%dma_start3A_517 : memref<8x256xf32, #tpu.memory_space<vmem>>) target(%dma_start3A_514 : memref<8x256xf32, #tpu.memory_space<hbm>>) target_semaphore(%run_scoped3A : memref<!tpu.dma_semaphore, #tpu.memory_space<semaphore_mem>>)
        %dma_wait3A_518 = arith.constant 96 : i32
        %dma_wait3A_519 = arith.constant 0 : i32
        %dma_wait3A_520 = tpu.memref_slice %arg13[%dma_wait3A_518, %dma_wait3A_519] : memref<128x256xf32, #tpu.memory_space<vmem>> -> memref<8x256xf32, #tpu.memory_space<vmem>>
        %dma_wait3A_521 = arith.constant 0 : i32
        %dma_wait3A_522 = tpu.memref_slice %arg6[%select_n3A, %add3A_505, %dma_wait3A_521] : memref<8x5000x256xf32, #tpu.memory_space<hbm>> -> memref<1x8x256xf32, #tpu.memory_space<hbm>>
        %dma_wait3A_523 = tpu.memref_squeeze %dma_wait3A_522 : memref<1x8x256xf32, #tpu.memory_space<hbm>> -> memref<8x256xf32, #tpu.memory_space<hbm>>
        %dma_wait3A_524 = arith.constant 0 : i32
        %dma_wait3A_525 = tpu.memref_slice %arg6[%select_n3A, %add3A_505, %dma_wait3A_524] : memref<8x5000x256xf32, #tpu.memory_space<hbm>> -> memref<1x8x256xf32, #tpu.memory_space<hbm>>
        %dma_wait3A_526 = tpu.memref_squeeze %dma_wait3A_525 : memref<1x8x256xf32, #tpu.memory_space<hbm>> -> memref<8x256xf32, #tpu.memory_space<hbm>>
        %dma_wait3A_527 = arith.constant 96 : i32
        %dma_wait3A_528 = arith.constant 0 : i32
        %dma_wait3A_529 = tpu.memref_slice %arg13[%dma_wait3A_527, %dma_wait3A_528] : memref<128x256xf32, #tpu.memory_space<vmem>> -> memref<8x256xf32, #tpu.memory_space<vmem>>
        tpu.wait_dma2 semaphore(%run_scoped3A : memref<!tpu.dma_semaphore, #tpu.memory_space<semaphore_mem>>) src(%dma_wait3A_529 : memref<8x256xf32, #tpu.memory_space<vmem>>) dst(%dma_wait3A_526 : memref<8x256xf32, #tpu.memory_space<hbm>>)
        tpu.yield
      }) : () -> ()
    } else {
    }
    "tpu.region"() ({
      %run_scoped3A = tpu.sem_alloc : memref<!tpu.dma_semaphore, #tpu.memory_space<semaphore_mem>>
      %dma_start3A_502 = arith.constant 0 : i32
      %dma_start3A_503 = tpu.memref_slice %arg12[%dma_start3A_502] : memref<1280xi32, #tpu.memory_space<vmem>> -> memref<1248xi32, #tpu.memory_space<vmem>>
      %dma_start3A_504 = tpu.memref_slice %arg7[%add3A_23] : memref<40000xi32, #tpu.memory_space<hbm>> -> memref<1248xi32, #tpu.memory_space<hbm>>
      %dma_start3A_505 = tpu.memref_slice %arg7[%add3A_23] : memref<40000xi32, #tpu.memory_space<hbm>> -> memref<1248xi32, #tpu.memory_space<hbm>>
      %dma_start3A_506 = arith.constant 0 : i32
      %dma_start3A_507 = tpu.memref_slice %arg12[%dma_start3A_506] : memref<1280xi32, #tpu.memory_space<vmem>> -> memref<1248xi32, #tpu.memory_space<vmem>>
      tpu.enqueue_dma source(%dma_start3A_507 : memref<1248xi32, #tpu.memory_space<vmem>>) target(%dma_start3A_505 : memref<1248xi32, #tpu.memory_space<hbm>>) target_semaphore(%run_scoped3A : memref<!tpu.dma_semaphore, #tpu.memory_space<semaphore_mem>>)
      %dma_wait3A_508 = arith.constant 0 : i32
      %dma_wait3A_509 = tpu.memref_slice %arg12[%dma_wait3A_508] : memref<1280xi32, #tpu.memory_space<vmem>> -> memref<1248xi32, #tpu.memory_space<vmem>>
      %dma_wait3A_510 = tpu.memref_slice %arg7[%add3A_23] : memref<40000xi32, #tpu.memory_space<hbm>> -> memref<1248xi32, #tpu.memory_space<hbm>>
      %dma_wait3A_511 = tpu.memref_slice %arg7[%add3A_23] : memref<40000xi32, #tpu.memory_space<hbm>> -> memref<1248xi32, #tpu.memory_space<hbm>>
      %dma_wait3A_512 = arith.constant 0 : i32
      %dma_wait3A_513 = tpu.memref_slice %arg12[%dma_wait3A_512] : memref<1280xi32, #tpu.memory_space<vmem>> -> memref<1248xi32, #tpu.memory_space<vmem>>
      tpu.wait_dma2 semaphore(%run_scoped3A : memref<!tpu.dma_semaphore, #tpu.memory_space<semaphore_mem>>) src(%dma_wait3A_513 : memref<1248xi32, #tpu.memory_space<vmem>>) dst(%dma_wait3A_511 : memref<1248xi32, #tpu.memory_space<hbm>>)
      tpu.yield
    }) : () -> ()
    %convert_element_type3A_463 = arith.extui %eq3A_26 : i1 to i32
    %cond3A_464 = arith.constant 0 : i32
    %cond3A_465 = arith.cmpi ne, %convert_element_type3A_463, %cond3A_464 : i32
    scf.if %cond3A_465 {
      %add3A_502 = arith.constant 1248 : i32
      %add3A_503 = arith.addi %add3A_23, %add3A_502 : i32
      "tpu.region"() ({
        %run_scoped3A = tpu.sem_alloc : memref<!tpu.dma_semaphore, #tpu.memory_space<semaphore_mem>>
        %dma_start3A_504 = arith.constant 1248 : i32
        %dma_start3A_505 = tpu.memref_slice %arg12[%dma_start3A_504] : memref<1280xi32, #tpu.memory_space<vmem>> -> memref<8xi32, #tpu.memory_space<vmem>>
        %dma_start3A_506 = tpu.memref_slice %arg7[%add3A_503] : memref<40000xi32, #tpu.memory_space<hbm>> -> memref<8xi32, #tpu.memory_space<hbm>>
        %dma_start3A_507 = tpu.memref_slice %arg7[%add3A_503] : memref<40000xi32, #tpu.memory_space<hbm>> -> memref<8xi32, #tpu.memory_space<hbm>>
        %dma_start3A_508 = arith.constant 1248 : i32
        %dma_start3A_509 = tpu.memref_slice %arg12[%dma_start3A_508] : memref<1280xi32, #tpu.memory_space<vmem>> -> memref<8xi32, #tpu.memory_space<vmem>>
        tpu.enqueue_dma source(%dma_start3A_509 : memref<8xi32, #tpu.memory_space<vmem>>) target(%dma_start3A_507 : memref<8xi32, #tpu.memory_space<hbm>>) target_semaphore(%run_scoped3A : memref<!tpu.dma_semaphore, #tpu.memory_space<semaphore_mem>>)
        %dma_wait3A_510 = arith.constant 1248 : i32
        %dma_wait3A_511 = tpu.memref_slice %arg12[%dma_wait3A_510] : memref<1280xi32, #tpu.memory_space<vmem>> -> memref<8xi32, #tpu.memory_space<vmem>>
        %dma_wait3A_512 = tpu.memref_slice %arg7[%add3A_503] : memref<40000xi32, #tpu.memory_space<hbm>> -> memref<8xi32, #tpu.memory_space<hbm>>
        %dma_wait3A_513 = tpu.memref_slice %arg7[%add3A_503] : memref<40000xi32, #tpu.memory_space<hbm>> -> memref<8xi32, #tpu.memory_space<hbm>>
        %dma_wait3A_514 = arith.constant 1248 : i32
        %dma_wait3A_515 = tpu.memref_slice %arg12[%dma_wait3A_514] : memref<1280xi32, #tpu.memory_space<vmem>> -> memref<8xi32, #tpu.memory_space<vmem>>
        tpu.wait_dma2 semaphore(%run_scoped3A : memref<!tpu.dma_semaphore, #tpu.memory_space<semaphore_mem>>) src(%dma_wait3A_515 : memref<8xi32, #tpu.memory_space<vmem>>) dst(%dma_wait3A_513 : memref<8xi32, #tpu.memory_space<hbm>>)
        tpu.yield
      }) : () -> ()
    } else {
    }
    %dma_wait3A_466 = arith.constant 0 : i32
    %dma_wait3A_467 = arith.constant 0 : i32
    %dma_wait3A_468 = tpu.memref_slice %arg13[%dma_wait3A_466, %dma_wait3A_467] : memref<128x256xf32, #tpu.memory_space<vmem>> -> memref<96x256xf32, #tpu.memory_space<vmem>>
    %dma_wait3A_469 = arith.constant 0 : i32
    %dma_wait3A_470 = tpu.memref_slice %arg6[%select_n3A, %add3A_449, %dma_wait3A_469] : memref<8x5000x256xf32, #tpu.memory_space<hbm>> -> memref<1x96x256xf32, #tpu.memory_space<hbm>>
    %dma_wait3A_471 = tpu.memref_squeeze %dma_wait3A_470 : memref<1x96x256xf32, #tpu.memory_space<hbm>> -> memref<96x256xf32, #tpu.memory_space<hbm>>
    %dma_wait3A_472 = arith.constant 0 : i32
    %dma_wait3A_473 = tpu.memref_slice %arg6[%select_n3A, %add3A_449, %dma_wait3A_472] : memref<8x5000x256xf32, #tpu.memory_space<hbm>> -> memref<1x96x256xf32, #tpu.memory_space<hbm>>
    %dma_wait3A_474 = tpu.memref_squeeze %dma_wait3A_473 : memref<1x96x256xf32, #tpu.memory_space<hbm>> -> memref<96x256xf32, #tpu.memory_space<hbm>>
    %dma_wait3A_475 = arith.constant 0 : i32
    %dma_wait3A_476 = arith.constant 0 : i32
    %dma_wait3A_477 = tpu.memref_slice %arg13[%dma_wait3A_475, %dma_wait3A_476] : memref<128x256xf32, #tpu.memory_space<vmem>> -> memref<96x256xf32, #tpu.memory_space<vmem>>
    tpu.wait_dma2 semaphore(%arg20 : memref<!tpu.dma_semaphore, #tpu.memory_space<semaphore_mem>>) src(%dma_wait3A_477 : memref<96x256xf32, #tpu.memory_space<vmem>>) dst(%dma_wait3A_474 : memref<96x256xf32, #tpu.memory_space<hbm>>)
    %dma_wait3A_478 = arith.constant 0 : i32
    %dma_wait3A_479 = arith.constant 0 : i32
    %dma_wait3A_480 = tpu.memref_slice %arg14[%dma_wait3A_478, %dma_wait3A_479] : memref<128x256xf32, #tpu.memory_space<vmem>> -> memref<128x256xf32, #tpu.memory_space<vmem>>
    %dma_wait3A_481 = arith.constant 0 : i32
    %dma_wait3A_482 = tpu.memref_slice %arg6[%select_n3A, %add3A_407, %dma_wait3A_481] : memref<8x5000x256xf32, #tpu.memory_space<hbm>> -> memref<1x128x256xf32, #tpu.memory_space<hbm>>
    %dma_wait3A_483 = tpu.memref_squeeze %dma_wait3A_482 : memref<1x128x256xf32, #tpu.memory_space<hbm>> -> memref<128x256xf32, #tpu.memory_space<hbm>>
    %dma_wait3A_484 = arith.constant 0 : i32
    %dma_wait3A_485 = tpu.memref_slice %arg6[%select_n3A, %add3A_407, %dma_wait3A_484] : memref<8x5000x256xf32, #tpu.memory_space<hbm>> -> memref<1x128x256xf32, #tpu.memory_space<hbm>>
    %dma_wait3A_486 = tpu.memref_squeeze %dma_wait3A_485 : memref<1x128x256xf32, #tpu.memory_space<hbm>> -> memref<128x256xf32, #tpu.memory_space<hbm>>
    %dma_wait3A_487 = arith.constant 0 : i32
    %dma_wait3A_488 = arith.constant 0 : i32
    %dma_wait3A_489 = tpu.memref_slice %arg14[%dma_wait3A_487, %dma_wait3A_488] : memref<128x256xf32, #tpu.memory_space<vmem>> -> memref<128x256xf32, #tpu.memory_space<vmem>>
    tpu.wait_dma2 semaphore(%arg21 : memref<!tpu.dma_semaphore, #tpu.memory_space<semaphore_mem>>) src(%dma_wait3A_489 : memref<128x256xf32, #tpu.memory_space<vmem>>) dst(%dma_wait3A_486 : memref<128x256xf32, #tpu.memory_space<hbm>>)
    %dma_wait3A_490 = arith.constant 0 : i32
    %dma_wait3A_491 = arith.constant 0 : i32
    %dma_wait3A_492 = tpu.memref_slice %arg15[%dma_wait3A_490, %dma_wait3A_491] : memref<128x256xf32, #tpu.memory_space<vmem>> -> memref<128x256xf32, #tpu.memory_space<vmem>>
    %dma_wait3A_493 = arith.constant 0 : i32
    %dma_wait3A_494 = tpu.memref_slice %arg6[%select_n3A, %add3A_428, %dma_wait3A_493] : memref<8x5000x256xf32, #tpu.memory_space<hbm>> -> memref<1x128x256xf32, #tpu.memory_space<hbm>>
    %dma_wait3A_495 = tpu.memref_squeeze %dma_wait3A_494 : memref<1x128x256xf32, #tpu.memory_space<hbm>> -> memref<128x256xf32, #tpu.memory_space<hbm>>
    %dma_wait3A_496 = arith.constant 0 : i32
    %dma_wait3A_497 = tpu.memref_slice %arg6[%select_n3A, %add3A_428, %dma_wait3A_496] : memref<8x5000x256xf32, #tpu.memory_space<hbm>> -> memref<1x128x256xf32, #tpu.memory_space<hbm>>
    %dma_wait3A_498 = tpu.memref_squeeze %dma_wait3A_497 : memref<1x128x256xf32, #tpu.memory_space<hbm>> -> memref<128x256xf32, #tpu.memory_space<hbm>>
    %dma_wait3A_499 = arith.constant 0 : i32
    %dma_wait3A_500 = arith.constant 0 : i32
    %dma_wait3A_501 = tpu.memref_slice %arg15[%dma_wait3A_499, %dma_wait3A_500] : memref<128x256xf32, #tpu.memory_space<vmem>> -> memref<128x256xf32, #tpu.memory_space<vmem>>
    tpu.wait_dma2 semaphore(%arg22 : memref<!tpu.dma_semaphore, #tpu.memory_space<semaphore_mem>>) src(%dma_wait3A_501 : memref<128x256xf32, #tpu.memory_space<vmem>>) dst(%dma_wait3A_498 : memref<128x256xf32, #tpu.memory_space<hbm>>)
    return
  }
}

module attributes {stable_mosaic.version = 14 : i64} {
  func.func @_box_body(%arg0: i32, %arg1: memref<1x4x5000xf32, #tpu.memory_space<vmem>>, %arg2: memref<1x4x1000xf32, #tpu.memory_space<vmem>>, %arg3: memref<1x4x1000xf32, #tpu.memory_space<vmem>>, %arg4: memref<1x4x5000xf32, #tpu.memory_space<vmem>>, %arg5: memref<1x4x5000xf32, #tpu.memory_space<vmem>>, %arg6: memref<1x5000x256xf32, #tpu.memory_space<vmem>>) attributes {dimension_semantics = [#tpu.dimension_semantics<arbitrary>], iteration_bounds = array<i64: 8>, scalar_prefetch = 0 : i64, scratch_operands = 0 : i64, tpu.core_type = #tpu.core_type<tc>, window_params = [{transform_indices = @transform_0, window_bounds = array<i64: 1, 4, 5000>}, {transform_indices = @transform_1, window_bounds = array<i64: 1, 4, 1000>}, {transform_indices = @transform_2, window_bounds = array<i64: 1, 4, 1000>}, {transform_indices = @transform_3, window_bounds = array<i64: 1, 4, 5000>}, {transform_indices = @transform_4, window_bounds = array<i64: 1, 4, 5000>}, {transform_indices = @transform_5, window_bounds = array<i64: 1, 5000, 256>}]} {
    %get3A = arith.constant 0 : index
    %get3A_0 = arith.constant 0 : index
    %get3A_1 = arith.constant 0 : index
    %get3A_2 = vector.load %arg2[%get3A, %get3A_0, %get3A_1] : memref<1x4x1000xf32, #tpu.memory_space<vmem>>, vector<1x4x1000xf32>
    %concatenate3A = tpu.concatenate %get3A_2, %get3A_2, %get3A_2, %get3A_2, %get3A_2 in 2 : vector<1x4x1000xf32>, vector<1x4x1000xf32>, vector<1x4x1000xf32>, vector<1x4x1000xf32>, vector<1x4x1000xf32> -> vector<1x4x5000xf32>
    %get3A_3 = arith.constant 0 : index
    %get3A_4 = arith.constant 0 : index
    %get3A_5 = arith.constant 0 : index
    %get3A_6 = vector.load %arg3[%get3A_3, %get3A_4, %get3A_5] : memref<1x4x1000xf32, #tpu.memory_space<vmem>>, vector<1x4x1000xf32>
    %concatenate3A_7 = tpu.concatenate %get3A_6, %get3A_6, %get3A_6, %get3A_6, %get3A_6 in 2 : vector<1x4x1000xf32>, vector<1x4x1000xf32>, vector<1x4x1000xf32>, vector<1x4x1000xf32>, vector<1x4x1000xf32> -> vector<1x4x5000xf32>
    %get3A_8 = arith.constant 0 : index
    %get3A_9 = arith.constant 0 : index
    %get3A_10 = arith.constant 0 : index
    %get3A_11 = vector.load %arg1[%get3A_8, %get3A_9, %get3A_10] : memref<1x4x5000xf32, #tpu.memory_space<vmem>>, vector<1x4x5000xf32>
    %mul3A = arith.constant 8.000000e-01 : f32
    %mul3A_12 = vector.broadcast %mul3A : f32 to vector<1x4x5000xf32>
    %mul3A_13 = arith.mulf %get3A_11, %mul3A_12 : vector<1x4x5000xf32>
    %sub3A = arith.constant 4.000000e-01 : f32
    %sub3A_14 = vector.broadcast %sub3A : f32 to vector<1x4x5000xf32>
    %sub3A_15 = arith.subf %mul3A_13, %sub3A_14 : vector<1x4x5000xf32>
    %mul3A_16 = arith.mulf %sub3A_15, %concatenate3A_7 : vector<1x4x5000xf32>
    %add3A = arith.addf %concatenate3A, %mul3A_16 : vector<1x4x5000xf32>
    %max3A = arith.constant 0.000000e+00 : f32
    %max3A_17 = vector.broadcast %max3A : f32 to vector<1x4x5000xf32>
    %max3A_18 = arith.maximumf %add3A, %max3A_17 : vector<1x4x5000xf32>
    %min3A = arith.constant 1.000000e+00 : f32
    %min3A_19 = vector.broadcast %min3A : f32 to vector<1x4x5000xf32>
    %min3A_20 = arith.minimumf %max3A_18, %min3A_19 : vector<1x4x5000xf32>
    %swap3A = arith.constant 0 : index
    %swap3A_21 = arith.constant 0 : index
    %swap3A_22 = arith.constant 0 : index
    %swap3A_23 = vector.load %arg4[%swap3A, %swap3A_21, %swap3A_22] : memref<1x4x5000xf32, #tpu.memory_space<vmem>>, vector<1x4x5000xf32>
    tpu.vector_store %arg4[%swap3A, %swap3A_21, %swap3A_22], %min3A_20 {strides = array<i32>} : memref<1x4x5000xf32, #tpu.memory_space<vmem>>, vector<1x4x5000xf32>,
    %swap3A_24 = arith.constant 0 : index
    %swap3A_25 = arith.constant 0 : index
    %swap3A_26 = arith.constant 0 : index
    %swap3A_27 = vector.load %arg5[%swap3A_24, %swap3A_25, %swap3A_26] : memref<1x4x5000xf32, #tpu.memory_space<vmem>>, vector<1x4x5000xf32>
    tpu.vector_store %arg5[%swap3A_24, %swap3A_25, %swap3A_26], %concatenate3A {strides = array<i32>} : memref<1x4x5000xf32, #tpu.memory_space<vmem>>, vector<1x4x5000xf32>,
    %broadcast_in_dim3A = arith.constant 0.000000e+00 : f32
    %broadcast_in_dim3A_28 = vector.broadcast %broadcast_in_dim3A : f32 to vector<1x5000x256xf32>
    %swap3A_29 = arith.constant 0 : index
    %swap3A_30 = arith.constant 0 : index
    %swap3A_31 = arith.constant 0 : index
    %swap3A_32 = vector.load %arg6[%swap3A_29, %swap3A_30, %swap3A_31] : memref<1x5000x256xf32, #tpu.memory_space<vmem>>, vector<1x5000x256xf32>
    tpu.vector_store %arg6[%swap3A_29, %swap3A_30, %swap3A_31], %broadcast_in_dim3A_28 {strides = array<i32>} : memref<1x5000x256xf32, #tpu.memory_space<vmem>>, vector<1x5000x256xf32>,
    return
  }
  func.func @transform_0(%arg0: i32) -> (i32, i32, i32) {
    %c0_i32 = arith.constant 0 : i32
    %c0_i32_0 = arith.constant 0 : i32
    %c0_i32_1 = arith.constant 0 : i32
    return %arg0, %c0_i32, %c0_i32_0 : i32, i32, i32
  }
  func.func @transform_1(%arg0: i32) -> (i32, i32, i32) {
    %c0_i32 = arith.constant 0 : i32
    %c0_i32_0 = arith.constant 0 : i32
    %c0_i32_1 = arith.constant 0 : i32
    return %arg0, %c0_i32, %c0_i32_0 : i32, i32, i32
  }
  func.func @transform_2(%arg0: i32) -> (i32, i32, i32) {
    %c0_i32 = arith.constant 0 : i32
    %c0_i32_0 = arith.constant 0 : i32
    %c0_i32_1 = arith.constant 0 : i32
    return %arg0, %c0_i32, %c0_i32_0 : i32, i32, i32
  }
  func.func @transform_3(%arg0: i32) -> (i32, i32, i32) {
    %c0_i32 = arith.constant 0 : i32
    %c0_i32_0 = arith.constant 0 : i32
    %c0_i32_1 = arith.constant 0 : i32
    return %arg0, %c0_i32, %c0_i32_0 : i32, i32, i32
  }
  func.func @transform_4(%arg0: i32) -> (i32, i32, i32) {
    %c0_i32 = arith.constant 0 : i32
    %c0_i32_0 = arith.constant 0 : i32
    %c0_i32_1 = arith.constant 0 : i32
    return %arg0, %c0_i32, %c0_i32_0 : i32, i32, i32
  }
  func.func @transform_5(%arg0: i32) -> (i32, i32, i32) {
    %c0_i32 = arith.constant 0 : i32
    %c0_i32_0 = arith.constant 0 : i32
    %c0_i32_1 = arith.constant 0 : i32
    return %arg0, %c0_i32, %c0_i32_0 : i32, i32, i32
  }
}

</mosaic_0001>

<sc_bundles>
// kernel: kernel.4.cloned.1.call-start
scs
__scs_entry_jumppad:
0x0: {  	(pc) =	sbr.rel $0x88, $3  }
0x1: {  	(tag) =	ssettag $0x0;
	lr =	simm.s32 $0x1  }
0x2: {  	[smem:$0x3F9B] =	sst lr;
	_ =	strace $0xD0000000  }
0x3: {  	_ = 	snop  }
0x4: {  	_ = 	snop  }
0x5: {  	_ = 	snop  }
0x6: {  	_ = 	snop  }
0x7: {  	_ = 	snop  }
__scs_overlays_trampoline_lowered:
0x8: {  	[smem:$0x3FAA] =	sst s0  }
0x9: {  	[smem:$0x3FAB] =	sst s1  }
0xa: {  	[smem:$0x3FAC] =	sst s2  }
0xb: {  	[smem:$0x3FAD] =	sst s3  }
0xc: {  	[smem:$0x3FAE] =	sst s4  }
0xd: {  	[smem:$0x3FAF] =	sst s5  }
0xe: {  	[smem:$0x3FB0] =	sst s6  }
0xf: {  	[smem:$0x3FB1] =	sst s7  }
0x10: {  	[smem:$0x3FB2] =	sst s8  }
0x11: {  	[smem:$0x3FB3] =	sst s9;
	s0 =	simm.s32 @!p0 $0x0  }
0x12: {  	s1 =	sld [smem:$0x3F99];
	s0 =	simm.s32 @p0 $0x1  }
0x13: {  	[smem:$0x3FB4] =	sst s0;
	s0 =	simm.s32 @!p1 $0x0  }
0x14: {  	s2 =	sld [smem:$0x3F98];
	s0 =	simm.s32 @p1 $0x1  }
0x15: {  	[smem:$0x3FB5] =	sst s0;
	s0 =	simm.s32 @!p2 $0x0  }
0x16: {  	s3 =	sld [smem:$0x3FDB];
	s0 =	simm.s32 @p2 $0x1  }
0x17: {  	s4 =	simm.s32 $0x1BF5;
	[smem:$0x3FB7] =	sst s0  }
0x18: {  	s0 =	sld [smem:$0x3F9A];
	_ =	swait.ge [sflag:s4], $0x0  }
0x19: {  	s7 =	sld [smem:$0x3F9B]  }
0x1a: {  	s8 =	sadd.s32 $0xFFFFE003, lr  }
0x1b: {  	s9 =	sadd.s32 $0xFFFFFEF7, lr;
	s5 =	simm.s32 $0xFFFFFFFF;
	p2 =	slt.u32 s8, $0xFFFFF086  }
0x1c: {  	p1 =	slt.u32 s9, $0xF7A;
	s5 =	simm.s32 @!p2 $0x0  }
0x1d: {  	s5 =	simm.s32 @p1 $0x1;
	p0 =	seq.s32 s7, s2  }
0x1e: {  	s7 =	smul.u32 @!p0 $0xF7A, s2;
	p2 =	seq.s32 @!p0 s5, $0x0  }
0x1f: {  	s9 =	smul.u32 $0xF7A, s1;
	s8 =	simm.s32 @!p0 $0x1BF5;
	p2 =	por !p2, p0  }
0x20: {  	[sflag:s8] =	ssyncset.s32 @!p0 $0xFFFFF086;
	s6 =	sadd.s32 @!p0 s3, s7;
	s7 =	simm.s32 @!p0 $0x108  }
0x21: {  	s3 =	sadd.s32 s3, s9;
	s6 =	sadd.s32 @!p0 $0x88, s6;
	s7 =	simm.s32 @p2 $0x1082  }
0x22: {  	[simem:s7], [sflag:s8] =	dma.local @!p0 [hbm:s6], $0xF7A  }
0x23: {  	s9 =	sor.u32 $0xD0000000, s2;
	s6 =	simm.s32 $0x108;
	_ =	swait.ge @!p0 [sflag:s8], $0x0  }
0x24: {  	s3 =	sadd.s32 $0x88, s3;
	s6 =	simm.s32 @!p1 $0x1082;
	[sflag:s4] =	ssyncset.s32 $0xFFFFF086  }
0x25: {  	[simem:s6], [sflag:s4] =	dma.local [hbm:s3], $0xF7A  }
0x26: {  	[smem:$0x3F9B] =	sst s1;
	(tag) =	ssettag s2;
	_ =	strace s9  }
0x27: {  	s1 =	sld [smem:$0x3FAB]  }
0x28: {  	s2 =	sld [smem:$0x3FAC]  }
0x29: {  	s4 =	sld [smem:$0x3FAE]  }
0x2a: {  	p0 =	seq.s32 s5, $0x0;
	s5 =	sld [smem:$0x3FAF]  }
0x2b: {  	s6 =	sld [smem:$0x3FB0]  }
0x2c: {  	s7 =	sld [smem:$0x3FB1]  }
0x2d: {  	s3 =	simm.s32 $0x108;
	s8 =	sld [smem:$0x3FB2]  }
0x2e: {  	s3 =	simm.s32 @!p0 $0x1082;
	s9 =	sld [smem:$0x3FB3]  }
0x2f: {  	lr =	sadd.s32 s0, s3;
	s0 =	sld [smem:$0x3FAA]  }
0x30: {  	s3 =	sld [smem:$0x3FAD]  }
0x31: {  	[smem:$0x3FB6] =	sst s10  }
0x32: {  	s10 =	sld [smem:$0x3FB4];
	_ =	sdelay $0x3  }
0x33: {  	p0 =	seq.s32 s10, $0x1;
	s10 =	sld [smem:$0x3FB6];
	_ =	sdelay $0x3  }
0x34: {  	[smem:$0x3FB6] =	sst s10  }
0x35: {  	s10 =	sld [smem:$0x3FB5];
	_ =	sdelay $0x3  }
0x36: {  	p1 =	seq.s32 s10, $0x1;
	s10 =	sld [smem:$0x3FB6];
	_ =	sdelay $0x3  }
0x37: {  	[smem:$0x3FB6] =	sst s10  }
0x38: {  	s10 =	sld [smem:$0x3FB7]  }
0x39: {  	_ = 	snop;
	(pc) =	sbr.ind lr, $3  }
0x3a: {  	_ = 	snop  }
0x3b: {  	_ = 	snop  }
0x3c: {  	p2 =	seq.s32 s10, $0x1;
	s10 =	sld [smem:$0x3FB6]  }
0x3d: {  	_ =	shalt  }
0x3e: {  	_ =	shalt  }
0x3f: {  	_ =	shalt  }
0x40: {  	_ =	shalt  }
0x41: {  	_ =	shalt  }
0x42: {  	_ =	shalt  }
0x43: {  	_ =	shalt  }
0x44: {  	_ =	shalt  }
0x45: {  	_ =	shalt  }
0x46: {  	_ =	shalt  }
0x47: {  	_ =	shalt  }
0x48: {  	_ =	shalt  }
0x49: {  	_ =	shalt  }
0x4a: {  	_ =	shalt  }
0x4b: {  	_ =	shalt  }
0x4c: {  	_ =	shalt  }
0x4d: {  	_ =	shalt  }
0x4e: {  	_ =	shalt  }
0x4f: {  	_ =	shalt  }
0x50: {  	_ =	shalt  }
0x51: {  	_ =	shalt  }
0x52: {  	_ =	shalt  }
0x53: {  	_ =	shalt  }
0x54: {  	_ =	shalt  }
0x55: {  	_ =	shalt  }
0x56: {  	_ =	shalt  }
0x57: {  	_ =	shalt  }
0x58: {  	_ =	shalt  }
0x59: {  	_ =	shalt  }
0x5a: {  	_ =	shalt  }
0x5b: {  	_ =	shalt  }
0x5c: {  	_ =	shalt  }
0x5d: {  	_ =	shalt  }
0x5e: {  	_ =	shalt  }
0x5f: {  	_ =	shalt  }
0x60: {  	_ =	shalt  }
0x61: {  	_ =	shalt  }
0x62: {  	_ =	shalt  }
0x63: {  	_ =	shalt  }
0x64: {  	_ =	shalt  }
0x65: {  	_ =	shalt  }
0x66: {  	_ =	shalt  }
0x67: {  	_ =	shalt  }
0x68: {  	_ =	shalt  }
0x69: {  	_ =	shalt  }
0x6a: {  	_ =	shalt  }
0x6b: {  	_ =	shalt  }
0x6c: {  	_ =	shalt  }
0x6d: {  	_ =	shalt  }
0x6e: {  	_ =	shalt  }
0x6f: {  	_ =	shalt  }
0x70: {  	_ =	shalt  }
0x71: {  	_ =	shalt  }
0x72: {  	_ =	shalt  }
0x73: {  	_ =	shalt  }
0x74: {  	_ =	shalt  }
0x75: {  	_ =	shalt  }
0x76: {  	_ =	shalt  }
0x77: {  	_ =	shalt  }
0x78: {  	_ =	shalt  }
0x79: {  	_ =	shalt  }
0x7a: {  	_ =	shalt  }
0x7b: {  	_ =	shalt  }
0x7c: {  	_ =	shalt  }
0x7d: {  	_ =	shalt  }
0x7e: {  	_ =	shalt  }
0x7f: {  	_ =	shalt  }
0x80: {  	_ =	shalt  }
0x81: {  	_ =	shalt  }
0x82: {  	_ =	shalt  }
0x83: {  	_ =	shalt  }
0x84: {  	_ =	shalt  }
0x85: {  	_ =	shalt  }
0x86: {  	_ =	shalt  }
0x87: {  	_ =	shalt  }
.Lfunc_end0:
.L_simem_size_0:
called_computation_lowered:
.L_overlay_start_0:
0x88: {  	s2 =	sld [smem:$0x3FD9]  }
0x89: {  	s3 =	sld [smem:$0x3FFE];
	_ =	sdelay $0x1  }
0x8a: {  	s1 =	srdreg.scid  }
0x8b: {  	s0 =	sand.u32 $0x1, s1  }
0x8c: {  	s14 =	sshll.u32 s0, $0xA;
	s2 =	sadd.s32 s3, s2  }
0x8d: {  	s2 =	sadd.s32 s2, s14  }
0x8e: {  	[smem:$0x3FC2] =	sst s2  }
0x8f: {  	_ = 	snop  }
0x90: {  	s2 =	sld [smem:$0x3FD0];
	_ =	sdelay $0x2  }
0x91: {  	s4 =	simm.s32 $0xA;
	s5 =	simm.s32 $0x10;
	s15 =	sld [smem:$0x3FC4]  }
0x92: {  	[smem:s5], [sflag:s4] =	dma.local [hbm:s2], $0x1  }
0x93: {  	_ =	swait.eq [sflag:s4], $0x1  }
0x94: {  	[sflag:s4] =	ssyncset.done $0x0  }
0x95: {  	s16 =	sld [smem:$0x10];
	[sflag:s4] =	ssyncadd.s32 $0xFFFFFFFF  }
0x96: {  	s17 =	sld [smem:$0x13];
	(tm) =	ssettm $0x1  }
0x97: {  	s18 =	sld [smem:$0x3FFB];
	_ =	sdelay $0x3  }
0x98: {  	_ =	strace s18  }
0x99: {  	s5 =	sld [smem:$0x3FFC];
	_ =	sdelay $0x3  }
0x9a: {  	_ =	strace s5  }
0x9b: {  	s5 =	sld [smem:$0x3FFD];
	_ =	sdelay $0x3  }
0x9c: {  	_ =	strace s5  }
0x9d: {  	_ =	strace $0x8FFFFFFF  }
0x9e: {  	s19 =	sld [smem:$0x3FDB];
	_ =	sdelay $0x1  }
0x9f: {  	s6 =	simm.s32 $_scs_section_size  }
0xa0: {  	s7 =	simm.s32 $_size__tile_overlayer_lowered;
	s8 =	simm.s32 $_tile_overlayer_lowered  }
0xa1: {  	s22 =	simm.s32 $0x1BFF;
	s21 =	sshll.u32 s8, $0x1;
	s5 =	sadd.s32 s6, s19  }
0xa2: {  	s9 =	simm.s32 $0x0;
	s20 =	sshll.u32 s7, $0x1;
	s7 =	sadd.s32 s21, s5  }
0xa3: {  	[timem:s9], [sflag:s22] =	dma.local [hbm:s7], s20  }
0xa4: {  	_ =	swait.ge [sflag:s22], s20  }
0xa5: {  	s6 =	ssub.s32 $0x0, s20;
	[sflag:s22] =	ssyncset.done $0x0  }
0xa6: {  	[sflag:s22] =	ssyncadd.s32 s6;
	_ =	sdelay $0x1  }
0xa7: {  	s23 =	simm.s32 $0x1B8B  }
0xa8: {  	_ =	swait.ge [sflag:s23], $0x1  }
0xa9: {  	[sflag:s23] =	ssyncset.done $0x0  }
0xaa: {  	s25 =	simm.s32 $0x1B8E;
	s24 =	sld [smem:$0x3FFE];
	[sflag:s23] =	ssyncadd.s32 $0xFFFFFFFF  }
0xab: {  	s26 =	simm.s32 $execute0_lowered;
	[smem:$0x3FD2] =	sst s25  }
0xac: {  	s7 =	sshll.u32 s26, $0x1;
	_ =	strace $0x80000046;
	[dreg:$0x1] =	wrdreg $0xFFFFFFFF  }
0xad: {  	s28 =	simm.s32 $_size_execute0_lowered;
	s5 =	sadd.s32 s5, s7;
	[dreg:$0x0] =	wrdreg $0x0  }
0xae: {  	s7 =	sshll.u32 s28, $0x1;
	[dreg:$0x2] =	wrdreg s5  }
0xaf: {  	[dreg:$0x3] =	wrdreg s7  }
0xb0: {  	[dreg:$0x4] =	wrdreg $0xC0  }
0xb1: {  	_ =	task [dreg:s9], $0x5FFFF  }
0xb2: {  	[dreg:$0x1] =	wrdreg $0xFFFFFFFF  }
0xb3: {  	[dreg:$0x0] =	wrdreg $0x60  }
0xb4: {  	[dreg:$0x2] =	wrdreg s24  }
0xb5: {  	[dreg:$0x3] =	wrdreg s17  }
0xb6: {  	[dreg:$0x4] =	wrdreg s15  }
0xb7: {  	[dreg:$0x5] =	wrdreg s16  }
0xb8: {  	[dreg:$0x6] =	wrdreg $0x9  }
0xb9: {  	_ =	task.clear_ibuf [dreg:s9], $0x7FFFF;
	_ =	strace $0x90000046  }
0xba: {  	s29 =	simm.s32 $0x9;
	_ =	strace $0x80000048  }
0xbb: {  	_ =	swait.ge [sflag:s29], $0x1  }
0xbc: {  	[sflag:s29] =	ssyncadd.s32 $0xFFFFFFFF  }
0xbd: {  	_ =	strace $0x90000048  }
0xbe: {  	_ =	sfence  }
0xbf: {  	s30 =	sld [smem:$0x0];
	_ =	sdelay $0x2  }
0xc0: {  	s31 =	sshll.u32 s1, $0xD;
	s1 =	sshrl.u32 s1, $0x2  }
0xc1: {  	s3 =	sand.u32 $0x4000, s31;
	s1 =	sadd.s32 s1, s30  }
0xc2: {  	s0 =	sor.u32 s3, s0;
	s1 =	sshll.u32 s1, $0x11  }
0xc3: {  	s0 =	sor.u32 s1, s0  }
0xc4: {  	s0 =	sadd.s32 $0x8F2B, s0  }
0xc5: {  	[sflag:s0] =	ssyncadd.remote.s32 $0x1  }
0xc6: {  	_ =	sfence.sel $0xFFFF  }
0xc7: {  	[dreg:$0x0] =	wrdreg $0xFFFFFFFF;
	(pc) =	sbr.abs _section_cstart, $3  }
0xc8: {  	[dreg:$0x1] =	wrdreg $0xFFFFFFFF  }
0xc9: {  	_ =	task.clear_ibuf [dreg:s9], $0x2FFFF;
	_ =	strace $0x9FFFFFFF  }
0xca: {  	(tm) =	ssettm $0x7FFFFFFF  }
0xcb: {  	_ =	shalt  }
tec
execute0_lowered:
.L_overlay_start_1:
0x0: {  	(tag) =	ssettag $0x1  }
0x1: {  	s0 =	rddreg [dreg:$0x0]  }
0x2: {  	s2 =	rddreg [dreg:$0x1];
	s11 =	stileid.u32  }
0x3: {  	s1 =	rddreg [dreg:$0x2];
	s5 =	sshrl.u32 s11, $0x1  }
0x4: {  	s3 =	srdreg.scid;
	s7 =	smul.u32 $0x9, s5  }
0x5: {  	s4 =	sshll.u32 s11, $0x1;
	s6 =	sand.u32 $0x1, s3;
	s10 =	smul.u32 $0x1388, s5  }
0x6: {  	s3 =	simm.s32 $0x0;
	s11 =	sand.u32 $0x1, s11;
	s5 =	smul.u32 $0x138800, s5  }
0x7: {  	s25 =	sand.u32 $0x2, s4;
	[smem:$0x7FF] =	sst s3;
	s11 =	smul.u32 $0x9C0, s11  }
0x8: {  	s12 =	ssub.s32 $0x2, s6;
	s8 =	sor.u32 s6, s25;
	s6 =	smul.u32 $0x4E0, s6  }
0x9: {  	s4 =	rddreg [dreg:$0x3];
	_ =	strace $0x80000047;
	s9 =	smul.u32 $0x4E0, s8  }
0xa: {  	s13 =	sshrl.u32 s12, $0x1;
	s7 =	sadd.s32 s7, s0;
	s14 =	smul.u32 $0x4E000, s8  }
0xb: {  	s7 =	sadd.s32 $0xC00, s7;
	s9 =	sadd.s32 s10, s9;
	s10 =	sadd.s32 s11, s10  }
0xc: {  	s11 =	ssub.s32 s12, s13;
	[dreg:$0x5] =	wrdreg s7;
	s26 =	sadd.s32 s5, s14  }
0xd: {  	s9 =	sshrl.u32 s9, $0x3;
	s7 =	sshrl.u32 s26, $0x3;
	s26 =	smax.u32 s11, $0x1  }
0xe: {  	p0 =	sne.s32 s8, $0x3;
	s2 =	sadd.s32 s2, s9;
	[dreg:$0x15] =	wrdreg s26  }
0xf: {  	s0 =	sadd.s32 s9, s0;
	s14 =	sadd.s32 s4, s7;
	[dreg:$0x6] =	wrdreg s2  }
0x10: {  	s8 =	simm.s32 $0x6;
	s13 =	sadd.s32 $0xE00, s0;
	[dreg:$0x8] =	wrdreg s14  }
0x11: {  	s5 =	sshrl.u32 s5, $0x3;
	s16 =	sadd.s32 $0x1000, s14;
	[dreg:$0x7] =	wrdreg s13  }
0x12: {  	s6 =	sadd.s32 s6, s10;
	s17 =	sadd.s32 $0x2000, s14;
	[dreg:$0x9] =	wrdreg s16  }
0x13: {  	s11 =	simm.s32 $0x0;
	s18 =	sadd.s32 $0x3000, s14;
	[dreg:$0xa] =	wrdreg s17  }
0x14: {  	s10 =	sand.u32 $0xFFF8, s6;
	s19 =	sadd.s32 $0x4000, s14;
	[dreg:$0xb] =	wrdreg s18  }
0x15: {  	s4 =	sadd.s32 s4, s5;
	s20 =	sadd.s32 $0x5000, s14;
	[dreg:$0xc] =	wrdreg s19  }
0x16: {  	s7 =	simm.s32 $0x9780;
	s21 =	sadd.s32 $0x6000, s14;
	[dreg:$0xd] =	wrdreg s20  }
0x17: {  	s5 =	simm.s32 $0x5;
	s22 =	sadd.s32 $0x7000, s14;
	[dreg:$0xe] =	wrdreg s21  }
0x18: {  	s12 =	sshrl.u32 s10, $0x1;
	s23 =	sadd.s32 $0x8000, s14;
	[dreg:$0xf] =	wrdreg s22  }
0x19: {  	s24 =	sadd.s32 $0x9000, s14;
	s15 =	smul.u32 $0x147B, s12;
	[dreg:$0x10] =	wrdreg s23  }
0x1a: {  	s9 =	simm.s32 $0x4;
	s25 =	sadd.s32 $0x2200, s0;
	[dreg:$0x11] =	wrdreg s24  }
0x1b: {  	s4 =	sadd.s32 $0x27000, s4;
	[dreg:$0x12] =	wrdreg s25;
	s2 =	sshrl.u32 s15, $0x11  }
0x1c: {  	s0 =	sadd.s32 $0x229C, s0;
	[dreg:$0x13] =	wrdreg s4;
	s2 =	smul.u32 $0x32, s2  }
0x1d: {  	s10 =	simm.s32 $0x7;
	[dreg:$0x14] =	wrdreg s0;
	s0 =	simm.s32 $0x1780  }
0x1e: {  	s17 =	simm.s32 $0x11780;
	s4 =	simm.s32 $0x2;
	s2 =	ssub.s32 s6, s2  }
0x1f: {  	s6 =	simm.s32 $0x3;
	s13 =	sand.u32 $0xFFFE, s2;
	s2 =	simm.s32 $0x1  }
0x20: {  	v2 =	vlaneseq.u32;
	s22 =	sadd.s32 $0x80, s13;
	s23 =	sadd.s32 $0x100, s13;
	s24 =	sadd.s32 $0x180, s13  }
0x21: {  	vm0 =	vmmov $0xffff;
	v1 =	vshrl.u32 v2, $0x3;
	s25 =	sadd.s32 $0x200, s13;
	s26 =	sadd.s32 $0x280, s13;
	s28 =	sadd.s32 $0x300, s13  }
0x22: {  	v0 =	vand.u32 $0x7, v2;
	v2 =	vor.u32 $0x8, v2;
	v1 =	vmul.u32 $0x8, v1;
	s29 =	sadd.s32 $0x380, s13;
	s30 =	sadd.s32 $0x400, s13;
	s31 =	sadd.s32 $0x480, s13  }
.LBB2_1:
0x23: {  	s12 =	rddreg [dreg:$0x5]  }
0x24: {  	[tilespmem:s3], [sflag:$0x1] =	stream.linear.gather [hbm4b:s12+s3], $0x48, $0x38;
	[tilespmem:$0x19780] =	vst v63  }
0x25: {  	s16 =	rddreg [dreg:$0x6];
	s14 =	simm.s32 $0x80  }
0x26: {  	[tilespmem:s14], [sflag:$0x1] =	stream.linear.gather [hbm4b:s16+s3], $0x500, $0x38;
	[tilespmem:$0x19780] =	vst v63  }
0x27: {  	s18 =	rddreg [dreg:$0x7];
	s19 =	simm.s32 $0x580  }
0x28: {  	[tilespmem:s19], [sflag:$0x1] =	stream.linear.gather [hbm4b:s18+s3], $0x500, $0x38;
	[tilespmem:$0x19780] =	vst v63  }
0x29: {  	_ =	swait.ge [sflag:s2], $0x48  }
0x2a: {  	[sflag:s2] =	ssyncset.done $0x0  }
0x2b: {  	[sflag:s2] =	ssyncadd.s32 $0xFFFFFFB8  }
0x2c: {  	_ =	swait.ge [sflag:s2], $0x500  }
0x2d: {  	s20 =	smulhi.u32 $0x51EB851F, s13;
	[sflag:s2] =	ssyncset.done $0x0  }
0x2e: {  	[sflag:s2] =	ssyncadd.s32 $0xFFFFFB00  }
0x2f: {  	s12 =	sshrl.u32 s20, $0x4;
	_ =	swait.ge [sflag:s2], $0x500  }
0x30: {  	s21 =	smul.u32 $0xFFFFFF38, s12;
	[sflag:s2] =	ssyncset.done $0x0  }
0x31: {  	s12 =	simm.s32 $0x0;
	[sflag:s2] =	ssyncadd.s32 $0xFFFFFB00  }
0x32: {  	s14 =	sshra.s32 s21, $0x2;
	v3 =	vld [tilespmem:s12+$0x580]  }
0x33: {  	s15 =	simm.s32 $0x40;
	s20 =	sadd.s32 s14, s13;
	s14 =	sadd.s32 $0x10, s13;
	v4 =	vld [tilespmem:s12+$0x80]  }
0x34: {  	s16 =	simm.s32 $0x80;
	s18 =	smulhi.u32 $0x51EB851F, s14;
	v5 =	vld [tilespmem:s20+$0x0];
	s20 =	smov.u32 s13  }
.LBB2_2:
0x35: {  	_ = 	snop  }
0x36: {  	p1 =	sne.s32 s16, $0x1C0;
	s18 =	sshrl.u32 s18, $0x4  }
0x37: {  	s18 =	smul.u32 $0xFFFFFF38, s18  }
.Ltmp0:
0x38: {  	(pc) =	sbr.rel @p1 .LBB2_2-.Ltmp0, $4  }
0x39: {  	s19 =	sshra.s32 s15, $0x2;
	s15 =	smov.u32 s16;
	vm1 =	vlt.f32 v4, $5.000000000e-01  }
0x3a: {  	s20 =	sadd.s32 $0x10, s20;
	s18 =	sshra.s32 s18, $0x2;
	[tilespmem:s12+$0x1280] =	vst v5;
	v5 =	vsel vm1, v3, v5;
	v3 =	vld [tilespmem:s19+$0x580]  }
0x3b: {  	s14 =	sadd.s32 $0x10, s14;
	s21 =	sadd.s32 s18, s20;
	v4 =	vld [tilespmem:s19+$0x80];
	[tilespmem:s12+$0xA80] =	vst v5;
	s12 =	smov.u32 s19  }
0x3c: {  	s16 =	sadd.s32 $0x40, s16;
	s18 =	smulhi.u32 $0x51EB851F, s14;
	v5 =	vld [tilespmem:s21+$0x0]  }
0x3d: {  	_ = 	snop  }
0x3e: {  	s14 =	sshrl.u32 s18, $0x4  }
0x3f: {  	s14 =	smul.u32 $0xFFFFFF38, s14  }
0x40: {  	s15 =	sshra.s32 s15, $0x2;
	vm1 =	vlt.f32 v4, $5.000000000e-01  }
0x41: {  	s16 =	sadd.s32 $0x10, s20;
	v6 =	vld [tilespmem:s15+$0x580];
	[tilespmem:s12+$0x1280] =	vst v5;
	s14 =	sshra.s32 s14, $0x2;
	v3 =	vsel vm1, v3, v5  }
0x42: {  	v4 =	vld [tilespmem:s15+$0x80];
	s14 =	sadd.s32 s14, s16;
	[tilespmem:s12+$0xA80] =	vst v3  }
0x43: {  	v3 =	vld [tilespmem:s14+$0x0];
	_ =	sdelay $0x3  }
0x44: {  	vm1 =	vlt.f32 v4, $5.000000000e-01  }
0x45: {  	[tilespmem:s15+$0x1280] =	vst v3;
	v3 =	vsel vm1, v6, v3  }
0x46: {  	[tilespmem:s15+$0xA80] =	vst v3  }
0x47: {  	v3 =	vld [tilespmem:$0xA80];
	_ =	sdelay $0x4  }
0x48: {  	v4 =	vshll.u32 v3, $0x1  }
0x49: {  	v3 =	vand.u32 $0x7, v3;
	v4 =	vand.u32 $0xFFFFFFF0, v4  }
0x4a: {  	v3 =	vor.u32 v3, v4  }
0x4b: {  	v4 =	vperm.xlane v3, v0;
	_ =	sdelay $0x1  }
0x4c: {  	v3 =	vperm.xlane v3, v2;
	v4 =	vadd.s32 v1, v4;
	_ =	sdelay $0x1  }
0x4d: {  	v3 =	vadd.s32 v1, v3;
	_ =	sdelay $0x1  }
0x4e: {  	s12 =	simm.s32 $0x0  }
0x4f: {  	[tilespmem:s0], [sflag:$0x2] =	stream.indirect_vreg.gather [hbm4b:s1+s12], $0x80, v4, vm0, $0xb8;
	[tilespmem:$0x19780] =	vst v63  }
0x50: {  	s16 =	simm.s32 $0x1F80  }
0x51: {  	[tilespmem:s16], [sflag:$0x2] =	stream.indirect_vreg.gather [hbm4b:s1+s12], $0x80, v3, vm0, $0xb8;
	[tilespmem:$0x19780] =	vst v63  }
0x52: {  	v3 =	vld [tilespmem:$0xA90];
	_ =	sdelay $0x4  }
0x53: {  	v4 =	vshll.u32 v3, $0x1  }
0x54: {  	v3 =	vand.u32 $0x7, v3;
	v4 =	vand.u32 $0xFFFFFFF0, v4  }
0x55: {  	v3 =	vor.u32 v3, v4  }
0x56: {  	v4 =	vperm.xlane v3, v0;
	_ =	sdelay $0x1  }
0x57: {  	v3 =	vperm.xlane v3, v2;
	v4 =	vadd.s32 v1, v4;
	_ =	sdelay $0x1  }
0x58: {  	v3 =	vadd.s32 v1, v3;
	_ =	sdelay $0x1  }
0x59: {  	s18 =	simm.s32 $0x2780  }
0x5a: {  	[tilespmem:s18], [sflag:$0x2] =	stream.indirect_vreg.gather [hbm4b:s1+s12], $0x80, v4, vm0, $0xb8;
	[tilespmem:$0x19780] =	vst v63  }
0x5b: {  	s19 =	simm.s32 $0x2F80  }
0x5c: {  	[tilespmem:s19], [sflag:$0x2] =	stream.indirect_vreg.gather [hbm4b:s1+s12], $0x80, v3, vm0, $0xb8;
	[tilespmem:$0x19780] =	vst v63  }
0x5d: {  	v3 =	vld [tilespmem:$0xAA0];
	_ =	sdelay $0x4  }
0x5e: {  	v4 =	vshll.u32 v3, $0x1  }
0x5f: {  	v3 =	vand.u32 $0x7, v3;
	v4 =	vand.u32 $0xFFFFFFF0, v4  }
0x60: {  	v3 =	vor.u32 v3, v4  }
0x61: {  	v4 =	vperm.xlane v3, v0;
	_ =	sdelay $0x1  }
0x62: {  	v3 =	vperm.xlane v3, v2;
	v4 =	vadd.s32 v1, v4;
	_ =	sdelay $0x1  }
0x63: {  	v3 =	vadd.s32 v1, v3;
	_ =	sdelay $0x1  }
0x64: {  	s20 =	simm.s32 $0x3780  }
0x65: {  	[tilespmem:s20], [sflag:$0x2] =	stream.indirect_vreg.gather [hbm4b:s1+s12], $0x80, v4, vm0, $0xb8;
	[tilespmem:$0x19780] =	vst v63  }
0x66: {  	s21 =	simm.s32 $0x3F80  }
0x67: {  	[tilespmem:s21], [sflag:$0x2] =	stream.indirect_vreg.gather [hbm4b:s1+s12], $0x80, v3, vm0, $0xb8;
	[tilespmem:$0x19780] =	vst v63  }
0x68: {  	v3 =	vld [tilespmem:$0xAB0];
	_ =	sdelay $0x4  }
0x69: {  	v4 =	vshll.u32 v3, $0x1  }
0x6a: {  	v3 =	vand.u32 $0x7, v3;
	v4 =	vand.u32 $0xFFFFFFF0, v4  }
0x6b: {  	v3 =	vor.u32 v3, v4  }
0x6c: {  	v4 =	vperm.xlane v3, v0;
	_ =	sdelay $0x1  }
0x6d: {  	v3 =	vperm.xlane v3, v2;
	v4 =	vadd.s32 v1, v4;
	_ =	sdelay $0x1  }
0x6e: {  	v3 =	vadd.s32 v1, v3;
	_ =	sdelay $0x1  }
0x6f: {  	s15 =	simm.s32 $0x4780  }
0x70: {  	[tilespmem:s15], [sflag:$0x2] =	stream.indirect_vreg.gather [hbm4b:s1+s12], $0x80, v4, vm0, $0xb8;
	[tilespmem:$0x19780] =	vst v63  }
0x71: {  	s16 =	simm.s32 $0x4F80  }
0x72: {  	[tilespmem:s16], [sflag:$0x2] =	stream.indirect_vreg.gather [hbm4b:s1+s12], $0x80, v3, vm0, $0xb8;
	[tilespmem:$0x19780] =	vst v63  }
0x73: {  	v3 =	vld [tilespmem:$0xAC0];
	_ =	sdelay $0x4  }
0x74: {  	v4 =	vshll.u32 v3, $0x1  }
0x75: {  	v3 =	vand.u32 $0x7, v3;
	v4 =	vand.u32 $0xFFFFFFF0, v4  }
0x76: {  	v3 =	vor.u32 v3, v4  }
0x77: {  	v4 =	vperm.xlane v3, v0;
	_ =	sdelay $0x1  }
0x78: {  	v3 =	vperm.xlane v3, v2;
	v4 =	vadd.s32 v1, v4;
	_ =	sdelay $0x1  }
0x79: {  	v3 =	vadd.s32 v1, v3;
	_ =	sdelay $0x1  }
0x7a: {  	s18 =	simm.s32 $0x5780  }
0x7b: {  	[tilespmem:s18], [sflag:$0x2] =	stream.indirect_vreg.gather [hbm4b:s1+s12], $0x80, v4, vm0, $0xb8;
	[tilespmem:$0x19780] =	vst v63  }
0x7c: {  	s19 =	simm.s32 $0x5F80  }
0x7d: {  	[tilespmem:s19], [sflag:$0x2] =	stream.indirect_vreg.gather [hbm4b:s1+s12], $0x80, v3, vm0, $0xb8;
	[tilespmem:$0x19780] =	vst v63  }
0x7e: {  	v3 =	vld [tilespmem:$0xAD0];
	_ =	sdelay $0x4  }
0x7f: {  	v4 =	vshll.u32 v3, $0x1  }
0x80: {  	v3 =	vand.u32 $0x7, v3;
	v4 =	vand.u32 $0xFFFFFFF0, v4  }
0x81: {  	v3 =	vor.u32 v3, v4  }
0x82: {  	v4 =	vperm.xlane v3, v0;
	_ =	sdelay $0x1  }
0x83: {  	v3 =	vperm.xlane v3, v2;
	v4 =	vadd.s32 v1, v4;
	_ =	sdelay $0x1  }
0x84: {  	v3 =	vadd.s32 v1, v3;
	_ =	sdelay $0x1  }
0x85: {  	s20 =	simm.s32 $0x6780  }
0x86: {  	[tilespmem:s20], [sflag:$0x2] =	stream.indirect_vreg.gather [hbm4b:s1+s12], $0x80, v4, vm0, $0xb8;
	[tilespmem:$0x19780] =	vst v63  }
0x87: {  	s21 =	simm.s32 $0x6F80  }
0x88: {  	[tilespmem:s21], [sflag:$0x2] =	stream.indirect_vreg.gather [hbm4b:s1+s12], $0x80, v3, vm0, $0xb8;
	[tilespmem:$0x19780] =	vst v63  }
0x89: {  	v3 =	vld [tilespmem:$0xAE0];
	_ =	sdelay $0x4  }
0x8a: {  	v4 =	vshll.u32 v3, $0x1  }
0x8b: {  	v3 =	vand.u32 $0x7, v3;
	v4 =	vand.u32 $0xFFFFFFF0, v4  }
0x8c: {  	v3 =	vor.u32 v3, v4  }
0x8d: {  	v4 =	vperm.xlane v3, v0;
	_ =	sdelay $0x1  }
0x8e: {  	v3 =	vperm.xlane v3, v2;
	v4 =	vadd.s32 v1, v4;
	_ =	sdelay $0x1  }
0x8f: {  	v3 =	vadd.s32 v1, v3;
	_ =	sdelay $0x1  }
0x90: {  	s15 =	simm.s32 $0x7780  }
0x91: {  	[tilespmem:s15], [sflag:$0x2] =	stream.indirect_vreg.gather [hbm4b:s1+s12], $0x80, v4, vm0, $0xb8;
	[tilespmem:$0x19780] =	vst v63  }
0x92: {  	s16 =	simm.s32 $0x7F80  }
0x93: {  	[tilespmem:s16], [sflag:$0x2] =	stream.indirect_vreg.gather [hbm4b:s1+s12], $0x80, v3, vm0, $0xb8;
	[tilespmem:$0x19780] =	vst v63  }
0x94: {  	v3 =	vld [tilespmem:$0xAF0];
	_ =	sdelay $0x4  }
0x95: {  	v4 =	vshll.u32 v3, $0x1  }
0x96: {  	v3 =	vand.u32 $0x7, v3;
	v4 =	vand.u32 $0xFFFFFFF0, v4  }
0x97: {  	v3 =	vor.u32 v3, v4  }
0x98: {  	v4 =	vperm.xlane v3, v0;
	_ =	sdelay $0x1  }
0x99: {  	v3 =	vperm.xlane v3, v2;
	v4 =	vadd.s32 v1, v4;
	_ =	sdelay $0x1  }
0x9a: {  	s19 =	smulhi.u32 $0x51EB851F, s22;
	v3 =	vadd.s32 v1, v3;
	_ =	sdelay $0x1  }
0x9b: {  	s18 =	simm.s32 $0x8780;
	s21 =	sshrl.u32 s19, $0x4  }
0x9c: {  	[tilespmem:s18], [sflag:$0x2] =	stream.indirect_vreg.gather [hbm4b:s1+s12], $0x80, v4, vm0, $0xb8;
	[tilespmem:$0x19780] =	vst v63  }
0x9d: {  	s20 =	simm.s32 $0x8F80;
	s14 =	smul.u32 $0xFFFFFF38, s21  }
0x9e: {  	[tilespmem:s20], [sflag:$0x2] =	stream.indirect_vreg.gather [hbm4b:s1+s12], $0x80, v3, vm0, $0xb8;
	[tilespmem:$0x19780] =	vst v63  }
0x9f: {  	s12 =	simm.s32 $0x0  }
0xa0: {  	s14 =	sshra.s32 s14, $0x2;
	v3 =	vld [tilespmem:s12+$0x600]  }
0xa1: {  	s19 =	sadd.s32 s14, s22;
	s14 =	sadd.s32 $0x10, s22;
	s15 =	simm.s32 $0x40;
	v4 =	vld [tilespmem:s12+$0x100]  }
0xa2: {  	s16 =	simm.s32 $0x80;
	s18 =	smulhi.u32 $0x51EB851F, s14;
	s20 =	smov.u32 s22;
	v5 =	vld [tilespmem:s19+$0x0]  }
.LBB2_4:
0xa3: {  	_ = 	snop  }
0xa4: {  	p1 =	sne.s32 s16, $0x1C0;
	s18 =	sshrl.u32 s18, $0x4  }
0xa5: {  	s18 =	smul.u32 $0xFFFFFF38, s18  }
.Ltmp1:
0xa6: {  	(pc) =	sbr.rel @p1 .LBB2_4-.Ltmp1, $4  }
0xa7: {  	s19 =	sshra.s32 s15, $0x2;
	s15 =	smov.u32 s16;
	vm1 =	vlt.f32 v4, $5.000000000e-01  }
0xa8: {  	s20 =	sadd.s32 $0x10, s20;
	s18 =	sshra.s32 s18, $0x2;
	[tilespmem:s12+$0x1300] =	vst v5;
	v5 =	vsel vm1, v3, v5;
	v3 =	vld [tilespmem:s19+$0x600]  }
0xa9: {  	s14 =	sadd.s32 $0x10, s14;
	s21 =	sadd.s32 s18, s20;
	v4 =	vld [tilespmem:s19+$0x100];
	[tilespmem:s12+$0xB00] =	vst v5;
	s12 =	smov.u32 s19  }
0xaa: {  	s16 =	sadd.s32 $0x40, s16;
	s18 =	smulhi.u32 $0x51EB851F, s14;
	v5 =	vld [tilespmem:s21+$0x0]  }
0xab: {  	_ = 	snop  }
0xac: {  	s14 =	sshrl.u32 s18, $0x4  }
0xad: {  	s14 =	smul.u32 $0xFFFFFF38, s14  }
0xae: {  	s15 =	sshra.s32 s15, $0x2;
	vm1 =	vlt.f32 v4, $5.000000000e-01  }
0xaf: {  	s16 =	sadd.s32 $0x10, s20;
	v6 =	vld [tilespmem:s15+$0x600];
	[tilespmem:s12+$0x1300] =	vst v5;
	s14 =	sshra.s32 s14, $0x2;
	v3 =	vsel vm1, v3, v5  }
0xb0: {  	v4 =	vld [tilespmem:s15+$0x100];
	s14 =	sadd.s32 s14, s16;
	[tilespmem:s12+$0xB00] =	vst v3  }
0xb1: {  	v3 =	vld [tilespmem:s14+$0x0];
	_ =	sdelay $0x3  }
0xb2: {  	vm1 =	vlt.f32 v4, $5.000000000e-01  }
0xb3: {  	[tilespmem:s15+$0x1300] =	vst v3;
	v3 =	vsel vm1, v6, v3  }
0xb4: {  	[tilespmem:s15+$0xB00] =	vst v3  }
0xb5: {  	v3 =	vld [tilespmem:$0xB00];
	_ =	sdelay $0x4  }
0xb6: {  	v4 =	vshll.u32 v3, $0x1  }
0xb7: {  	v3 =	vand.u32 $0x7, v3;
	v4 =	vand.u32 $0xFFFFFFF0, v4  }
0xb8: {  	v3 =	vor.u32 v3, v4  }
0xb9: {  	v4 =	vperm.xlane v3, v0;
	_ =	sdelay $0x1  }
0xba: {  	v3 =	vperm.xlane v3, v2;
	v4 =	vadd.s32 v1, v4;
	_ =	sdelay $0x1  }
0xbb: {  	v3 =	vadd.s32 v1, v3;
	_ =	sdelay $0x1  }
0xbc: {  	s12 =	simm.s32 $0x0  }
0xbd: {  	[tilespmem:s7], [sflag:$0x3] =	stream.indirect_vreg.gather [hbm4b:s1+s12], $0x80, v4, vm0, $0xb8;
	[tilespmem:$0x19780] =	vst v63  }
0xbe: {  	s16 =	simm.s32 $0x9F80  }
0xbf: {  	[tilespmem:s16], [sflag:$0x3] =	stream.indirect_vreg.gather [hbm4b:s1+s12], $0x80, v3, vm0, $0xb8;
	[tilespmem:$0x19780] =	vst v63  }
0xc0: {  	v3 =	vld [tilespmem:$0xB10];
	_ =	sdelay $0x4  }
0xc1: {  	v4 =	vshll.u32 v3, $0x1  }
0xc2: {  	v3 =	vand.u32 $0x7, v3;
	v4 =	vand.u32 $0xFFFFFFF0, v4  }
0xc3: {  	v3 =	vor.u32 v3, v4  }
0xc4: {  	v4 =	vperm.xlane v3, v0;
	_ =	sdelay $0x1  }
0xc5: {  	v3 =	vperm.xlane v3, v2;
	v4 =	vadd.s32 v1, v4;
	_ =	sdelay $0x1  }
0xc6: {  	v3 =	vadd.s32 v1, v3;
	_ =	sdelay $0x1  }
0xc7: {  	s18 =	simm.s32 $0xA780  }
0xc8: {  	[tilespmem:s18], [sflag:$0x3] =	stream.indirect_vreg.gather [hbm4b:s1+s12], $0x80, v4, vm0, $0xb8;
	[tilespmem:$0x19780] =	vst v63  }
0xc9: {  	s19 =	simm.s32 $0xAF80  }
0xca: {  	[tilespmem:s19], [sflag:$0x3] =	stream.indirect_vreg.gather [hbm4b:s1+s12], $0x80, v3, vm0, $0xb8;
	[tilespmem:$0x19780] =	vst v63  }
0xcb: {  	v3 =	vld [tilespmem:$0xB20];
	_ =	sdelay $0x4  }
0xcc: {  	v4 =	vshll.u32 v3, $0x1  }
0xcd: {  	v3 =	vand.u32 $0x7, v3;
	v4 =	vand.u32 $0xFFFFFFF0, v4  }
0xce: {  	v3 =	vor.u32 v3, v4  }
0xcf: {  	v4 =	vperm.xlane v3, v0;
	_ =	sdelay $0x1  }
0xd0: {  	v3 =	vperm.xlane v3, v2;
	v4 =	vadd.s32 v1, v4;
	_ =	sdelay $0x1  }
0xd1: {  	v3 =	vadd.s32 v1, v3;
	_ =	sdelay $0x1  }
0xd2: {  	s20 =	simm.s32 $0xB780  }
0xd3: {  	[tilespmem:s20], [sflag:$0x3] =	stream.indirect_vreg.gather [hbm4b:s1+s12], $0x80, v4, vm0, $0xb8;
	[tilespmem:$0x19780] =	vst v63  }
0xd4: {  	s21 =	simm.s32 $0xBF80  }
0xd5: {  	[tilespmem:s21], [sflag:$0x3] =	stream.indirect_vreg.gather [hbm4b:s1+s12], $0x80, v3, vm0, $0xb8;
	[tilespmem:$0x19780] =	vst v63  }
0xd6: {  	v3 =	vld [tilespmem:$0xB30];
	_ =	sdelay $0x4  }
0xd7: {  	v4 =	vshll.u32 v3, $0x1  }
0xd8: {  	v3 =	vand.u32 $0x7, v3;
	v4 =	vand.u32 $0xFFFFFFF0, v4  }
0xd9: {  	v3 =	vor.u32 v3, v4  }
0xda: {  	v4 =	vperm.xlane v3, v0;
	_ =	sdelay $0x1  }
0xdb: {  	v3 =	vperm.xlane v3, v2;
	v4 =	vadd.s32 v1, v4;
	_ =	sdelay $0x1  }
0xdc: {  	v3 =	vadd.s32 v1, v3;
	_ =	sdelay $0x1  }
0xdd: {  	s15 =	simm.s32 $0xC780  }
0xde: {  	[tilespmem:s15], [sflag:$0x3] =	stream.indirect_vreg.gather [hbm4b:s1+s12], $0x80, v4, vm0, $0xb8;
	[tilespmem:$0x19780] =	vst v63  }
0xdf: {  	s16 =	simm.s32 $0xCF80  }
0xe0: {  	[tilespmem:s16], [sflag:$0x3] =	stream.indirect_vreg.gather [hbm4b:s1+s12], $0x80, v3, vm0, $0xb8;
	[tilespmem:$0x19780] =	vst v63  }
0xe1: {  	v3 =	vld [tilespmem:$0xB40];
	_ =	sdelay $0x4  }
0xe2: {  	v4 =	vshll.u32 v3, $0x1  }
0xe3: {  	v3 =	vand.u32 $0x7, v3;
	v4 =	vand.u32 $0xFFFFFFF0, v4  }
0xe4: {  	v3 =	vor.u32 v3, v4  }
0xe5: {  	v4 =	vperm.xlane v3, v0;
	_ =	sdelay $0x1  }
0xe6: {  	v3 =	vperm.xlane v3, v2;
	v4 =	vadd.s32 v1, v4;
	_ =	sdelay $0x1  }
0xe7: {  	v3 =	vadd.s32 v1, v3;
	_ =	sdelay $0x1  }
0xe8: {  	s18 =	simm.s32 $0xD780  }
0xe9: {  	[tilespmem:s18], [sflag:$0x3] =	stream.indirect_vreg.gather [hbm4b:s1+s12], $0x80, v4, vm0, $0xb8;
	[tilespmem:$0x19780] =	vst v63  }
0xea: {  	s19 =	simm.s32 $0xDF80  }
0xeb: {  	[tilespmem:s19], [sflag:$0x3] =	stream.indirect_vreg.gather [hbm4b:s1+s12], $0x80, v3, vm0, $0xb8;
	[tilespmem:$0x19780] =	vst v63  }
0xec: {  	v3 =	vld [tilespmem:$0xB50];
	_ =	sdelay $0x4  }
0xed: {  	v4 =	vshll.u32 v3, $0x1  }
0xee: {  	v3 =	vand.u32 $0x7, v3;
	v4 =	vand.u32 $0xFFFFFFF0, v4  }
0xef: {  	v3 =	vor.u32 v3, v4  }
0xf0: {  	v4 =	vperm.xlane v3, v0;
	_ =	sdelay $0x1  }
0xf1: {  	v3 =	vperm.xlane v3, v2;
	v4 =	vadd.s32 v1, v4;
	_ =	sdelay $0x1  }
0xf2: {  	v3 =	vadd.s32 v1, v3;
	_ =	sdelay $0x1  }
0xf3: {  	s20 =	simm.s32 $0xE780  }
0xf4: {  	[tilespmem:s20], [sflag:$0x3] =	stream.indirect_vreg.gather [hbm4b:s1+s12], $0x80, v4, vm0, $0xb8;
	[tilespmem:$0x19780] =	vst v63  }
0xf5: {  	s21 =	simm.s32 $0xEF80  }
0xf6: {  	[tilespmem:s21], [sflag:$0x3] =	stream.indirect_vreg.gather [hbm4b:s1+s12], $0x80, v3, vm0, $0xb8;
	[tilespmem:$0x19780] =	vst v63  }
0xf7: {  	v3 =	vld [tilespmem:$0xB60];
	_ =	sdelay $0x4  }
0xf8: {  	v4 =	vshll.u32 v3, $0x1  }
0xf9: {  	v3 =	vand.u32 $0x7, v3;
	v4 =	vand.u32 $0xFFFFFFF0, v4  }
0xfa: {  	v3 =	vor.u32 v3, v4  }
0xfb: {  	v4 =	vperm.xlane v3, v0;
	_ =	sdelay $0x1  }
0xfc: {  	v3 =	vperm.xlane v3, v2;
	v4 =	vadd.s32 v1, v4;
	_ =	sdelay $0x1  }
0xfd: {  	v3 =	vadd.s32 v1, v3;
	_ =	sdelay $0x1  }
0xfe: {  	s15 =	simm.s32 $0xF780  }
0xff: {  	[tilespmem:s15], [sflag:$0x3] =	stream.indirect_vreg.gather [hbm4b:s1+s12], $0x80, v4, vm0, $0xb8;
	[tilespmem:$0x19780] =	vst v63  }
0x100: {  	s16 =	simm.s32 $0xFF80  }
0x101: {  	[tilespmem:s16], [sflag:$0x3] =	stream.indirect_vreg.gather [hbm4b:s1+s12], $0x80, v3, vm0, $0xb8;
	[tilespmem:$0x19780] =	vst v63  }
0x102: {  	v3 =	vld [tilespmem:$0xB70];
	_ =	sdelay $0x4  }
0x103: {  	v4 =	vshll.u32 v3, $0x1  }
0x104: {  	v3 =	vand.u32 $0x7, v3;
	v4 =	vand.u32 $0xFFFFFFF0, v4  }
0x105: {  	v3 =	vor.u32 v3, v4  }
0x106: {  	v4 =	vperm.xlane v3, v0;
	_ =	sdelay $0x1  }
0x107: {  	v3 =	vperm.xlane v3, v2;
	v4 =	vadd.s32 v1, v4;
	_ =	sdelay $0x1  }
0x108: {  	s19 =	smulhi.u32 $0x51EB851F, s23;
	v3 =	vadd.s32 v1, v3;
	_ =	sdelay $0x1  }
0x109: {  	s18 =	simm.s32 $0x10780;
	s21 =	sshrl.u32 s19, $0x4  }
0x10a: {  	[tilespmem:s18], [sflag:$0x3] =	stream.indirect_vreg.gather [hbm4b:s1+s12], $0x80, v4, vm0, $0xb8;
	[tilespmem:$0x19780] =	vst v63  }
0x10b: {  	s20 =	simm.s32 $0x10F80;
	s14 =	smul.u32 $0xFFFFFF38, s21  }
0x10c: {  	[tilespmem:s20], [sflag:$0x3] =	stream.indirect_vreg.gather [hbm4b:s1+s12], $0x80, v3, vm0, $0xb8;
	[tilespmem:$0x19780] =	vst v63  }
0x10d: {  	s12 =	simm.s32 $0x0  }
0x10e: {  	s14 =	sshra.s32 s14, $0x2;
	v3 =	vld [tilespmem:s12+$0x680]  }
0x10f: {  	s19 =	sadd.s32 s14, s23;
	s14 =	sadd.s32 $0x10, s23;
	s15 =	simm.s32 $0x40;
	v4 =	vld [tilespmem:s12+$0x180]  }
0x110: {  	s16 =	simm.s32 $0x80;
	s18 =	smulhi.u32 $0x51EB851F, s14;
	s20 =	smov.u32 s23;
	v5 =	vld [tilespmem:s19+$0x0]  }
.LBB2_6:
0x111: {  	_ = 	snop  }
0x112: {  	p1 =	sne.s32 s16, $0x1C0;
	s18 =	sshrl.u32 s18, $0x4  }
0x113: {  	s18 =	smul.u32 $0xFFFFFF38, s18  }
.Ltmp2:
0x114: {  	(pc) =	sbr.rel @p1 .LBB2_6-.Ltmp2, $4  }
0x115: {  	s19 =	sshra.s32 s15, $0x2;
	s15 =	smov.u32 s16;
	vm1 =	vlt.f32 v4, $5.000000000e-01  }
0x116: {  	s20 =	sadd.s32 $0x10, s20;
	s18 =	sshra.s32 s18, $0x2;
	[tilespmem:s12+$0x1380] =	vst v5;
	v5 =	vsel vm1, v3, v5;
	v3 =	vld [tilespmem:s19+$0x680]  }
0x117: {  	s14 =	sadd.s32 $0x10, s14;
	s21 =	sadd.s32 s18, s20;
	v4 =	vld [tilespmem:s19+$0x180];
	[tilespmem:s12+$0xB80] =	vst v5;
	s12 =	smov.u32 s19  }
0x118: {  	s16 =	sadd.s32 $0x40, s16;
	s18 =	smulhi.u32 $0x51EB851F, s14;
	v5 =	vld [tilespmem:s21+$0x0]  }
0x119: {  	_ = 	snop  }
0x11a: {  	s14 =	sshrl.u32 s18, $0x4  }
0x11b: {  	s14 =	smul.u32 $0xFFFFFF38, s14  }
0x11c: {  	s15 =	sshra.s32 s15, $0x2;
	vm1 =	vlt.f32 v4, $5.000000000e-01  }
0x11d: {  	s16 =	sadd.s32 $0x10, s20;
	v6 =	vld [tilespmem:s15+$0x680];
	[tilespmem:s12+$0x1380] =	vst v5;
	s14 =	sshra.s32 s14, $0x2;
	v3 =	vsel vm1, v3, v5  }
0x11e: {  	v4 =	vld [tilespmem:s15+$0x180];
	s14 =	sadd.s32 s14, s16;
	[tilespmem:s12+$0xB80] =	vst v3  }
0x11f: {  	v3 =	vld [tilespmem:s14+$0x0];
	_ =	sdelay $0x3  }
0x120: {  	vm1 =	vlt.f32 v4, $5.000000000e-01  }
0x121: {  	[tilespmem:s15+$0x1380] =	vst v3;
	v3 =	vsel vm1, v6, v3  }
0x122: {  	[tilespmem:s15+$0xB80] =	vst v3  }
0x123: {  	v3 =	vld [tilespmem:$0xB80];
	_ =	sdelay $0x4  }
0x124: {  	v4 =	vshll.u32 v3, $0x1  }
0x125: {  	v3 =	vand.u32 $0x7, v3;
	v4 =	vand.u32 $0xFFFFFFF0, v4  }
0x126: {  	v3 =	vor.u32 v3, v4  }
0x127: {  	v4 =	vperm.xlane v3, v0;
	_ =	sdelay $0x1  }
0x128: {  	v3 =	vperm.xlane v3, v2;
	v4 =	vadd.s32 v1, v4;
	_ =	sdelay $0x1  }
0x129: {  	v3 =	vadd.s32 v1, v3;
	_ =	sdelay $0x1  }
0x12a: {  	s12 =	simm.s32 $0x0  }
0x12b: {  	[tilespmem:s17], [sflag:$0x4] =	stream.indirect_vreg.gather [hbm4b:s1+s12], $0x80, v4, vm0, $0xb8;
	[tilespmem:$0x19780] =	vst v63  }
0x12c: {  	s15 =	simm.s32 $0x11F80  }
0x12d: {  	[tilespmem:s15], [sflag:$0x4] =	stream.indirect_vreg.gather [hbm4b:s1+s12], $0x80, v3, vm0, $0xb8;
	[tilespmem:$0x19780] =	vst v63  }
0x12e: {  	v3 =	vld [tilespmem:$0xB90];
	_ =	sdelay $0x4  }
0x12f: {  	v4 =	vshll.u32 v3, $0x1  }
0x130: {  	v3 =	vand.u32 $0x7, v3;
	v4 =	vand.u32 $0xFFFFFFF0, v4  }
0x131: {  	v3 =	vor.u32 v3, v4  }
0x132: {  	v4 =	vperm.xlane v3, v0;
	_ =	sdelay $0x1  }
0x133: {  	v3 =	vperm.xlane v3, v2;
	v4 =	vadd.s32 v1, v4;
	_ =	sdelay $0x1  }
0x134: {  	v3 =	vadd.s32 v1, v3;
	_ =	sdelay $0x1  }
0x135: {  	s16 =	simm.s32 $0x12780  }
0x136: {  	[tilespmem:s16], [sflag:$0x4] =	stream.indirect_vreg.gather [hbm4b:s1+s12], $0x80, v4, vm0, $0xb8;
	[tilespmem:$0x19780] =	vst v63  }
0x137: {  	s18 =	simm.s32 $0x12F80  }
0x138: {  	[tilespmem:s18], [sflag:$0x4] =	stream.indirect_vreg.gather [hbm4b:s1+s12], $0x80, v3, vm0, $0xb8;
	[tilespmem:$0x19780] =	vst v63  }
0x139: {  	v3 =	vld [tilespmem:$0xBA0];
	_ =	sdelay $0x4  }
0x13a: {  	v4 =	vshll.u32 v3, $0x1  }
0x13b: {  	v3 =	vand.u32 $0x7, v3;
	v4 =	vand.u32 $0xFFFFFFF0, v4  }
0x13c: {  	v3 =	vor.u32 v3, v4  }
0x13d: {  	v4 =	vperm.xlane v3, v0;
	_ =	sdelay $0x1  }
0x13e: {  	v3 =	vperm.xlane v3, v2;
	v4 =	vadd.s32 v1, v4;
	_ =	sdelay $0x1  }
0x13f: {  	v3 =	vadd.s32 v1, v3;
	_ =	sdelay $0x1  }
0x140: {  	s19 =	simm.s32 $0x13780  }
0x141: {  	[tilespmem:s19], [sflag:$0x4] =	stream.indirect_vreg.gather [hbm4b:s1+s12], $0x80, v4, vm0, $0xb8;
	[tilespmem:$0x19780] =	vst v63  }
0x142: {  	s20 =	simm.s32 $0x13F80  }
0x143: {  	[tilespmem:s20], [sflag:$0x4] =	stream.indirect_vreg.gather [hbm4b:s1+s12], $0x80, v3, vm0, $0xb8;
	[tilespmem:$0x19780] =	vst v63  }
0x144: {  	v3 =	vld [tilespmem:$0xBB0];
	_ =	sdelay $0x4  }
0x145: {  	v4 =	vshll.u32 v3, $0x1  }
0x146: {  	v3 =	vand.u32 $0x7, v3;
	v4 =	vand.u32 $0xFFFFFFF0, v4  }
0x147: {  	v3 =	vor.u32 v3, v4  }
0x148: {  	v4 =	vperm.xlane v3, v0;
	_ =	sdelay $0x1  }
0x149: {  	v3 =	vperm.xlane v3, v2;
	v4 =	vadd.s32 v1, v4;
	_ =	sdelay $0x1  }
0x14a: {  	v3 =	vadd.s32 v1, v3;
	_ =	sdelay $0x1  }
0x14b: {  	s21 =	simm.s32 $0x14780  }
0x14c: {  	[tilespmem:s21], [sflag:$0x4] =	stream.indirect_vreg.gather [hbm4b:s1+s12], $0x80, v4, vm0, $0xb8;
	[tilespmem:$0x19780] =	vst v63  }
0x14d: {  	s15 =	simm.s32 $0x14F80  }
0x14e: {  	[tilespmem:s15], [sflag:$0x4] =	stream.indirect_vreg.gather [hbm4b:s1+s12], $0x80, v3, vm0, $0xb8;
	[tilespmem:$0x19780] =	vst v63  }
0x14f: {  	v3 =	vld [tilespmem:$0xBC0];
	_ =	sdelay $0x4  }
0x150: {  	v4 =	vshll.u32 v3, $0x1  }
0x151: {  	v3 =	vand.u32 $0x7, v3;
	v4 =	vand.u32 $0xFFFFFFF0, v4  }
0x152: {  	v3 =	vor.u32 v3, v4  }
0x153: {  	v4 =	vperm.xlane v3, v0;
	_ =	sdelay $0x1  }
0x154: {  	v3 =	vperm.xlane v3, v2;
	v4 =	vadd.s32 v1, v4;
	_ =	sdelay $0x1  }
0x155: {  	v3 =	vadd.s32 v1, v3;
	_ =	sdelay $0x1  }
0x156: {  	s16 =	simm.s32 $0x15780  }
0x157: {  	[tilespmem:s16], [sflag:$0x4] =	stream.indirect_vreg.gather [hbm4b:s1+s12], $0x80, v4, vm0, $0xb8;
	[tilespmem:$0x19780] =	vst v63  }
0x158: {  	s18 =	simm.s32 $0x15F80  }
0x159: {  	[tilespmem:s18], [sflag:$0x4] =	stream.indirect_vreg.gather [hbm4b:s1+s12], $0x80, v3, vm0, $0xb8;
	[tilespmem:$0x19780] =	vst v63  }
0x15a: {  	v3 =	vld [tilespmem:$0xBD0];
	_ =	sdelay $0x4  }
0x15b: {  	v4 =	vshll.u32 v3, $0x1  }
0x15c: {  	v3 =	vand.u32 $0x7, v3;
	v4 =	vand.u32 $0xFFFFFFF0, v4  }
0x15d: {  	v3 =	vor.u32 v3, v4  }
0x15e: {  	v4 =	vperm.xlane v3, v0;
	_ =	sdelay $0x1  }
0x15f: {  	v3 =	vperm.xlane v3, v2;
	v4 =	vadd.s32 v1, v4;
	_ =	sdelay $0x1  }
0x160: {  	v3 =	vadd.s32 v1, v3;
	_ =	sdelay $0x1  }
0x161: {  	s19 =	simm.s32 $0x16780  }
0x162: {  	[tilespmem:s19], [sflag:$0x4] =	stream.indirect_vreg.gather [hbm4b:s1+s12], $0x80, v4, vm0, $0xb8;
	[tilespmem:$0x19780] =	vst v63  }
0x163: {  	s20 =	simm.s32 $0x16F80  }
0x164: {  	[tilespmem:s20], [sflag:$0x4] =	stream.indirect_vreg.gather [hbm4b:s1+s12], $0x80, v3, vm0, $0xb8;
	[tilespmem:$0x19780] =	vst v63  }
0x165: {  	v3 =	vld [tilespmem:$0xBE0];
	_ =	sdelay $0x4  }
0x166: {  	v4 =	vshll.u32 v3, $0x1  }
0x167: {  	v3 =	vand.u32 $0x7, v3;
	v4 =	vand.u32 $0xFFFFFFF0, v4  }
0x168: {  	v3 =	vor.u32 v3, v4  }
0x169: {  	v4 =	vperm.xlane v3, v0;
	_ =	sdelay $0x1  }
0x16a: {  	v3 =	vperm.xlane v3, v2;
	v4 =	vadd.s32 v1, v4;
	_ =	sdelay $0x1  }
0x16b: {  	v3 =	vadd.s32 v1, v3;
	_ =	sdelay $0x1  }
0x16c: {  	s21 =	simm.s32 $0x17780  }
0x16d: {  	[tilespmem:s21], [sflag:$0x4] =	stream.indirect_vreg.gather [hbm4b:s1+s12], $0x80, v4, vm0, $0xb8;
	[tilespmem:$0x19780] =	vst v63  }
0x16e: {  	s15 =	simm.s32 $0x17F80  }
0x16f: {  	[tilespmem:s15], [sflag:$0x4] =	stream.indirect_vreg.gather [hbm4b:s1+s12], $0x80, v3, vm0, $0xb8;
	[tilespmem:$0x19780] =	vst v63  }
0x170: {  	v3 =	vld [tilespmem:$0xBF0];
	_ =	sdelay $0x4  }
0x171: {  	v4 =	vshll.u32 v3, $0x1  }
0x172: {  	v3 =	vand.u32 $0x7, v3;
	v4 =	vand.u32 $0xFFFFFFF0, v4  }
0x173: {  	v3 =	vor.u32 v3, v4  }
0x174: {  	v4 =	vperm.xlane v3, v0;
	_ =	sdelay $0x1  }
0x175: {  	v3 =	vperm.xlane v3, v2;
	v4 =	vadd.s32 v1, v4;
	_ =	sdelay $0x1  }
0x176: {  	v3 =	vadd.s32 v1, v3;
	_ =	sdelay $0x1  }
0x177: {  	s16 =	simm.s32 $0x18780  }
0x178: {  	[tilespmem:s16], [sflag:$0x4] =	stream.indirect_vreg.gather [hbm4b:s1+s12], $0x80, v4, vm0, $0xb8;
	[tilespmem:$0x19780] =	vst v63  }
0x179: {  	s18 =	simm.s32 $0x18F80;
	s19 =	smulhi.u32 $0x51EB851F, s24  }
0x17a: {  	[tilespmem:s18], [sflag:$0x4] =	stream.indirect_vreg.gather [hbm4b:s1+s12], $0x80, v3, vm0, $0xb8;
	[tilespmem:$0x19780] =	vst v63  }
0x17b: {  	_ =	swait.ge [sflag:s4], $0x8000  }
0x17c: {  	s21 =	sshrl.u32 s19, $0x4;
	[sflag:s4] =	ssyncset.done $0x0  }
0x17d: {  	s14 =	smul.u32 $0xFFFFFF38, s21;
	s20 =	rddreg [dreg:$0x8];
	[sflag:s4] =	ssyncadd.s32 $0xFFFF8000  }
0x17e: {  	[hbm4b:s20+s12] =	stream.linear.scatter [tilespmem:s0], [sflag:$0x5], $0x8000, $0x38;
	[tilespmem:$0x19780] =	vst v63  }
0x17f: {  	s12 =	simm.s32 $0x0  }
0x180: {  	s14 =	sshra.s32 s14, $0x2;
	v3 =	vld [tilespmem:s12+$0x700]  }
0x181: {  	s15 =	simm.s32 $0x40;
	s19 =	sadd.s32 s14, s24;
	s14 =	sadd.s32 $0x10, s24;
	v4 =	vld [tilespmem:s12+$0x200]  }
0x182: {  	s16 =	simm.s32 $0x80;
	s18 =	smulhi.u32 $0x51EB851F, s14;
	s20 =	smov.u32 s24;
	v5 =	vld [tilespmem:s19+$0x0]  }
.LBB2_8:
0x183: {  	_ = 	snop  }
0x184: {  	p1 =	sne.s32 s16, $0x1C0;
	s18 =	sshrl.u32 s18, $0x4  }
0x185: {  	s18 =	smul.u32 $0xFFFFFF38, s18  }
.Ltmp3:
0x186: {  	(pc) =	sbr.rel @p1 .LBB2_8-.Ltmp3, $4  }
0x187: {  	s19 =	sshra.s32 s15, $0x2;
	s15 =	smov.u32 s16;
	vm1 =	vlt.f32 v4, $5.000000000e-01  }
0x188: {  	s20 =	sadd.s32 $0x10, s20;
	s18 =	sshra.s32 s18, $0x2;
	[tilespmem:s12+$0x1400] =	vst v5;
	v5 =	vsel vm1, v3, v5;
	v3 =	vld [tilespmem:s19+$0x700]  }
0x189: {  	s14 =	sadd.s32 $0x10, s14;
	s21 =	sadd.s32 s18, s20;
	v4 =	vld [tilespmem:s19+$0x200];
	[tilespmem:s12+$0xC00] =	vst v5;
	s12 =	smov.u32 s19  }
0x18a: {  	s16 =	sadd.s32 $0x40, s16;
	s18 =	smulhi.u32 $0x51EB851F, s14;
	v5 =	vld [tilespmem:s21+$0x0]  }
0x18b: {  	_ = 	snop  }
0x18c: {  	s14 =	sshrl.u32 s18, $0x4  }
0x18d: {  	s14 =	smul.u32 $0xFFFFFF38, s14  }
0x18e: {  	s15 =	sshra.s32 s15, $0x2;
	vm1 =	vlt.f32 v4, $5.000000000e-01  }
0x18f: {  	s16 =	sadd.s32 $0x10, s20;
	v6 =	vld [tilespmem:s15+$0x700];
	[tilespmem:s12+$0x1400] =	vst v5;
	s14 =	sshra.s32 s14, $0x2;
	v3 =	vsel vm1, v3, v5  }
0x190: {  	v4 =	vld [tilespmem:s15+$0x200];
	s14 =	sadd.s32 s14, s16;
	[tilespmem:s12+$0xC00] =	vst v3  }
0x191: {  	v3 =	vld [tilespmem:s14+$0x0];
	_ =	sdelay $0x3  }
0x192: {  	vm1 =	vlt.f32 v4, $5.000000000e-01  }
0x193: {  	[tilespmem:s15+$0x1400] =	vst v3;
	v3 =	vsel vm1, v6, v3  }
0x194: {  	[tilespmem:s15+$0xC00] =	vst v3  }
0x195: {  	_ =	swait.ge [sflag:s5], $0x8000  }
0x196: {  	[sflag:s5] =	ssyncset.done $0x0  }
0x197: {  	[sflag:s5] =	ssyncadd.s32 $0xFFFF8000  }
0x198: {  	v3 =	vld [tilespmem:$0xC00];
	_ =	sdelay $0x4  }
0x199: {  	v4 =	vshll.u32 v3, $0x1  }
0x19a: {  	v3 =	vand.u32 $0x7, v3;
	v4 =	vand.u32 $0xFFFFFFF0, v4  }
0x19b: {  	v3 =	vor.u32 v3, v4  }
0x19c: {  	v4 =	vperm.xlane v3, v0;
	_ =	sdelay $0x1  }
0x19d: {  	v3 =	vperm.xlane v3, v2;
	v4 =	vadd.s32 v1, v4;
	_ =	sdelay $0x1  }
0x19e: {  	v3 =	vadd.s32 v1, v3;
	_ =	sdelay $0x1  }
0x19f: {  	s12 =	simm.s32 $0x0  }
0x1a0: {  	[tilespmem:s0], [sflag:$0x2] =	stream.indirect_vreg.gather [hbm4b:s1+s12], $0x80, v4, vm0, $0xb8;
	[tilespmem:$0x19780] =	vst v63  }
0x1a1: {  	s15 =	simm.s32 $0x1F80  }
0x1a2: {  	[tilespmem:s15], [sflag:$0x2] =	stream.indirect_vreg.gather [hbm4b:s1+s12], $0x80, v3, vm0, $0xb8;
	[tilespmem:$0x19780] =	vst v63  }
0x1a3: {  	v3 =	vld [tilespmem:$0xC10];
	_ =	sdelay $0x4  }
0x1a4: {  	v4 =	vshll.u32 v3, $0x1  }
0x1a5: {  	v3 =	vand.u32 $0x7, v3;
	v4 =	vand.u32 $0xFFFFFFF0, v4  }
0x1a6: {  	v3 =	vor.u32 v3, v4  }
0x1a7: {  	v4 =	vperm.xlane v3, v0;
	_ =	sdelay $0x1  }
0x1a8: {  	v3 =	vperm.xlane v3, v2;
	v4 =	vadd.s32 v1, v4;
	_ =	sdelay $0x1  }
0x1a9: {  	v3 =	vadd.s32 v1, v3;
	_ =	sdelay $0x1  }
0x1aa: {  	s16 =	simm.s32 $0x2780  }
0x1ab: {  	[tilespmem:s16], [sflag:$0x2] =	stream.indirect_vreg.gather [hbm4b:s1+s12], $0x80, v4, vm0, $0xb8;
	[tilespmem:$0x19780] =	vst v63  }
0x1ac: {  	s18 =	simm.s32 $0x2F80  }
0x1ad: {  	[tilespmem:s18], [sflag:$0x2] =	stream.indirect_vreg.gather [hbm4b:s1+s12], $0x80, v3, vm0, $0xb8;
	[tilespmem:$0x19780] =	vst v63  }
0x1ae: {  	v3 =	vld [tilespmem:$0xC20];
	_ =	sdelay $0x4  }
0x1af: {  	v4 =	vshll.u32 v3, $0x1  }
0x1b0: {  	v3 =	vand.u32 $0x7, v3;
	v4 =	vand.u32 $0xFFFFFFF0, v4  }
0x1b1: {  	v3 =	vor.u32 v3, v4  }
0x1b2: {  	v4 =	vperm.xlane v3, v0;
	_ =	sdelay $0x1  }
0x1b3: {  	v3 =	vperm.xlane v3, v2;
	v4 =	vadd.s32 v1, v4;
	_ =	sdelay $0x1  }
0x1b4: {  	v3 =	vadd.s32 v1, v3;
	_ =	sdelay $0x1  }
0x1b5: {  	s19 =	simm.s32 $0x3780  }
0x1b6: {  	[tilespmem:s19], [sflag:$0x2] =	stream.indirect_vreg.gather [hbm4b:s1+s12], $0x80, v4, vm0, $0xb8;
	[tilespmem:$0x19780] =	vst v63  }
0x1b7: {  	s20 =	simm.s32 $0x3F80  }
0x1b8: {  	[tilespmem:s20], [sflag:$0x2] =	stream.indirect_vreg.gather [hbm4b:s1+s12], $0x80, v3, vm0, $0xb8;
	[tilespmem:$0x19780] =	vst v63  }
0x1b9: {  	v3 =	vld [tilespmem:$0xC30];
	_ =	sdelay $0x4  }
0x1ba: {  	v4 =	vshll.u32 v3, $0x1  }
0x1bb: {  	v3 =	vand.u32 $0x7, v3;
	v4 =	vand.u32 $0xFFFFFFF0, v4  }
0x1bc: {  	v3 =	vor.u32 v3, v4  }
0x1bd: {  	v4 =	vperm.xlane v3, v0;
	_ =	sdelay $0x1  }
0x1be: {  	v3 =	vperm.xlane v3, v2;
	v4 =	vadd.s32 v1, v4;
	_ =	sdelay $0x1  }
0x1bf: {  	v3 =	vadd.s32 v1, v3;
	_ =	sdelay $0x1  }
0x1c0: {  	s21 =	simm.s32 $0x4780  }
0x1c1: {  	[tilespmem:s21], [sflag:$0x2] =	stream.indirect_vreg.gather [hbm4b:s1+s12], $0x80, v4, vm0, $0xb8;
	[tilespmem:$0x19780] =	vst v63  }
0x1c2: {  	s15 =	simm.s32 $0x4F80  }
0x1c3: {  	[tilespmem:s15], [sflag:$0x2] =	stream.indirect_vreg.gather [hbm4b:s1+s12], $0x80, v3, vm0, $0xb8;
	[tilespmem:$0x19780] =	vst v63  }
0x1c4: {  	v3 =	vld [tilespmem:$0xC40];
	_ =	sdelay $0x4  }
0x1c5: {  	v4 =	vshll.u32 v3, $0x1  }
0x1c6: {  	v3 =	vand.u32 $0x7, v3;
	v4 =	vand.u32 $0xFFFFFFF0, v4  }
0x1c7: {  	v3 =	vor.u32 v3, v4  }
0x1c8: {  	v4 =	vperm.xlane v3, v0;
	_ =	sdelay $0x1  }
0x1c9: {  	v3 =	vperm.xlane v3, v2;
	v4 =	vadd.s32 v1, v4;
	_ =	sdelay $0x1  }
0x1ca: {  	v3 =	vadd.s32 v1, v3;
	_ =	sdelay $0x1  }
0x1cb: {  	s16 =	simm.s32 $0x5780  }
0x1cc: {  	[tilespmem:s16], [sflag:$0x2] =	stream.indirect_vreg.gather [hbm4b:s1+s12], $0x80, v4, vm0, $0xb8;
	[tilespmem:$0x19780] =	vst v63  }
0x1cd: {  	s18 =	simm.s32 $0x5F80  }
0x1ce: {  	[tilespmem:s18], [sflag:$0x2] =	stream.indirect_vreg.gather [hbm4b:s1+s12], $0x80, v3, vm0, $0xb8;
	[tilespmem:$0x19780] =	vst v63  }
0x1cf: {  	v3 =	vld [tilespmem:$0xC50];
	_ =	sdelay $0x4  }
0x1d0: {  	v4 =	vshll.u32 v3, $0x1  }
0x1d1: {  	v3 =	vand.u32 $0x7, v3;
	v4 =	vand.u32 $0xFFFFFFF0, v4  }
0x1d2: {  	v3 =	vor.u32 v3, v4  }
0x1d3: {  	v4 =	vperm.xlane v3, v0;
	_ =	sdelay $0x1  }
0x1d4: {  	v3 =	vperm.xlane v3, v2;
	v4 =	vadd.s32 v1, v4;
	_ =	sdelay $0x1  }
0x1d5: {  	v3 =	vadd.s32 v1, v3;
	_ =	sdelay $0x1  }
0x1d6: {  	s19 =	simm.s32 $0x6780  }
0x1d7: {  	[tilespmem:s19], [sflag:$0x2] =	stream.indirect_vreg.gather [hbm4b:s1+s12], $0x80, v4, vm0, $0xb8;
	[tilespmem:$0x19780] =	vst v63  }
0x1d8: {  	s20 =	simm.s32 $0x6F80  }
0x1d9: {  	[tilespmem:s20], [sflag:$0x2] =	stream.indirect_vreg.gather [hbm4b:s1+s12], $0x80, v3, vm0, $0xb8;
	[tilespmem:$0x19780] =	vst v63  }
0x1da: {  	v3 =	vld [tilespmem:$0xC60];
	_ =	sdelay $0x4  }
0x1db: {  	v4 =	vshll.u32 v3, $0x1  }
0x1dc: {  	v3 =	vand.u32 $0x7, v3;
	v4 =	vand.u32 $0xFFFFFFF0, v4  }
0x1dd: {  	v3 =	vor.u32 v3, v4  }
0x1de: {  	v4 =	vperm.xlane v3, v0;
	_ =	sdelay $0x1  }
0x1df: {  	v3 =	vperm.xlane v3, v2;
	v4 =	vadd.s32 v1, v4;
	_ =	sdelay $0x1  }
0x1e0: {  	v3 =	vadd.s32 v1, v3;
	_ =	sdelay $0x1  }
0x1e1: {  	s21 =	simm.s32 $0x7780  }
0x1e2: {  	[tilespmem:s21], [sflag:$0x2] =	stream.indirect_vreg.gather [hbm4b:s1+s12], $0x80, v4, vm0, $0xb8;
	[tilespmem:$0x19780] =	vst v63  }
0x1e3: {  	s15 =	simm.s32 $0x7F80  }
0x1e4: {  	[tilespmem:s15], [sflag:$0x2] =	stream.indirect_vreg.gather [hbm4b:s1+s12], $0x80, v3, vm0, $0xb8;
	[tilespmem:$0x19780] =	vst v63  }
0x1e5: {  	v3 =	vld [tilespmem:$0xC70];
	_ =	sdelay $0x4  }
0x1e6: {  	v4 =	vshll.u32 v3, $0x1  }
0x1e7: {  	v3 =	vand.u32 $0x7, v3;
	v4 =	vand.u32 $0xFFFFFFF0, v4  }
0x1e8: {  	v3 =	vor.u32 v3, v4  }
0x1e9: {  	v4 =	vperm.xlane v3, v0;
	_ =	sdelay $0x1  }
0x1ea: {  	v3 =	vperm.xlane v3, v2;
	v4 =	vadd.s32 v1, v4;
	_ =	sdelay $0x1  }
0x1eb: {  	v3 =	vadd.s32 v1, v3;
	_ =	sdelay $0x1  }
0x1ec: {  	s16 =	simm.s32 $0x8780  }
0x1ed: {  	[tilespmem:s16], [sflag:$0x2] =	stream.indirect_vreg.gather [hbm4b:s1+s12], $0x80, v4, vm0, $0xb8;
	[tilespmem:$0x19780] =	vst v63  }
0x1ee: {  	s18 =	simm.s32 $0x8F80;
	s19 =	smulhi.u32 $0x51EB851F, s25  }
0x1ef: {  	[tilespmem:s18], [sflag:$0x2] =	stream.indirect_vreg.gather [hbm4b:s1+s12], $0x80, v3, vm0, $0xb8;
	[tilespmem:$0x19780] =	vst v63  }
0x1f0: {  	_ =	swait.ge [sflag:s6], $0x8000  }
0x1f1: {  	s21 =	sshrl.u32 s19, $0x4;
	[sflag:s6] =	ssyncset.done $0x0  }
0x1f2: {  	s14 =	smul.u32 $0xFFFFFF38, s21;
	s20 =	rddreg [dreg:$0x9];
	[sflag:s6] =	ssyncadd.s32 $0xFFFF8000  }
0x1f3: {  	[hbm4b:s20+s12] =	stream.linear.scatter [tilespmem:s7], [sflag:$0x6], $0x8000, $0x38;
	[tilespmem:$0x19780] =	vst v63  }
0x1f4: {  	s12 =	simm.s32 $0x0  }
0x1f5: {  	s14 =	sshra.s32 s14, $0x2;
	v3 =	vld [tilespmem:s12+$0x780]  }
0x1f6: {  	s15 =	simm.s32 $0x40;
	s19 =	sadd.s32 s14, s25;
	s14 =	sadd.s32 $0x10, s25;
	v4 =	vld [tilespmem:s12+$0x280]  }
0x1f7: {  	s16 =	simm.s32 $0x80;
	s18 =	smulhi.u32 $0x51EB851F, s14;
	s20 =	smov.u32 s25;
	v5 =	vld [tilespmem:s19+$0x0]  }
.LBB2_10:
0x1f8: {  	_ = 	snop  }
0x1f9: {  	p1 =	sne.s32 s16, $0x1C0;
	s18 =	sshrl.u32 s18, $0x4  }
0x1fa: {  	s18 =	smul.u32 $0xFFFFFF38, s18  }
.Ltmp4:
0x1fb: {  	(pc) =	sbr.rel @p1 .LBB2_10-.Ltmp4, $4  }
0x1fc: {  	s19 =	sshra.s32 s15, $0x2;
	s15 =	smov.u32 s16;
	vm1 =	vlt.f32 v4, $5.000000000e-01  }
0x1fd: {  	s20 =	sadd.s32 $0x10, s20;
	s18 =	sshra.s32 s18, $0x2;
	[tilespmem:s12+$0x1480] =	vst v5;
	v5 =	vsel vm1, v3, v5;
	v3 =	vld [tilespmem:s19+$0x780]  }
0x1fe: {  	s14 =	sadd.s32 $0x10, s14;
	s21 =	sadd.s32 s18, s20;
	v4 =	vld [tilespmem:s19+$0x280];
	[tilespmem:s12+$0xC80] =	vst v5;
	s12 =	smov.u32 s19  }
0x1ff: {  	s16 =	sadd.s32 $0x40, s16;
	s18 =	smulhi.u32 $0x51EB851F, s14;
	v5 =	vld [tilespmem:s21+$0x0]  }
0x200: {  	_ = 	snop  }
0x201: {  	s14 =	sshrl.u32 s18, $0x4  }
0x202: {  	s14 =	smul.u32 $0xFFFFFF38, s14  }
0x203: {  	s15 =	sshra.s32 s15, $0x2;
	vm1 =	vlt.f32 v4, $5.000000000e-01  }
0x204: {  	s16 =	sadd.s32 $0x10, s20;
	v6 =	vld [tilespmem:s15+$0x780];
	[tilespmem:s12+$0x1480] =	vst v5;
	s14 =	sshra.s32 s14, $0x2;
	v3 =	vsel vm1, v3, v5  }
0x205: {  	v4 =	vld [tilespmem:s15+$0x280];
	s14 =	sadd.s32 s14, s16;
	[tilespmem:s12+$0xC80] =	vst v3  }
0x206: {  	v3 =	vld [tilespmem:s14+$0x0];
	_ =	sdelay $0x3  }
0x207: {  	vm1 =	vlt.f32 v4, $5.000000000e-01  }
0x208: {  	[tilespmem:s15+$0x1480] =	vst v3;
	v3 =	vsel vm1, v6, v3  }
0x209: {  	[tilespmem:s15+$0xC80] =	vst v3  }
0x20a: {  	_ =	swait.ge [sflag:s8], $0x8000  }
0x20b: {  	[sflag:s8] =	ssyncset.done $0x0  }
0x20c: {  	[sflag:s8] =	ssyncadd.s32 $0xFFFF8000  }
0x20d: {  	v3 =	vld [tilespmem:$0xC80];
	_ =	sdelay $0x4  }
0x20e: {  	v4 =	vshll.u32 v3, $0x1  }
0x20f: {  	v3 =	vand.u32 $0x7, v3;
	v4 =	vand.u32 $0xFFFFFFF0, v4  }
0x210: {  	v3 =	vor.u32 v3, v4  }
0x211: {  	v4 =	vperm.xlane v3, v0;
	_ =	sdelay $0x1  }
0x212: {  	v3 =	vperm.xlane v3, v2;
	v4 =	vadd.s32 v1, v4;
	_ =	sdelay $0x1  }
0x213: {  	v3 =	vadd.s32 v1, v3;
	_ =	sdelay $0x1  }
0x214: {  	s12 =	simm.s32 $0x0  }
0x215: {  	[tilespmem:s7], [sflag:$0x3] =	stream.indirect_vreg.gather [hbm4b:s1+s12], $0x80, v4, vm0, $0xb8;
	[tilespmem:$0x19780] =	vst v63  }
0x216: {  	s15 =	simm.s32 $0x9F80  }
0x217: {  	[tilespmem:s15], [sflag:$0x3] =	stream.indirect_vreg.gather [hbm4b:s1+s12], $0x80, v3, vm0, $0xb8;
	[tilespmem:$0x19780] =	vst v63  }
0x218: {  	v3 =	vld [tilespmem:$0xC90];
	_ =	sdelay $0x4  }
0x219: {  	v4 =	vshll.u32 v3, $0x1  }
0x21a: {  	v3 =	vand.u32 $0x7, v3;
	v4 =	vand.u32 $0xFFFFFFF0, v4  }
0x21b: {  	v3 =	vor.u32 v3, v4  }
0x21c: {  	v4 =	vperm.xlane v3, v0;
	_ =	sdelay $0x1  }
0x21d: {  	v3 =	vperm.xlane v3, v2;
	v4 =	vadd.s32 v1, v4;
	_ =	sdelay $0x1  }
0x21e: {  	v3 =	vadd.s32 v1, v3;
	_ =	sdelay $0x1  }
0x21f: {  	s16 =	simm.s32 $0xA780  }
0x220: {  	[tilespmem:s16], [sflag:$0x3] =	stream.indirect_vreg.gather [hbm4b:s1+s12], $0x80, v4, vm0, $0xb8;
	[tilespmem:$0x19780] =	vst v63  }
0x221: {  	s18 =	simm.s32 $0xAF80  }
0x222: {  	[tilespmem:s18], [sflag:$0x3] =	stream.indirect_vreg.gather [hbm4b:s1+s12], $0x80, v3, vm0, $0xb8;
	[tilespmem:$0x19780] =	vst v63  }
0x223: {  	v3 =	vld [tilespmem:$0xCA0];
	_ =	sdelay $0x4  }
0x224: {  	v4 =	vshll.u32 v3, $0x1  }
0x225: {  	v3 =	vand.u32 $0x7, v3;
	v4 =	vand.u32 $0xFFFFFFF0, v4  }
0x226: {  	v3 =	vor.u32 v3, v4  }
0x227: {  	v4 =	vperm.xlane v3, v0;
	_ =	sdelay $0x1  }
0x228: {  	v3 =	vperm.xlane v3, v2;
	v4 =	vadd.s32 v1, v4;
	_ =	sdelay $0x1  }
0x229: {  	v3 =	vadd.s32 v1, v3;
	_ =	sdelay $0x1  }
0x22a: {  	s19 =	simm.s32 $0xB780  }
0x22b: {  	[tilespmem:s19], [sflag:$0x3] =	stream.indirect_vreg.gather [hbm4b:s1+s12], $0x80, v4, vm0, $0xb8;
	[tilespmem:$0x19780] =	vst v63  }
0x22c: {  	s20 =	simm.s32 $0xBF80  }
0x22d: {  	[tilespmem:s20], [sflag:$0x3] =	stream.indirect_vreg.gather [hbm4b:s1+s12], $0x80, v3, vm0, $0xb8;
	[tilespmem:$0x19780] =	vst v63  }
0x22e: {  	v3 =	vld [tilespmem:$0xCB0];
	_ =	sdelay $0x4  }
0x22f: {  	v4 =	vshll.u32 v3, $0x1  }
0x230: {  	v3 =	vand.u32 $0x7, v3;
	v4 =	vand.u32 $0xFFFFFFF0, v4  }
0x231: {  	v3 =	vor.u32 v3, v4  }
0x232: {  	v4 =	vperm.xlane v3, v0;
	_ =	sdelay $0x1  }
0x233: {  	v3 =	vperm.xlane v3, v2;
	v4 =	vadd.s32 v1, v4;
	_ =	sdelay $0x1  }
0x234: {  	v3 =	vadd.s32 v1, v3;
	_ =	sdelay $0x1  }
0x235: {  	s21 =	simm.s32 $0xC780  }
0x236: {  	[tilespmem:s21], [sflag:$0x3] =	stream.indirect_vreg.gather [hbm4b:s1+s12], $0x80, v4, vm0, $0xb8;
	[tilespmem:$0x19780] =	vst v63  }
0x237: {  	s15 =	simm.s32 $0xCF80  }
0x238: {  	[tilespmem:s15], [sflag:$0x3] =	stream.indirect_vreg.gather [hbm4b:s1+s12], $0x80, v3, vm0, $0xb8;
	[tilespmem:$0x19780] =	vst v63  }
0x239: {  	v3 =	vld [tilespmem:$0xCC0];
	_ =	sdelay $0x4  }
0x23a: {  	v4 =	vshll.u32 v3, $0x1  }
0x23b: {  	v3 =	vand.u32 $0x7, v3;
	v4 =	vand.u32 $0xFFFFFFF0, v4  }
0x23c: {  	v3 =	vor.u32 v3, v4  }
0x23d: {  	v4 =	vperm.xlane v3, v0;
	_ =	sdelay $0x1  }
0x23e: {  	v3 =	vperm.xlane v3, v2;
	v4 =	vadd.s32 v1, v4;
	_ =	sdelay $0x1  }
0x23f: {  	v3 =	vadd.s32 v1, v3;
	_ =	sdelay $0x1  }
0x240: {  	s16 =	simm.s32 $0xD780  }
0x241: {  	[tilespmem:s16], [sflag:$0x3] =	stream.indirect_vreg.gather [hbm4b:s1+s12], $0x80, v4, vm0, $0xb8;
	[tilespmem:$0x19780] =	vst v63  }
0x242: {  	s18 =	simm.s32 $0xDF80  }
0x243: {  	[tilespmem:s18], [sflag:$0x3] =	stream.indirect_vreg.gather [hbm4b:s1+s12], $0x80, v3, vm0, $0xb8;
	[tilespmem:$0x19780] =	vst v63  }
0x244: {  	v3 =	vld [tilespmem:$0xCD0];
	_ =	sdelay $0x4  }
0x245: {  	v4 =	vshll.u32 v3, $0x1  }
0x246: {  	v3 =	vand.u32 $0x7, v3;
	v4 =	vand.u32 $0xFFFFFFF0, v4  }
0x247: {  	v3 =	vor.u32 v3, v4  }
0x248: {  	v4 =	vperm.xlane v3, v0;
	_ =	sdelay $0x1  }
0x249: {  	v3 =	vperm.xlane v3, v2;
	v4 =	vadd.s32 v1, v4;
	_ =	sdelay $0x1  }
0x24a: {  	v3 =	vadd.s32 v1, v3;
	_ =	sdelay $0x1  }
0x24b: {  	s19 =	simm.s32 $0xE780  }
0x24c: {  	[tilespmem:s19], [sflag:$0x3] =	stream.indirect_vreg.gather [hbm4b:s1+s12], $0x80, v4, vm0, $0xb8;
	[tilespmem:$0x19780] =	vst v63  }
0x24d: {  	s20 =	simm.s32 $0xEF80  }
0x24e: {  	[tilespmem:s20], [sflag:$0x3] =	stream.indirect_vreg.gather [hbm4b:s1+s12], $0x80, v3, vm0, $0xb8;
	[tilespmem:$0x19780] =	vst v63  }
0x24f: {  	v3 =	vld [tilespmem:$0xCE0];
	_ =	sdelay $0x4  }
0x250: {  	v4 =	vshll.u32 v3, $0x1  }
0x251: {  	v3 =	vand.u32 $0x7, v3;
	v4 =	vand.u32 $0xFFFFFFF0, v4  }
0x252: {  	v3 =	vor.u32 v3, v4  }
0x253: {  	v4 =	vperm.xlane v3, v0;
	_ =	sdelay $0x1  }
0x254: {  	v3 =	vperm.xlane v3, v2;
	v4 =	vadd.s32 v1, v4;
	_ =	sdelay $0x1  }
0x255: {  	v3 =	vadd.s32 v1, v3;
	_ =	sdelay $0x1  }
0x256: {  	s21 =	simm.s32 $0xF780  }
0x257: {  	[tilespmem:s21], [sflag:$0x3] =	stream.indirect_vreg.gather [hbm4b:s1+s12], $0x80, v4, vm0, $0xb8;
	[tilespmem:$0x19780] =	vst v63  }
0x258: {  	s15 =	simm.s32 $0xFF80  }
0x259: {  	[tilespmem:s15], [sflag:$0x3] =	stream.indirect_vreg.gather [hbm4b:s1+s12], $0x80, v3, vm0, $0xb8;
	[tilespmem:$0x19780] =	vst v63  }
0x25a: {  	v3 =	vld [tilespmem:$0xCF0];
	_ =	sdelay $0x4  }
0x25b: {  	v4 =	vshll.u32 v3, $0x1  }
0x25c: {  	v3 =	vand.u32 $0x7, v3;
	v4 =	vand.u32 $0xFFFFFFF0, v4  }
0x25d: {  	v3 =	vor.u32 v3, v4  }
0x25e: {  	v4 =	vperm.xlane v3, v0;
	_ =	sdelay $0x1  }
0x25f: {  	v3 =	vperm.xlane v3, v2;
	v4 =	vadd.s32 v1, v4;
	_ =	sdelay $0x1  }
0x260: {  	v3 =	vadd.s32 v1, v3;
	_ =	sdelay $0x1  }
0x261: {  	s16 =	simm.s32 $0x10780  }
0x262: {  	[tilespmem:s16], [sflag:$0x3] =	stream.indirect_vreg.gather [hbm4b:s1+s12], $0x80, v4, vm0, $0xb8;
	[tilespmem:$0x19780] =	vst v63  }
0x263: {  	s18 =	simm.s32 $0x10F80;
	s19 =	smulhi.u32 $0x51EB851F, s26  }
0x264: {  	[tilespmem:s18], [sflag:$0x3] =	stream.indirect_vreg.gather [hbm4b:s1+s12], $0x80, v3, vm0, $0xb8;
	[tilespmem:$0x19780] =	vst v63  }
0x265: {  	_ =	swait.ge [sflag:s9], $0x8000  }
0x266: {  	s21 =	sshrl.u32 s19, $0x4;
	[sflag:s9] =	ssyncset.done $0x0  }
0x267: {  	s14 =	smul.u32 $0xFFFFFF38, s21;
	s20 =	rddreg [dreg:$0xa];
	[sflag:s9] =	ssyncadd.s32 $0xFFFF8000  }
0x268: {  	[hbm4b:s20+s12] =	stream.linear.scatter [tilespmem:s17], [sflag:$0x7], $0x8000, $0x38;
	[tilespmem:$0x19780] =	vst v63  }
0x269: {  	s12 =	simm.s32 $0x0  }
0x26a: {  	s14 =	sshra.s32 s14, $0x2;
	v3 =	vld [tilespmem:s12+$0x800]  }
0x26b: {  	s15 =	simm.s32 $0x40;
	s19 =	sadd.s32 s14, s26;
	s14 =	sadd.s32 $0x10, s26;
	v4 =	vld [tilespmem:s12+$0x300]  }
0x26c: {  	s16 =	simm.s32 $0x80;
	s18 =	smulhi.u32 $0x51EB851F, s14;
	s20 =	smov.u32 s26;
	v5 =	vld [tilespmem:s19+$0x0]  }
.LBB2_12:
0x26d: {  	_ = 	snop  }
0x26e: {  	p1 =	sne.s32 s16, $0x1C0;
	s18 =	sshrl.u32 s18, $0x4  }
0x26f: {  	s18 =	smul.u32 $0xFFFFFF38, s18  }
.Ltmp5:
0x270: {  	(pc) =	sbr.rel @p1 .LBB2_12-.Ltmp5, $4  }
0x271: {  	s19 =	sshra.s32 s15, $0x2;
	s15 =	smov.u32 s16;
	vm1 =	vlt.f32 v4, $5.000000000e-01  }
0x272: {  	s20 =	sadd.s32 $0x10, s20;
	s18 =	sshra.s32 s18, $0x2;
	[tilespmem:s12+$0x1500] =	vst v5;
	v5 =	vsel vm1, v3, v5;
	v3 =	vld [tilespmem:s19+$0x800]  }
0x273: {  	s14 =	sadd.s32 $0x10, s14;
	s21 =	sadd.s32 s18, s20;
	v4 =	vld [tilespmem:s19+$0x300];
	[tilespmem:s12+$0xD00] =	vst v5;
	s12 =	smov.u32 s19  }
0x274: {  	s16 =	sadd.s32 $0x40, s16;
	s18 =	smulhi.u32 $0x51EB851F, s14;
	v5 =	vld [tilespmem:s21+$0x0]  }
0x275: {  	_ = 	snop  }
0x276: {  	s14 =	sshrl.u32 s18, $0x4  }
0x277: {  	s14 =	smul.u32 $0xFFFFFF38, s14  }
0x278: {  	s15 =	sshra.s32 s15, $0x2;
	vm1 =	vlt.f32 v4, $5.000000000e-01  }
0x279: {  	s16 =	sadd.s32 $0x10, s20;
	v6 =	vld [tilespmem:s15+$0x800];
	[tilespmem:s12+$0x1500] =	vst v5;
	s14 =	sshra.s32 s14, $0x2;
	v3 =	vsel vm1, v3, v5  }
0x27a: {  	v4 =	vld [tilespmem:s15+$0x300];
	s14 =	sadd.s32 s14, s16;
	[tilespmem:s12+$0xD00] =	vst v3  }
0x27b: {  	v3 =	vld [tilespmem:s14+$0x0];
	_ =	sdelay $0x3  }
0x27c: {  	vm1 =	vlt.f32 v4, $5.000000000e-01  }
0x27d: {  	[tilespmem:s15+$0x1500] =	vst v3;
	v3 =	vsel vm1, v6, v3  }
0x27e: {  	[tilespmem:s15+$0xD00] =	vst v3  }
0x27f: {  	_ =	swait.ge [sflag:s10], $0x8000  }
0x280: {  	[sflag:s10] =	ssyncset.done $0x0  }
0x281: {  	[sflag:s10] =	ssyncadd.s32 $0xFFFF8000  }
0x282: {  	v3 =	vld [tilespmem:$0xD00];
	_ =	sdelay $0x4  }
0x283: {  	v4 =	vshll.u32 v3, $0x1  }
0x284: {  	v3 =	vand.u32 $0x7, v3;
	v4 =	vand.u32 $0xFFFFFFF0, v4  }
0x285: {  	v3 =	vor.u32 v3, v4  }
0x286: {  	v4 =	vperm.xlane v3, v0;
	_ =	sdelay $0x1  }
0x287: {  	v3 =	vperm.xlane v3, v2;
	v4 =	vadd.s32 v1, v4;
	_ =	sdelay $0x1  }
0x288: {  	v3 =	vadd.s32 v1, v3;
	_ =	sdelay $0x1  }
0x289: {  	s12 =	simm.s32 $0x0  }
0x28a: {  	[tilespmem:s17], [sflag:$0x4] =	stream.indirect_vreg.gather [hbm4b:s1+s12], $0x80, v4, vm0, $0xb8;
	[tilespmem:$0x19780] =	vst v63  }
0x28b: {  	s15 =	simm.s32 $0x11F80  }
0x28c: {  	[tilespmem:s15], [sflag:$0x4] =	stream.indirect_vreg.gather [hbm4b:s1+s12], $0x80, v3, vm0, $0xb8;
	[tilespmem:$0x19780] =	vst v63  }
0x28d: {  	v3 =	vld [tilespmem:$0xD10];
	_ =	sdelay $0x4  }
0x28e: {  	v4 =	vshll.u32 v3, $0x1  }
0x28f: {  	v3 =	vand.u32 $0x7, v3;
	v4 =	vand.u32 $0xFFFFFFF0, v4  }
0x290: {  	v3 =	vor.u32 v3, v4  }
0x291: {  	v4 =	vperm.xlane v3, v0;
	_ =	sdelay $0x1  }
0x292: {  	v3 =	vperm.xlane v3, v2;
	v4 =	vadd.s32 v1, v4;
	_ =	sdelay $0x1  }
0x293: {  	v3 =	vadd.s32 v1, v3;
	_ =	sdelay $0x1  }
0x294: {  	s16 =	simm.s32 $0x12780  }
0x295: {  	[tilespmem:s16], [sflag:$0x4] =	stream.indirect_vreg.gather [hbm4b:s1+s12], $0x80, v4, vm0, $0xb8;
	[tilespmem:$0x19780] =	vst v63  }
0x296: {  	s18 =	simm.s32 $0x12F80  }
0x297: {  	[tilespmem:s18], [sflag:$0x4] =	stream.indirect_vreg.gather [hbm4b:s1+s12], $0x80, v3, vm0, $0xb8;
	[tilespmem:$0x19780] =	vst v63  }
0x298: {  	v3 =	vld [tilespmem:$0xD20];
	_ =	sdelay $0x4  }
0x299: {  	v4 =	vshll.u32 v3, $0x1  }
0x29a: {  	v3 =	vand.u32 $0x7, v3;
	v4 =	vand.u32 $0xFFFFFFF0, v4  }
0x29b: {  	v3 =	vor.u32 v3, v4  }
0x29c: {  	v4 =	vperm.xlane v3, v0;
	_ =	sdelay $0x1  }
0x29d: {  	v3 =	vperm.xlane v3, v2;
	v4 =	vadd.s32 v1, v4;
	_ =	sdelay $0x1  }
0x29e: {  	v3 =	vadd.s32 v1, v3;
	_ =	sdelay $0x1  }
0x29f: {  	s19 =	simm.s32 $0x13780  }
0x2a0: {  	[tilespmem:s19], [sflag:$0x4] =	stream.indirect_vreg.gather [hbm4b:s1+s12], $0x80, v4, vm0, $0xb8;
	[tilespmem:$0x19780] =	vst v63  }
0x2a1: {  	s20 =	simm.s32 $0x13F80  }
0x2a2: {  	[tilespmem:s20], [sflag:$0x4] =	stream.indirect_vreg.gather [hbm4b:s1+s12], $0x80, v3, vm0, $0xb8;
	[tilespmem:$0x19780] =	vst v63  }
0x2a3: {  	v3 =	vld [tilespmem:$0xD30];
	_ =	sdelay $0x4  }
0x2a4: {  	v4 =	vshll.u32 v3, $0x1  }
0x2a5: {  	v3 =	vand.u32 $0x7, v3;
	v4 =	vand.u32 $0xFFFFFFF0, v4  }
0x2a6: {  	v3 =	vor.u32 v3, v4  }
0x2a7: {  	v4 =	vperm.xlane v3, v0;
	_ =	sdelay $0x1  }
0x2a8: {  	v3 =	vperm.xlane v3, v2;
	v4 =	vadd.s32 v1, v4;
	_ =	sdelay $0x1  }
0x2a9: {  	v3 =	vadd.s32 v1, v3;
	_ =	sdelay $0x1  }
0x2aa: {  	s21 =	simm.s32 $0x14780  }
0x2ab: {  	[tilespmem:s21], [sflag:$0x4] =	stream.indirect_vreg.gather [hbm4b:s1+s12], $0x80, v4, vm0, $0xb8;
	[tilespmem:$0x19780] =	vst v63  }
0x2ac: {  	s15 =	simm.s32 $0x14F80  }
0x2ad: {  	[tilespmem:s15], [sflag:$0x4] =	stream.indirect_vreg.gather [hbm4b:s1+s12], $0x80, v3, vm0, $0xb8;
	[tilespmem:$0x19780] =	vst v63  }
0x2ae: {  	v3 =	vld [tilespmem:$0xD40];
	_ =	sdelay $0x4  }
0x2af: {  	v4 =	vshll.u32 v3, $0x1  }
0x2b0: {  	v3 =	vand.u32 $0x7, v3;
	v4 =	vand.u32 $0xFFFFFFF0, v4  }
0x2b1: {  	v3 =	vor.u32 v3, v4  }
0x2b2: {  	v4 =	vperm.xlane v3, v0;
	_ =	sdelay $0x1  }
0x2b3: {  	v3 =	vperm.xlane v3, v2;
	v4 =	vadd.s32 v1, v4;
	_ =	sdelay $0x1  }
0x2b4: {  	v3 =	vadd.s32 v1, v3;
	_ =	sdelay $0x1  }
0x2b5: {  	s16 =	simm.s32 $0x15780  }
0x2b6: {  	[tilespmem:s16], [sflag:$0x4] =	stream.indirect_vreg.gather [hbm4b:s1+s12], $0x80, v4, vm0, $0xb8;
	[tilespmem:$0x19780] =	vst v63  }
0x2b7: {  	s18 =	simm.s32 $0x15F80  }
0x2b8: {  	[tilespmem:s18], [sflag:$0x4] =	stream.indirect_vreg.gather [hbm4b:s1+s12], $0x80, v3, vm0, $0xb8;
	[tilespmem:$0x19780] =	vst v63  }
0x2b9: {  	v3 =	vld [tilespmem:$0xD50];
	_ =	sdelay $0x4  }
0x2ba: {  	v4 =	vshll.u32 v3, $0x1  }
0x2bb: {  	v3 =	vand.u32 $0x7, v3;
	v4 =	vand.u32 $0xFFFFFFF0, v4  }
0x2bc: {  	v3 =	vor.u32 v3, v4  }
0x2bd: {  	v4 =	vperm.xlane v3, v0;
	_ =	sdelay $0x1  }
0x2be: {  	v3 =	vperm.xlane v3, v2;
	v4 =	vadd.s32 v1, v4;
	_ =	sdelay $0x1  }
0x2bf: {  	v3 =	vadd.s32 v1, v3;
	_ =	sdelay $0x1  }
0x2c0: {  	s19 =	simm.s32 $0x16780  }
0x2c1: {  	[tilespmem:s19], [sflag:$0x4] =	stream.indirect_vreg.gather [hbm4b:s1+s12], $0x80, v4, vm0, $0xb8;
	[tilespmem:$0x19780] =	vst v63  }
0x2c2: {  	s20 =	simm.s32 $0x16F80  }
0x2c3: {  	[tilespmem:s20], [sflag:$0x4] =	stream.indirect_vreg.gather [hbm4b:s1+s12], $0x80, v3, vm0, $0xb8;
	[tilespmem:$0x19780] =	vst v63  }
0x2c4: {  	v3 =	vld [tilespmem:$0xD60];
	_ =	sdelay $0x4  }
0x2c5: {  	v4 =	vshll.u32 v3, $0x1  }
0x2c6: {  	v3 =	vand.u32 $0x7, v3;
	v4 =	vand.u32 $0xFFFFFFF0, v4  }
0x2c7: {  	v3 =	vor.u32 v3, v4  }
0x2c8: {  	v4 =	vperm.xlane v3, v0;
	_ =	sdelay $0x1  }
0x2c9: {  	v3 =	vperm.xlane v3, v2;
	v4 =	vadd.s32 v1, v4;
	_ =	sdelay $0x1  }
0x2ca: {  	v3 =	vadd.s32 v1, v3;
	_ =	sdelay $0x1  }
0x2cb: {  	s21 =	simm.s32 $0x17780  }
0x2cc: {  	[tilespmem:s21], [sflag:$0x4] =	stream.indirect_vreg.gather [hbm4b:s1+s12], $0x80, v4, vm0, $0xb8;
	[tilespmem:$0x19780] =	vst v63  }
0x2cd: {  	s15 =	simm.s32 $0x17F80  }
0x2ce: {  	[tilespmem:s15], [sflag:$0x4] =	stream.indirect_vreg.gather [hbm4b:s1+s12], $0x80, v3, vm0, $0xb8;
	[tilespmem:$0x19780] =	vst v63  }
0x2cf: {  	v3 =	vld [tilespmem:$0xD70];
	_ =	sdelay $0x4  }
0x2d0: {  	v4 =	vshll.u32 v3, $0x1  }
0x2d1: {  	v3 =	vand.u32 $0x7, v3;
	v4 =	vand.u32 $0xFFFFFFF0, v4  }
0x2d2: {  	v3 =	vor.u32 v3, v4  }
0x2d3: {  	v4 =	vperm.xlane v3, v0;
	_ =	sdelay $0x1  }
0x2d4: {  	v3 =	vperm.xlane v3, v2;
	v4 =	vadd.s32 v1, v4;
	_ =	sdelay $0x1  }
0x2d5: {  	v3 =	vadd.s32 v1, v3;
	_ =	sdelay $0x1  }
0x2d6: {  	s16 =	simm.s32 $0x18780  }
0x2d7: {  	[tilespmem:s16], [sflag:$0x4] =	stream.indirect_vreg.gather [hbm4b:s1+s12], $0x80, v4, vm0, $0xb8;
	[tilespmem:$0x19780] =	vst v63  }
0x2d8: {  	s18 =	simm.s32 $0x18F80;
	s19 =	smulhi.u32 $0x51EB851F, s28  }
0x2d9: {  	[tilespmem:s18], [sflag:$0x4] =	stream.indirect_vreg.gather [hbm4b:s1+s12], $0x80, v3, vm0, $0xb8;
	[tilespmem:$0x19780] =	vst v63  }
0x2da: {  	_ =	swait.ge [sflag:s4], $0x8000  }
0x2db: {  	s21 =	sshrl.u32 s19, $0x4;
	[sflag:s4] =	ssyncset.done $0x0  }
0x2dc: {  	s14 =	smul.u32 $0xFFFFFF38, s21;
	s20 =	rddreg [dreg:$0xb];
	[sflag:s4] =	ssyncadd.s32 $0xFFFF8000  }
0x2dd: {  	[hbm4b:s20+s12] =	stream.linear.scatter [tilespmem:s0], [sflag:$0x5], $0x8000, $0x38;
	[tilespmem:$0x19780] =	vst v63  }
0x2de: {  	s12 =	simm.s32 $0x0  }
0x2df: {  	s14 =	sshra.s32 s14, $0x2;
	v3 =	vld [tilespmem:s12+$0x880]  }
0x2e0: {  	s15 =	simm.s32 $0x40;
	s19 =	sadd.s32 s14, s28;
	s14 =	sadd.s32 $0x10, s28;
	v4 =	vld [tilespmem:s12+$0x380]  }
0x2e1: {  	s16 =	simm.s32 $0x80;
	s18 =	smulhi.u32 $0x51EB851F, s14;
	s20 =	smov.u32 s28;
	v5 =	vld [tilespmem:s19+$0x0]  }
.LBB2_14:
0x2e2: {  	_ = 	snop  }
0x2e3: {  	p1 =	sne.s32 s16, $0x1C0;
	s18 =	sshrl.u32 s18, $0x4  }
0x2e4: {  	s18 =	smul.u32 $0xFFFFFF38, s18  }
.Ltmp6:
0x2e5: {  	(pc) =	sbr.rel @p1 .LBB2_14-.Ltmp6, $4  }
0x2e6: {  	s19 =	sshra.s32 s15, $0x2;
	s15 =	smov.u32 s16;
	vm1 =	vlt.f32 v4, $5.000000000e-01  }
0x2e7: {  	s20 =	sadd.s32 $0x10, s20;
	s18 =	sshra.s32 s18, $0x2;
	[tilespmem:s12+$0x1580] =	vst v5;
	v5 =	vsel vm1, v3, v5;
	v3 =	vld [tilespmem:s19+$0x880]  }
0x2e8: {  	s14 =	sadd.s32 $0x10, s14;
	s21 =	sadd.s32 s18, s20;
	v4 =	vld [tilespmem:s19+$0x380];
	[tilespmem:s12+$0xD80] =	vst v5;
	s12 =	smov.u32 s19  }
0x2e9: {  	s16 =	sadd.s32 $0x40, s16;
	s18 =	smulhi.u32 $0x51EB851F, s14;
	v5 =	vld [tilespmem:s21+$0x0]  }
0x2ea: {  	_ = 	snop  }
0x2eb: {  	s14 =	sshrl.u32 s18, $0x4  }
0x2ec: {  	s14 =	smul.u32 $0xFFFFFF38, s14  }
0x2ed: {  	s15 =	sshra.s32 s15, $0x2;
	vm1 =	vlt.f32 v4, $5.000000000e-01  }
0x2ee: {  	s16 =	sadd.s32 $0x10, s20;
	v6 =	vld [tilespmem:s15+$0x880];
	[tilespmem:s12+$0x1580] =	vst v5;
	s14 =	sshra.s32 s14, $0x2;
	v3 =	vsel vm1, v3, v5  }
0x2ef: {  	v4 =	vld [tilespmem:s15+$0x380];
	s14 =	sadd.s32 s14, s16;
	[tilespmem:s12+$0xD80] =	vst v3  }
0x2f0: {  	v3 =	vld [tilespmem:s14+$0x0];
	_ =	sdelay $0x3  }
0x2f1: {  	vm1 =	vlt.f32 v4, $5.000000000e-01  }
0x2f2: {  	[tilespmem:s15+$0x1580] =	vst v3;
	v3 =	vsel vm1, v6, v3  }
0x2f3: {  	[tilespmem:s15+$0xD80] =	vst v3  }
0x2f4: {  	_ =	swait.ge [sflag:s5], $0x8000  }
0x2f5: {  	[sflag:s5] =	ssyncset.done $0x0  }
0x2f6: {  	[sflag:s5] =	ssyncadd.s32 $0xFFFF8000  }
0x2f7: {  	v3 =	vld [tilespmem:$0xD80];
	_ =	sdelay $0x4  }
0x2f8: {  	v4 =	vshll.u32 v3, $0x1  }
0x2f9: {  	v3 =	vand.u32 $0x7, v3;
	v4 =	vand.u32 $0xFFFFFFF0, v4  }
0x2fa: {  	v3 =	vor.u32 v3, v4  }
0x2fb: {  	v4 =	vperm.xlane v3, v0;
	_ =	sdelay $0x1  }
0x2fc: {  	v3 =	vperm.xlane v3, v2;
	v4 =	vadd.s32 v1, v4;
	_ =	sdelay $0x1  }
0x2fd: {  	v3 =	vadd.s32 v1, v3;
	_ =	sdelay $0x1  }
0x2fe: {  	s12 =	simm.s32 $0x0  }
0x2ff: {  	[tilespmem:s0], [sflag:$0x2] =	stream.indirect_vreg.gather [hbm4b:s1+s12], $0x80, v4, vm0, $0xb8;
	[tilespmem:$0x19780] =	vst v63  }
0x300: {  	s15 =	simm.s32 $0x1F80  }
0x301: {  	[tilespmem:s15], [sflag:$0x2] =	stream.indirect_vreg.gather [hbm4b:s1+s12], $0x80, v3, vm0, $0xb8;
	[tilespmem:$0x19780] =	vst v63  }
0x302: {  	v3 =	vld [tilespmem:$0xD90];
	_ =	sdelay $0x4  }
0x303: {  	v4 =	vshll.u32 v3, $0x1  }
0x304: {  	v3 =	vand.u32 $0x7, v3;
	v4 =	vand.u32 $0xFFFFFFF0, v4  }
0x305: {  	v3 =	vor.u32 v3, v4  }
0x306: {  	v4 =	vperm.xlane v3, v0;
	_ =	sdelay $0x1  }
0x307: {  	v3 =	vperm.xlane v3, v2;
	v4 =	vadd.s32 v1, v4;
	_ =	sdelay $0x1  }
0x308: {  	v3 =	vadd.s32 v1, v3;
	_ =	sdelay $0x1  }
0x309: {  	s16 =	simm.s32 $0x2780  }
0x30a: {  	[tilespmem:s16], [sflag:$0x2] =	stream.indirect_vreg.gather [hbm4b:s1+s12], $0x80, v4, vm0, $0xb8;
	[tilespmem:$0x19780] =	vst v63  }
0x30b: {  	s18 =	simm.s32 $0x2F80  }
0x30c: {  	[tilespmem:s18], [sflag:$0x2] =	stream.indirect_vreg.gather [hbm4b:s1+s12], $0x80, v3, vm0, $0xb8;
	[tilespmem:$0x19780] =	vst v63  }
0x30d: {  	v3 =	vld [tilespmem:$0xDA0];
	_ =	sdelay $0x4  }
0x30e: {  	v4 =	vshll.u32 v3, $0x1  }
0x30f: {  	v3 =	vand.u32 $0x7, v3;
	v4 =	vand.u32 $0xFFFFFFF0, v4  }
0x310: {  	v3 =	vor.u32 v3, v4  }
0x311: {  	v4 =	vperm.xlane v3, v0;
	_ =	sdelay $0x1  }
0x312: {  	v3 =	vperm.xlane v3, v2;
	v4 =	vadd.s32 v1, v4;
	_ =	sdelay $0x1  }
0x313: {  	v3 =	vadd.s32 v1, v3;
	_ =	sdelay $0x1  }
0x314: {  	s19 =	simm.s32 $0x3780  }
0x315: {  	[tilespmem:s19], [sflag:$0x2] =	stream.indirect_vreg.gather [hbm4b:s1+s12], $0x80, v4, vm0, $0xb8;
	[tilespmem:$0x19780] =	vst v63  }
0x316: {  	s20 =	simm.s32 $0x3F80  }
0x317: {  	[tilespmem:s20], [sflag:$0x2] =	stream.indirect_vreg.gather [hbm4b:s1+s12], $0x80, v3, vm0, $0xb8;
	[tilespmem:$0x19780] =	vst v63  }
0x318: {  	v3 =	vld [tilespmem:$0xDB0];
	_ =	sdelay $0x4  }
0x319: {  	v4 =	vshll.u32 v3, $0x1  }
0x31a: {  	v3 =	vand.u32 $0x7, v3;
	v4 =	vand.u32 $0xFFFFFFF0, v4  }
0x31b: {  	v3 =	vor.u32 v3, v4  }
0x31c: {  	v4 =	vperm.xlane v3, v0;
	_ =	sdelay $0x1  }
0x31d: {  	v3 =	vperm.xlane v3, v2;
	v4 =	vadd.s32 v1, v4;
	_ =	sdelay $0x1  }
0x31e: {  	v3 =	vadd.s32 v1, v3;
	_ =	sdelay $0x1  }
0x31f: {  	s21 =	simm.s32 $0x4780  }
0x320: {  	[tilespmem:s21], [sflag:$0x2] =	stream.indirect_vreg.gather [hbm4b:s1+s12], $0x80, v4, vm0, $0xb8;
	[tilespmem:$0x19780] =	vst v63  }
0x321: {  	s15 =	simm.s32 $0x4F80  }
0x322: {  	[tilespmem:s15], [sflag:$0x2] =	stream.indirect_vreg.gather [hbm4b:s1+s12], $0x80, v3, vm0, $0xb8;
	[tilespmem:$0x19780] =	vst v63  }
0x323: {  	v3 =	vld [tilespmem:$0xDC0];
	_ =	sdelay $0x4  }
0x324: {  	v4 =	vshll.u32 v3, $0x1  }
0x325: {  	v3 =	vand.u32 $0x7, v3;
	v4 =	vand.u32 $0xFFFFFFF0, v4  }
0x326: {  	v3 =	vor.u32 v3, v4  }
0x327: {  	v4 =	vperm.xlane v3, v0;
	_ =	sdelay $0x1  }
0x328: {  	v3 =	vperm.xlane v3, v2;
	v4 =	vadd.s32 v1, v4;
	_ =	sdelay $0x1  }
0x329: {  	v3 =	vadd.s32 v1, v3;
	_ =	sdelay $0x1  }
0x32a: {  	s16 =	simm.s32 $0x5780  }
0x32b: {  	[tilespmem:s16], [sflag:$0x2] =	stream.indirect_vreg.gather [hbm4b:s1+s12], $0x80, v4, vm0, $0xb8;
	[tilespmem:$0x19780] =	vst v63  }
0x32c: {  	s18 =	simm.s32 $0x5F80  }
0x32d: {  	[tilespmem:s18], [sflag:$0x2] =	stream.indirect_vreg.gather [hbm4b:s1+s12], $0x80, v3, vm0, $0xb8;
	[tilespmem:$0x19780] =	vst v63  }
0x32e: {  	v3 =	vld [tilespmem:$0xDD0];
	_ =	sdelay $0x4  }
0x32f: {  	v4 =	vshll.u32 v3, $0x1  }
0x330: {  	v3 =	vand.u32 $0x7, v3;
	v4 =	vand.u32 $0xFFFFFFF0, v4  }
0x331: {  	v3 =	vor.u32 v3, v4  }
0x332: {  	v4 =	vperm.xlane v3, v0;
	_ =	sdelay $0x1  }
0x333: {  	v3 =	vperm.xlane v3, v2;
	v4 =	vadd.s32 v1, v4;
	_ =	sdelay $0x1  }
0x334: {  	v3 =	vadd.s32 v1, v3;
	_ =	sdelay $0x1  }
0x335: {  	s19 =	simm.s32 $0x6780  }
0x336: {  	[tilespmem:s19], [sflag:$0x2] =	stream.indirect_vreg.gather [hbm4b:s1+s12], $0x80, v4, vm0, $0xb8;
	[tilespmem:$0x19780] =	vst v63  }
0x337: {  	s20 =	simm.s32 $0x6F80  }
0x338: {  	[tilespmem:s20], [sflag:$0x2] =	stream.indirect_vreg.gather [hbm4b:s1+s12], $0x80, v3, vm0, $0xb8;
	[tilespmem:$0x19780] =	vst v63  }
0x339: {  	v3 =	vld [tilespmem:$0xDE0];
	_ =	sdelay $0x4  }
0x33a: {  	v4 =	vshll.u32 v3, $0x1  }
0x33b: {  	v3 =	vand.u32 $0x7, v3;
	v4 =	vand.u32 $0xFFFFFFF0, v4  }
0x33c: {  	v3 =	vor.u32 v3, v4  }
0x33d: {  	v4 =	vperm.xlane v3, v0;
	_ =	sdelay $0x1  }
0x33e: {  	v3 =	vperm.xlane v3, v2;
	v4 =	vadd.s32 v1, v4;
	_ =	sdelay $0x1  }
0x33f: {  	v3 =	vadd.s32 v1, v3;
	_ =	sdelay $0x1  }
0x340: {  	s21 =	simm.s32 $0x7780  }
0x341: {  	[tilespmem:s21], [sflag:$0x2] =	stream.indirect_vreg.gather [hbm4b:s1+s12], $0x80, v4, vm0, $0xb8;
	[tilespmem:$0x19780] =	vst v63  }
0x342: {  	s15 =	simm.s32 $0x7F80  }
0x343: {  	[tilespmem:s15], [sflag:$0x2] =	stream.indirect_vreg.gather [hbm4b:s1+s12], $0x80, v3, vm0, $0xb8;
	[tilespmem:$0x19780] =	vst v63  }
0x344: {  	v3 =	vld [tilespmem:$0xDF0];
	_ =	sdelay $0x4  }
0x345: {  	v4 =	vshll.u32 v3, $0x1  }
0x346: {  	v3 =	vand.u32 $0x7, v3;
	v4 =	vand.u32 $0xFFFFFFF0, v4  }
0x347: {  	v3 =	vor.u32 v3, v4  }
0x348: {  	v4 =	vperm.xlane v3, v0;
	_ =	sdelay $0x1  }
0x349: {  	v3 =	vperm.xlane v3, v2;
	v4 =	vadd.s32 v1, v4;
	_ =	sdelay $0x1  }
0x34a: {  	v3 =	vadd.s32 v1, v3;
	_ =	sdelay $0x1  }
0x34b: {  	s16 =	simm.s32 $0x8780  }
0x34c: {  	[tilespmem:s16], [sflag:$0x2] =	stream.indirect_vreg.gather [hbm4b:s1+s12], $0x80, v4, vm0, $0xb8;
	[tilespmem:$0x19780] =	vst v63  }
0x34d: {  	s18 =	simm.s32 $0x8F80;
	s19 =	smulhi.u32 $0x51EB851F, s29  }
0x34e: {  	[tilespmem:s18], [sflag:$0x2] =	stream.indirect_vreg.gather [hbm4b:s1+s12], $0x80, v3, vm0, $0xb8;
	[tilespmem:$0x19780] =	vst v63  }
0x34f: {  	_ =	swait.ge [sflag:s6], $0x8000  }
0x350: {  	s21 =	sshrl.u32 s19, $0x4;
	[sflag:s6] =	ssyncset.done $0x0  }
0x351: {  	s14 =	smul.u32 $0xFFFFFF38, s21;
	s20 =	rddreg [dreg:$0xc];
	[sflag:s6] =	ssyncadd.s32 $0xFFFF8000  }
0x352: {  	[hbm4b:s20+s12] =	stream.linear.scatter [tilespmem:s7], [sflag:$0x6], $0x8000, $0x38;
	[tilespmem:$0x19780] =	vst v63  }
0x353: {  	s12 =	simm.s32 $0x0  }
0x354: {  	s14 =	sshra.s32 s14, $0x2;
	v3 =	vld [tilespmem:s12+$0x900]  }
0x355: {  	s15 =	simm.s32 $0x40;
	s19 =	sadd.s32 s14, s29;
	s14 =	sadd.s32 $0x10, s29;
	v4 =	vld [tilespmem:s12+$0x400]  }
0x356: {  	s16 =	simm.s32 $0x80;
	s18 =	smulhi.u32 $0x51EB851F, s14;
	s20 =	smov.u32 s29;
	v5 =	vld [tilespmem:s19+$0x0]  }
.LBB2_16:
0x357: {  	_ = 	snop  }
0x358: {  	p1 =	sne.s32 s16, $0x1C0;
	s18 =	sshrl.u32 s18, $0x4  }
0x359: {  	s18 =	smul.u32 $0xFFFFFF38, s18  }
.Ltmp7:
0x35a: {  	(pc) =	sbr.rel @p1 .LBB2_16-.Ltmp7, $4  }
0x35b: {  	s19 =	sshra.s32 s15, $0x2;
	s15 =	smov.u32 s16;
	vm1 =	vlt.f32 v4, $5.000000000e-01  }
0x35c: {  	s20 =	sadd.s32 $0x10, s20;
	s18 =	sshra.s32 s18, $0x2;
	[tilespmem:s12+$0x1600] =	vst v5;
	v5 =	vsel vm1, v3, v5;
	v3 =	vld [tilespmem:s19+$0x900]  }
0x35d: {  	s14 =	sadd.s32 $0x10, s14;
	s21 =	sadd.s32 s18, s20;
	v4 =	vld [tilespmem:s19+$0x400];
	[tilespmem:s12+$0xE00] =	vst v5;
	s12 =	smov.u32 s19  }
0x35e: {  	s16 =	sadd.s32 $0x40, s16;
	s18 =	smulhi.u32 $0x51EB851F, s14;
	v5 =	vld [tilespmem:s21+$0x0]  }
0x35f: {  	_ = 	snop  }
0x360: {  	s14 =	sshrl.u32 s18, $0x4  }
0x361: {  	s14 =	smul.u32 $0xFFFFFF38, s14  }
0x362: {  	s15 =	sshra.s32 s15, $0x2;
	vm1 =	vlt.f32 v4, $5.000000000e-01  }
0x363: {  	s16 =	sadd.s32 $0x10, s20;
	v6 =	vld [tilespmem:s15+$0x900];
	[tilespmem:s12+$0x1600] =	vst v5;
	s14 =	sshra.s32 s14, $0x2;
	v3 =	vsel vm1, v3, v5  }
0x364: {  	v4 =	vld [tilespmem:s15+$0x400];
	s14 =	sadd.s32 s14, s16;
	[tilespmem:s12+$0xE00] =	vst v3  }
0x365: {  	v3 =	vld [tilespmem:s14+$0x0];
	_ =	sdelay $0x3  }
0x366: {  	vm1 =	vlt.f32 v4, $5.000000000e-01  }
0x367: {  	[tilespmem:s15+$0x1600] =	vst v3;
	v3 =	vsel vm1, v6, v3  }
0x368: {  	[tilespmem:s15+$0xE00] =	vst v3  }
0x369: {  	_ =	swait.ge [sflag:s8], $0x8000  }
0x36a: {  	[sflag:s8] =	ssyncset.done $0x0  }
0x36b: {  	[sflag:s8] =	ssyncadd.s32 $0xFFFF8000  }
0x36c: {  	v3 =	vld [tilespmem:$0xE00];
	_ =	sdelay $0x4  }
0x36d: {  	v4 =	vshll.u32 v3, $0x1  }
0x36e: {  	v3 =	vand.u32 $0x7, v3;
	v4 =	vand.u32 $0xFFFFFFF0, v4  }
0x36f: {  	v3 =	vor.u32 v3, v4  }
0x370: {  	v4 =	vperm.xlane v3, v0;
	_ =	sdelay $0x1  }
0x371: {  	v3 =	vperm.xlane v3, v2;
	v4 =	vadd.s32 v1, v4;
	_ =	sdelay $0x1  }
0x372: {  	v3 =	vadd.s32 v1, v3;
	_ =	sdelay $0x1  }
0x373: {  	s12 =	simm.s32 $0x0  }
0x374: {  	[tilespmem:s7], [sflag:$0x3] =	stream.indirect_vreg.gather [hbm4b:s1+s12], $0x80, v4, vm0, $0xb8;
	[tilespmem:$0x19780] =	vst v63  }
0x375: {  	s15 =	simm.s32 $0x9F80  }
0x376: {  	[tilespmem:s15], [sflag:$0x3] =	stream.indirect_vreg.gather [hbm4b:s1+s12], $0x80, v3, vm0, $0xb8;
	[tilespmem:$0x19780] =	vst v63  }
0x377: {  	v3 =	vld [tilespmem:$0xE10];
	_ =	sdelay $0x4  }
0x378: {  	v4 =	vshll.u32 v3, $0x1  }
0x379: {  	v3 =	vand.u32 $0x7, v3;
	v4 =	vand.u32 $0xFFFFFFF0, v4  }
0x37a: {  	v3 =	vor.u32 v3, v4  }
0x37b: {  	v4 =	vperm.xlane v3, v0;
	_ =	sdelay $0x1  }
0x37c: {  	v3 =	vperm.xlane v3, v2;
	v4 =	vadd.s32 v1, v4;
	_ =	sdelay $0x1  }
0x37d: {  	v3 =	vadd.s32 v1, v3;
	_ =	sdelay $0x1  }
0x37e: {  	s16 =	simm.s32 $0xA780  }
0x37f: {  	[tilespmem:s16], [sflag:$0x3] =	stream.indirect_vreg.gather [hbm4b:s1+s12], $0x80, v4, vm0, $0xb8;
	[tilespmem:$0x19780] =	vst v63  }
0x380: {  	s18 =	simm.s32 $0xAF80  }
0x381: {  	[tilespmem:s18], [sflag:$0x3] =	stream.indirect_vreg.gather [hbm4b:s1+s12], $0x80, v3, vm0, $0xb8;
	[tilespmem:$0x19780] =	vst v63  }
0x382: {  	v3 =	vld [tilespmem:$0xE20];
	_ =	sdelay $0x4  }
0x383: {  	v4 =	vshll.u32 v3, $0x1  }
0x384: {  	v3 =	vand.u32 $0x7, v3;
	v4 =	vand.u32 $0xFFFFFFF0, v4  }
0x385: {  	v3 =	vor.u32 v3, v4  }
0x386: {  	v4 =	vperm.xlane v3, v0;
	_ =	sdelay $0x1  }
0x387: {  	v3 =	vperm.xlane v3, v2;
	v4 =	vadd.s32 v1, v4;
	_ =	sdelay $0x1  }
0x388: {  	v3 =	vadd.s32 v1, v3;
	_ =	sdelay $0x1  }
0x389: {  	s19 =	simm.s32 $0xB780  }
0x38a: {  	[tilespmem:s19], [sflag:$0x3] =	stream.indirect_vreg.gather [hbm4b:s1+s12], $0x80, v4, vm0, $0xb8;
	[tilespmem:$0x19780] =	vst v63  }
0x38b: {  	s20 =	simm.s32 $0xBF80  }
0x38c: {  	[tilespmem:s20], [sflag:$0x3] =	stream.indirect_vreg.gather [hbm4b:s1+s12], $0x80, v3, vm0, $0xb8;
	[tilespmem:$0x19780] =	vst v63  }
0x38d: {  	v3 =	vld [tilespmem:$0xE30];
	_ =	sdelay $0x4  }
0x38e: {  	v4 =	vshll.u32 v3, $0x1  }
0x38f: {  	v3 =	vand.u32 $0x7, v3;
	v4 =	vand.u32 $0xFFFFFFF0, v4  }
0x390: {  	v3 =	vor.u32 v3, v4  }
0x391: {  	v4 =	vperm.xlane v3, v0;
	_ =	sdelay $0x1  }
0x392: {  	v3 =	vperm.xlane v3, v2;
	v4 =	vadd.s32 v1, v4;
	_ =	sdelay $0x1  }
0x393: {  	v3 =	vadd.s32 v1, v3;
	_ =	sdelay $0x1  }
0x394: {  	s21 =	simm.s32 $0xC780  }
0x395: {  	[tilespmem:s21], [sflag:$0x3] =	stream.indirect_vreg.gather [hbm4b:s1+s12], $0x80, v4, vm0, $0xb8;
	[tilespmem:$0x19780] =	vst v63  }
0x396: {  	s15 =	simm.s32 $0xCF80  }
0x397: {  	[tilespmem:s15], [sflag:$0x3] =	stream.indirect_vreg.gather [hbm4b:s1+s12], $0x80, v3, vm0, $0xb8;
	[tilespmem:$0x19780] =	vst v63  }
0x398: {  	v3 =	vld [tilespmem:$0xE40];
	_ =	sdelay $0x4  }
0x399: {  	v4 =	vshll.u32 v3, $0x1  }
0x39a: {  	v3 =	vand.u32 $0x7, v3;
	v4 =	vand.u32 $0xFFFFFFF0, v4  }
0x39b: {  	v3 =	vor.u32 v3, v4  }
0x39c: {  	v4 =	vperm.xlane v3, v0;
	_ =	sdelay $0x1  }
0x39d: {  	v3 =	vperm.xlane v3, v2;
	v4 =	vadd.s32 v1, v4;
	_ =	sdelay $0x1  }
0x39e: {  	v3 =	vadd.s32 v1, v3;
	_ =	sdelay $0x1  }
0x39f: {  	s16 =	simm.s32 $0xD780  }
0x3a0: {  	[tilespmem:s16], [sflag:$0x3] =	stream.indirect_vreg.gather [hbm4b:s1+s12], $0x80, v4, vm0, $0xb8;
	[tilespmem:$0x19780] =	vst v63  }
0x3a1: {  	s18 =	simm.s32 $0xDF80  }
0x3a2: {  	[tilespmem:s18], [sflag:$0x3] =	stream.indirect_vreg.gather [hbm4b:s1+s12], $0x80, v3, vm0, $0xb8;
	[tilespmem:$0x19780] =	vst v63  }
0x3a3: {  	v3 =	vld [tilespmem:$0xE50];
	_ =	sdelay $0x4  }
0x3a4: {  	v4 =	vshll.u32 v3, $0x1  }
0x3a5: {  	v3 =	vand.u32 $0x7, v3;
	v4 =	vand.u32 $0xFFFFFFF0, v4  }
0x3a6: {  	v3 =	vor.u32 v3, v4  }
0x3a7: {  	v4 =	vperm.xlane v3, v0;
	_ =	sdelay $0x1  }
0x3a8: {  	v3 =	vperm.xlane v3, v2;
	v4 =	vadd.s32 v1, v4;
	_ =	sdelay $0x1  }
0x3a9: {  	v3 =	vadd.s32 v1, v3;
	_ =	sdelay $0x1  }
0x3aa: {  	s19 =	simm.s32 $0xE780  }
0x3ab: {  	[tilespmem:s19], [sflag:$0x3] =	stream.indirect_vreg.gather [hbm4b:s1+s12], $0x80, v4, vm0, $0xb8;
	[tilespmem:$0x19780] =	vst v63  }
0x3ac: {  	s20 =	simm.s32 $0xEF80  }
0x3ad: {  	[tilespmem:s20], [sflag:$0x3] =	stream.indirect_vreg.gather [hbm4b:s1+s12], $0x80, v3, vm0, $0xb8;
	[tilespmem:$0x19780] =	vst v63  }
0x3ae: {  	v3 =	vld [tilespmem:$0xE60];
	_ =	sdelay $0x4  }
0x3af: {  	v4 =	vshll.u32 v3, $0x1  }
0x3b0: {  	v3 =	vand.u32 $0x7, v3;
	v4 =	vand.u32 $0xFFFFFFF0, v4  }
0x3b1: {  	v3 =	vor.u32 v3, v4  }
0x3b2: {  	v4 =	vperm.xlane v3, v0;
	_ =	sdelay $0x1  }
0x3b3: {  	v3 =	vperm.xlane v3, v2;
	v4 =	vadd.s32 v1, v4;
	_ =	sdelay $0x1  }
0x3b4: {  	v3 =	vadd.s32 v1, v3;
	_ =	sdelay $0x1  }
0x3b5: {  	s21 =	simm.s32 $0xF780  }
0x3b6: {  	[tilespmem:s21], [sflag:$0x3] =	stream.indirect_vreg.gather [hbm4b:s1+s12], $0x80, v4, vm0, $0xb8;
	[tilespmem:$0x19780] =	vst v63  }
0x3b7: {  	s15 =	simm.s32 $0xFF80  }
0x3b8: {  	[tilespmem:s15], [sflag:$0x3] =	stream.indirect_vreg.gather [hbm4b:s1+s12], $0x80, v3, vm0, $0xb8;
	[tilespmem:$0x19780] =	vst v63  }
0x3b9: {  	v3 =	vld [tilespmem:$0xE70];
	_ =	sdelay $0x4  }
0x3ba: {  	v4 =	vshll.u32 v3, $0x1  }
0x3bb: {  	v3 =	vand.u32 $0x7, v3;
	v4 =	vand.u32 $0xFFFFFFF0, v4  }
0x3bc: {  	v3 =	vor.u32 v3, v4  }
0x3bd: {  	v4 =	vperm.xlane v3, v0;
	_ =	sdelay $0x1  }
0x3be: {  	v3 =	vperm.xlane v3, v2;
	v4 =	vadd.s32 v1, v4;
	_ =	sdelay $0x1  }
0x3bf: {  	v3 =	vadd.s32 v1, v3;
	_ =	sdelay $0x1  }
0x3c0: {  	s16 =	simm.s32 $0x10780  }
0x3c1: {  	[tilespmem:s16], [sflag:$0x3] =	stream.indirect_vreg.gather [hbm4b:s1+s12], $0x80, v4, vm0, $0xb8;
	[tilespmem:$0x19780] =	vst v63  }
0x3c2: {  	s18 =	simm.s32 $0x10F80;
	s19 =	smulhi.u32 $0x51EB851F, s30  }
0x3c3: {  	[tilespmem:s18], [sflag:$0x3] =	stream.indirect_vreg.gather [hbm4b:s1+s12], $0x80, v3, vm0, $0xb8;
	[tilespmem:$0x19780] =	vst v63  }
0x3c4: {  	_ =	swait.ge [sflag:s9], $0x8000  }
0x3c5: {  	s21 =	sshrl.u32 s19, $0x4;
	[sflag:s9] =	ssyncset.done $0x0  }
0x3c6: {  	s14 =	smul.u32 $0xFFFFFF38, s21;
	s20 =	rddreg [dreg:$0xd];
	[sflag:s9] =	ssyncadd.s32 $0xFFFF8000  }
0x3c7: {  	[hbm4b:s20+s12] =	stream.linear.scatter [tilespmem:s17], [sflag:$0x7], $0x8000, $0x38;
	[tilespmem:$0x19780] =	vst v63  }
0x3c8: {  	s12 =	simm.s32 $0x0  }
0x3c9: {  	s14 =	sshra.s32 s14, $0x2;
	v3 =	vld [tilespmem:s12+$0x980]  }
0x3ca: {  	s15 =	simm.s32 $0x40;
	s19 =	sadd.s32 s14, s30;
	s14 =	sadd.s32 $0x10, s30;
	v4 =	vld [tilespmem:s12+$0x480]  }
0x3cb: {  	s16 =	simm.s32 $0x80;
	s18 =	smulhi.u32 $0x51EB851F, s14;
	s20 =	smov.u32 s30;
	v5 =	vld [tilespmem:s19+$0x0]  }
.LBB2_18:
0x3cc: {  	_ = 	snop  }
0x3cd: {  	p1 =	sne.s32 s16, $0x1C0;
	s18 =	sshrl.u32 s18, $0x4  }
0x3ce: {  	s18 =	smul.u32 $0xFFFFFF38, s18  }
.Ltmp8:
0x3cf: {  	(pc) =	sbr.rel @p1 .LBB2_18-.Ltmp8, $4  }
0x3d0: {  	s19 =	sshra.s32 s15, $0x2;
	s15 =	smov.u32 s16;
	vm1 =	vlt.f32 v4, $5.000000000e-01  }
0x3d1: {  	s20 =	sadd.s32 $0x10, s20;
	s18 =	sshra.s32 s18, $0x2;
	[tilespmem:s12+$0x1680] =	vst v5;
	v5 =	vsel vm1, v3, v5;
	v3 =	vld [tilespmem:s19+$0x980]  }
0x3d2: {  	s14 =	sadd.s32 $0x10, s14;
	s21 =	sadd.s32 s18, s20;
	v4 =	vld [tilespmem:s19+$0x480];
	[tilespmem:s12+$0xE80] =	vst v5;
	s12 =	smov.u32 s19  }
0x3d3: {  	s16 =	sadd.s32 $0x40, s16;
	s18 =	smulhi.u32 $0x51EB851F, s14;
	v5 =	vld [tilespmem:s21+$0x0]  }
0x3d4: {  	_ = 	snop  }
0x3d5: {  	s14 =	sshrl.u32 s18, $0x4  }
0x3d6: {  	s14 =	smul.u32 $0xFFFFFF38, s14  }
0x3d7: {  	s15 =	sshra.s32 s15, $0x2;
	vm1 =	vlt.f32 v4, $5.000000000e-01  }
0x3d8: {  	s16 =	sadd.s32 $0x10, s20;
	v6 =	vld [tilespmem:s15+$0x980];
	[tilespmem:s12+$0x1680] =	vst v5;
	s14 =	sshra.s32 s14, $0x2;
	v3 =	vsel vm1, v3, v5  }
0x3d9: {  	v4 =	vld [tilespmem:s15+$0x480];
	s14 =	sadd.s32 s14, s16;
	[tilespmem:s12+$0xE80] =	vst v3  }
0x3da: {  	v3 =	vld [tilespmem:s14+$0x0];
	_ =	sdelay $0x3  }
0x3db: {  	vm1 =	vlt.f32 v4, $5.000000000e-01  }
0x3dc: {  	[tilespmem:s15+$0x1680] =	vst v3;
	v3 =	vsel vm1, v6, v3  }
0x3dd: {  	[tilespmem:s15+$0xE80] =	vst v3  }
0x3de: {  	_ =	swait.ge [sflag:s10], $0x8000  }
0x3df: {  	[sflag:s10] =	ssyncset.done $0x0  }
0x3e0: {  	[sflag:s10] =	ssyncadd.s32 $0xFFFF8000  }
0x3e1: {  	v3 =	vld [tilespmem:$0xE80];
	_ =	sdelay $0x4  }
0x3e2: {  	v4 =	vshll.u32 v3, $0x1  }
0x3e3: {  	v3 =	vand.u32 $0x7, v3;
	v4 =	vand.u32 $0xFFFFFFF0, v4  }
0x3e4: {  	v3 =	vor.u32 v3, v4  }
0x3e5: {  	v4 =	vperm.xlane v3, v0;
	_ =	sdelay $0x1  }
0x3e6: {  	v3 =	vperm.xlane v3, v2;
	v4 =	vadd.s32 v1, v4;
	_ =	sdelay $0x1  }
0x3e7: {  	v3 =	vadd.s32 v1, v3;
	_ =	sdelay $0x1  }
0x3e8: {  	s12 =	simm.s32 $0x0  }
0x3e9: {  	[tilespmem:s17], [sflag:$0x4] =	stream.indirect_vreg.gather [hbm4b:s1+s12], $0x80, v4, vm0, $0xb8;
	[tilespmem:$0x19780] =	vst v63  }
0x3ea: {  	s15 =	simm.s32 $0x11F80  }
0x3eb: {  	[tilespmem:s15], [sflag:$0x4] =	stream.indirect_vreg.gather [hbm4b:s1+s12], $0x80, v3, vm0, $0xb8;
	[tilespmem:$0x19780] =	vst v63  }
0x3ec: {  	v3 =	vld [tilespmem:$0xE90];
	_ =	sdelay $0x4  }
0x3ed: {  	v4 =	vshll.u32 v3, $0x1  }
0x3ee: {  	v3 =	vand.u32 $0x7, v3;
	v4 =	vand.u32 $0xFFFFFFF0, v4  }
0x3ef: {  	v3 =	vor.u32 v3, v4  }
0x3f0: {  	v4 =	vperm.xlane v3, v0;
	_ =	sdelay $0x1  }
0x3f1: {  	v3 =	vperm.xlane v3, v2;
	v4 =	vadd.s32 v1, v4;
	_ =	sdelay $0x1  }
0x3f2: {  	v3 =	vadd.s32 v1, v3;
	_ =	sdelay $0x1  }
0x3f3: {  	s16 =	simm.s32 $0x12780  }
0x3f4: {  	[tilespmem:s16], [sflag:$0x4] =	stream.indirect_vreg.gather [hbm4b:s1+s12], $0x80, v4, vm0, $0xb8;
	[tilespmem:$0x19780] =	vst v63  }
0x3f5: {  	s18 =	simm.s32 $0x12F80  }
0x3f6: {  	[tilespmem:s18], [sflag:$0x4] =	stream.indirect_vreg.gather [hbm4b:s1+s12], $0x80, v3, vm0, $0xb8;
	[tilespmem:$0x19780] =	vst v63  }
0x3f7: {  	v3 =	vld [tilespmem:$0xEA0];
	_ =	sdelay $0x4  }
0x3f8: {  	v4 =	vshll.u32 v3, $0x1  }
0x3f9: {  	v3 =	vand.u32 $0x7, v3;
	v4 =	vand.u32 $0xFFFFFFF0, v4  }
0x3fa: {  	v3 =	vor.u32 v3, v4  }
0x3fb: {  	v4 =	vperm.xlane v3, v0;
	_ =	sdelay $0x1  }
0x3fc: {  	v3 =	vperm.xlane v3, v2;
	v4 =	vadd.s32 v1, v4;
	_ =	sdelay $0x1  }
0x3fd: {  	v3 =	vadd.s32 v1, v3;
	_ =	sdelay $0x1  }
0x3fe: {  	s19 =	simm.s32 $0x13780  }
0x3ff: {  	[tilespmem:s19], [sflag:$0x4] =	stream.indirect_vreg.gather [hbm4b:s1+s12], $0x80, v4, vm0, $0xb8;
	[tilespmem:$0x19780] =	vst v63  }
0x400: {  	s20 =	simm.s32 $0x13F80  }
0x401: {  	[tilespmem:s20], [sflag:$0x4] =	stream.indirect_vreg.gather [hbm4b:s1+s12], $0x80, v3, vm0, $0xb8;
	[tilespmem:$0x19780] =	vst v63  }
0x402: {  	v3 =	vld [tilespmem:$0xEB0];
	_ =	sdelay $0x4  }
0x403: {  	v4 =	vshll.u32 v3, $0x1  }
0x404: {  	v3 =	vand.u32 $0x7, v3;
	v4 =	vand.u32 $0xFFFFFFF0, v4  }
0x405: {  	v3 =	vor.u32 v3, v4  }
0x406: {  	v4 =	vperm.xlane v3, v0;
	_ =	sdelay $0x1  }
0x407: {  	v3 =	vperm.xlane v3, v2;
	v4 =	vadd.s32 v1, v4;
	_ =	sdelay $0x1  }
0x408: {  	v3 =	vadd.s32 v1, v3;
	_ =	sdelay $0x1  }
0x409: {  	s21 =	simm.s32 $0x14780  }
0x40a: {  	[tilespmem:s21], [sflag:$0x4] =	stream.indirect_vreg.gather [hbm4b:s1+s12], $0x80, v4, vm0, $0xb8;
	[tilespmem:$0x19780] =	vst v63  }
0x40b: {  	s15 =	simm.s32 $0x14F80  }
0x40c: {  	[tilespmem:s15], [sflag:$0x4] =	stream.indirect_vreg.gather [hbm4b:s1+s12], $0x80, v3, vm0, $0xb8;
	[tilespmem:$0x19780] =	vst v63  }
0x40d: {  	v3 =	vld [tilespmem:$0xEC0];
	_ =	sdelay $0x4  }
0x40e: {  	v4 =	vshll.u32 v3, $0x1  }
0x40f: {  	v3 =	vand.u32 $0x7, v3;
	v4 =	vand.u32 $0xFFFFFFF0, v4  }
0x410: {  	v3 =	vor.u32 v3, v4  }
0x411: {  	v4 =	vperm.xlane v3, v0;
	_ =	sdelay $0x1  }
0x412: {  	v3 =	vperm.xlane v3, v2;
	v4 =	vadd.s32 v1, v4;
	_ =	sdelay $0x1  }
0x413: {  	v3 =	vadd.s32 v1, v3;
	_ =	sdelay $0x1  }
0x414: {  	s16 =	simm.s32 $0x15780  }
0x415: {  	[tilespmem:s16], [sflag:$0x4] =	stream.indirect_vreg.gather [hbm4b:s1+s12], $0x80, v4, vm0, $0xb8;
	[tilespmem:$0x19780] =	vst v63  }
0x416: {  	s18 =	simm.s32 $0x15F80  }
0x417: {  	[tilespmem:s18], [sflag:$0x4] =	stream.indirect_vreg.gather [hbm4b:s1+s12], $0x80, v3, vm0, $0xb8;
	[tilespmem:$0x19780] =	vst v63  }
0x418: {  	v3 =	vld [tilespmem:$0xED0];
	_ =	sdelay $0x4  }
0x419: {  	v4 =	vshll.u32 v3, $0x1  }
0x41a: {  	v3 =	vand.u32 $0x7, v3;
	v4 =	vand.u32 $0xFFFFFFF0, v4  }
0x41b: {  	v3 =	vor.u32 v3, v4  }
0x41c: {  	v4 =	vperm.xlane v3, v0;
	_ =	sdelay $0x1  }
0x41d: {  	v3 =	vperm.xlane v3, v2;
	v4 =	vadd.s32 v1, v4;
	_ =	sdelay $0x1  }
0x41e: {  	v3 =	vadd.s32 v1, v3;
	_ =	sdelay $0x1  }
0x41f: {  	s19 =	simm.s32 $0x16780  }
0x420: {  	[tilespmem:s19], [sflag:$0x4] =	stream.indirect_vreg.gather [hbm4b:s1+s12], $0x80, v4, vm0, $0xb8;
	[tilespmem:$0x19780] =	vst v63  }
0x421: {  	s20 =	simm.s32 $0x16F80  }
0x422: {  	[tilespmem:s20], [sflag:$0x4] =	stream.indirect_vreg.gather [hbm4b:s1+s12], $0x80, v3, vm0, $0xb8;
	[tilespmem:$0x19780] =	vst v63  }
0x423: {  	v3 =	vld [tilespmem:$0xEE0];
	_ =	sdelay $0x4  }
0x424: {  	v4 =	vshll.u32 v3, $0x1  }
0x425: {  	v3 =	vand.u32 $0x7, v3;
	v4 =	vand.u32 $0xFFFFFFF0, v4  }
0x426: {  	v3 =	vor.u32 v3, v4  }
0x427: {  	v4 =	vperm.xlane v3, v0;
	_ =	sdelay $0x1  }
0x428: {  	v3 =	vperm.xlane v3, v2;
	v4 =	vadd.s32 v1, v4;
	_ =	sdelay $0x1  }
0x429: {  	v3 =	vadd.s32 v1, v3;
	_ =	sdelay $0x1  }
0x42a: {  	s21 =	simm.s32 $0x17780  }
0x42b: {  	[tilespmem:s21], [sflag:$0x4] =	stream.indirect_vreg.gather [hbm4b:s1+s12], $0x80, v4, vm0, $0xb8;
	[tilespmem:$0x19780] =	vst v63  }
0x42c: {  	s15 =	simm.s32 $0x17F80  }
0x42d: {  	[tilespmem:s15], [sflag:$0x4] =	stream.indirect_vreg.gather [hbm4b:s1+s12], $0x80, v3, vm0, $0xb8;
	[tilespmem:$0x19780] =	vst v63  }
0x42e: {  	v3 =	vld [tilespmem:$0xEF0];
	_ =	sdelay $0x4  }
0x42f: {  	v4 =	vshll.u32 v3, $0x1  }
0x430: {  	v3 =	vand.u32 $0x7, v3;
	v4 =	vand.u32 $0xFFFFFFF0, v4  }
0x431: {  	v3 =	vor.u32 v3, v4  }
0x432: {  	v4 =	vperm.xlane v3, v0;
	_ =	sdelay $0x1  }
0x433: {  	v3 =	vperm.xlane v3, v2;
	v4 =	vadd.s32 v1, v4;
	_ =	sdelay $0x1  }
0x434: {  	v3 =	vadd.s32 v1, v3;
	_ =	sdelay $0x1  }
0x435: {  	s16 =	simm.s32 $0x18780  }
0x436: {  	[tilespmem:s16], [sflag:$0x4] =	stream.indirect_vreg.gather [hbm4b:s1+s12], $0x80, v4, vm0, $0xb8;
	[tilespmem:$0x19780] =	vst v63  }
0x437: {  	s18 =	simm.s32 $0x18F80;
	s19 =	smulhi.u32 $0x51EB851F, s31  }
0x438: {  	[tilespmem:s18], [sflag:$0x4] =	stream.indirect_vreg.gather [hbm4b:s1+s12], $0x80, v3, vm0, $0xb8;
	[tilespmem:$0x19780] =	vst v63  }
0x439: {  	_ =	swait.ge [sflag:s4], $0x8000  }
0x43a: {  	s21 =	sshrl.u32 s19, $0x4;
	[sflag:s4] =	ssyncset.done $0x0  }
0x43b: {  	s14 =	smul.u32 $0xFFFFFF38, s21;
	s20 =	rddreg [dreg:$0xe];
	[sflag:s4] =	ssyncadd.s32 $0xFFFF8000  }
0x43c: {  	[hbm4b:s20+s12] =	stream.linear.scatter [tilespmem:s0], [sflag:$0x5], $0x8000, $0x38;
	[tilespmem:$0x19780] =	vst v63  }
0x43d: {  	s12 =	simm.s32 $0x0  }
0x43e: {  	s14 =	sshra.s32 s14, $0x2;
	v3 =	vld [tilespmem:s12+$0xA00]  }
0x43f: {  	s15 =	simm.s32 $0x40;
	s19 =	sadd.s32 s14, s31;
	s14 =	sadd.s32 $0x10, s31;
	v4 =	vld [tilespmem:s12+$0x500]  }
0x440: {  	s16 =	simm.s32 $0x80;
	s18 =	smulhi.u32 $0x51EB851F, s14;
	s20 =	smov.u32 s31;
	v5 =	vld [tilespmem:s19+$0x0]  }
.LBB2_20:
0x441: {  	_ = 	snop  }
0x442: {  	p1 =	sne.s32 s16, $0x1C0;
	s18 =	sshrl.u32 s18, $0x4  }
0x443: {  	s18 =	smul.u32 $0xFFFFFF38, s18  }
.Ltmp9:
0x444: {  	(pc) =	sbr.rel @p1 .LBB2_20-.Ltmp9, $4  }
0x445: {  	s19 =	sshra.s32 s15, $0x2;
	s15 =	smov.u32 s16;
	vm1 =	vlt.f32 v4, $5.000000000e-01  }
0x446: {  	s20 =	sadd.s32 $0x10, s20;
	s18 =	sshra.s32 s18, $0x2;
	[tilespmem:s12+$0x1700] =	vst v5;
	v5 =	vsel vm1, v3, v5;
	v3 =	vld [tilespmem:s19+$0xA00]  }
0x447: {  	s14 =	sadd.s32 $0x10, s14;
	s21 =	sadd.s32 s18, s20;
	v4 =	vld [tilespmem:s19+$0x500];
	[tilespmem:s12+$0xF00] =	vst v5;
	s12 =	smov.u32 s19  }
0x448: {  	s16 =	sadd.s32 $0x40, s16;
	s18 =	smulhi.u32 $0x51EB851F, s14;
	v5 =	vld [tilespmem:s21+$0x0]  }
0x449: {  	_ = 	snop  }
0x44a: {  	s14 =	sshrl.u32 s18, $0x4  }
0x44b: {  	s14 =	smul.u32 $0xFFFFFF38, s14  }
0x44c: {  	s15 =	sshra.s32 s15, $0x2;
	vm1 =	vlt.f32 v4, $5.000000000e-01  }
0x44d: {  	s16 =	sadd.s32 $0x10, s20;
	v6 =	vld [tilespmem:s15+$0xA00];
	[tilespmem:s12+$0x1700] =	vst v5;
	s14 =	sshra.s32 s14, $0x2;
	v3 =	vsel vm1, v3, v5  }
0x44e: {  	v55 =	vld [tilespmem:s15+$0x500];
	s14 =	sadd.s32 s14, s16;
	[tilespmem:s12+$0xF00] =	vst v3  }
0x44f: {  	v3 =	vld [tilespmem:s14+$0x0];
	_ =	sdelay $0x3  }
0x450: {  	vm1 =	vlt.f32 v55, $5.000000000e-01  }
0x451: {  	[tilespmem:s15+$0x1700] =	vst v3;
	v3 =	vsel vm1, v6, v3  }
0x452: {  	[tilespmem:s15+$0xF00] =	vst v3  }
0x453: {  	_ =	swait.ge [sflag:s5], $0x8000  }
0x454: {  	[sflag:s5] =	ssyncset.done $0x0  }
0x455: {  	[sflag:s5] =	ssyncadd.s32 $0xFFFF8000  }
0x456: {  	v3 =	vld [tilespmem:$0xF00];
	_ =	sdelay $0x4  }
0x457: {  	v56 =	vshll.u32 v3, $0x1  }
0x458: {  	v3 =	vand.u32 $0x7, v3;
	v4 =	vand.u32 $0xFFFFFFF0, v56  }
0x459: {  	v3 =	vor.u32 v3, v4  }
0x45a: {  	v4 =	vperm.xlane v3, v0;
	_ =	sdelay $0x1  }
0x45b: {  	v3 =	vperm.xlane v3, v2;
	v4 =	vadd.s32 v1, v4;
	_ =	sdelay $0x1  }
0x45c: {  	v3 =	vadd.s32 v1, v3;
	_ =	sdelay $0x2  }
0x45d: {  	[tilespmem:s0], [sflag:$0x2] =	stream.indirect_vreg.gather [hbm4b:s1+s3], $0x80, v4, vm0, $0xb8;
	[tilespmem:$0x19780] =	vst v63  }
0x45e: {  	s16 =	simm.s32 $0x1F80  }
0x45f: {  	[tilespmem:s16], [sflag:$0x2] =	stream.indirect_vreg.gather [hbm4b:s1+s3], $0x80, v3, vm0, $0xb8;
	[tilespmem:$0x19780] =	vst v63  }
0x460: {  	v3 =	vld [tilespmem:$0xF10];
	_ =	sdelay $0x4  }
0x461: {  	v57 =	vshll.u32 v3, $0x1  }
0x462: {  	v3 =	vand.u32 $0x7, v3;
	v4 =	vand.u32 $0xFFFFFFF0, v57  }
0x463: {  	v3 =	vor.u32 v3, v4  }
0x464: {  	v4 =	vperm.xlane v3, v0;
	_ =	sdelay $0x1  }
0x465: {  	v3 =	vperm.xlane v3, v2;
	v4 =	vadd.s32 v1, v4;
	_ =	sdelay $0x1  }
0x466: {  	v3 =	vadd.s32 v1, v3;
	_ =	sdelay $0x1  }
0x467: {  	s18 =	simm.s32 $0x2780  }
0x468: {  	[tilespmem:s18], [sflag:$0x2] =	stream.indirect_vreg.gather [hbm4b:s1+s3], $0x80, v4, vm0, $0xb8;
	[tilespmem:$0x19780] =	vst v63  }
0x469: {  	s19 =	simm.s32 $0x2F80  }
0x46a: {  	[tilespmem:s19], [sflag:$0x2] =	stream.indirect_vreg.gather [hbm4b:s1+s3], $0x80, v3, vm0, $0xb8;
	[tilespmem:$0x19780] =	vst v63  }
0x46b: {  	v3 =	vld [tilespmem:$0xF20];
	_ =	sdelay $0x4  }
0x46c: {  	v58 =	vshll.u32 v3, $0x1  }
0x46d: {  	v3 =	vand.u32 $0x7, v3;
	v4 =	vand.u32 $0xFFFFFFF0, v58  }
0x46e: {  	v3 =	vor.u32 v3, v4  }
0x46f: {  	v4 =	vperm.xlane v3, v0;
	_ =	sdelay $0x1  }
0x470: {  	v3 =	vperm.xlane v3, v2;
	v4 =	vadd.s32 v1, v4;
	_ =	sdelay $0x1  }
0x471: {  	v3 =	vadd.s32 v1, v3;
	_ =	sdelay $0x1  }
0x472: {  	s20 =	simm.s32 $0x3780  }
0x473: {  	[tilespmem:s20], [sflag:$0x2] =	stream.indirect_vreg.gather [hbm4b:s1+s3], $0x80, v4, vm0, $0xb8;
	[tilespmem:$0x19780] =	vst v63  }
0x474: {  	s21 =	simm.s32 $0x3F80  }
0x475: {  	[tilespmem:s21], [sflag:$0x2] =	stream.indirect_vreg.gather [hbm4b:s1+s3], $0x80, v3, vm0, $0xb8;
	[tilespmem:$0x19780] =	vst v63  }
0x476: {  	v3 =	vld [tilespmem:$0xF30];
	_ =	sdelay $0x4  }
0x477: {  	v59 =	vshll.u32 v3, $0x1  }
0x478: {  	v3 =	vand.u32 $0x7, v3;
	v4 =	vand.u32 $0xFFFFFFF0, v59  }
0x479: {  	v3 =	vor.u32 v3, v4  }
0x47a: {  	v4 =	vperm.xlane v3, v0;
	_ =	sdelay $0x1  }
0x47b: {  	v3 =	vperm.xlane v3, v2;
	v4 =	vadd.s32 v1, v4;
	_ =	sdelay $0x1  }
0x47c: {  	v3 =	vadd.s32 v1, v3;
	_ =	sdelay $0x1  }
0x47d: {  	s14 =	simm.s32 $0x4780  }
0x47e: {  	[tilespmem:s14], [sflag:$0x2] =	stream.indirect_vreg.gather [hbm4b:s1+s3], $0x80, v4, vm0, $0xb8;
	[tilespmem:$0x19780] =	vst v63  }
0x47f: {  	s15 =	simm.s32 $0x4F80  }
0x480: {  	[tilespmem:s15], [sflag:$0x2] =	stream.indirect_vreg.gather [hbm4b:s1+s3], $0x80, v3, vm0, $0xb8;
	[tilespmem:$0x19780] =	vst v63  }
0x481: {  	v3 =	vld [tilespmem:$0xF40];
	_ =	sdelay $0x4  }
0x482: {  	v60 =	vshll.u32 v3, $0x1  }
0x483: {  	v3 =	vand.u32 $0x7, v3;
	v4 =	vand.u32 $0xFFFFFFF0, v60  }
0x484: {  	v3 =	vor.u32 v3, v4  }
0x485: {  	v4 =	vperm.xlane v3, v0;
	_ =	sdelay $0x1  }
0x486: {  	v3 =	vperm.xlane v3, v2;
	v4 =	vadd.s32 v1, v4;
	_ =	sdelay $0x1  }
0x487: {  	v3 =	vadd.s32 v1, v3;
	_ =	sdelay $0x1  }
0x488: {  	s16 =	simm.s32 $0x5780  }
0x489: {  	[tilespmem:s16], [sflag:$0x2] =	stream.indirect_vreg.gather [hbm4b:s1+s3], $0x80, v4, vm0, $0xb8;
	[tilespmem:$0x19780] =	vst v63  }
0x48a: {  	s18 =	simm.s32 $0x5F80  }
0x48b: {  	[tilespmem:s18], [sflag:$0x2] =	stream.indirect_vreg.gather [hbm4b:s1+s3], $0x80, v3, vm0, $0xb8;
	[tilespmem:$0x19780] =	vst v63  }
0x48c: {  	v3 =	vld [tilespmem:$0xF50];
	_ =	sdelay $0x4  }
0x48d: {  	v61 =	vshll.u32 v3, $0x1  }
0x48e: {  	v3 =	vand.u32 $0x7, v3;
	v4 =	vand.u32 $0xFFFFFFF0, v61  }
0x48f: {  	v3 =	vor.u32 v3, v4  }
0x490: {  	v4 =	vperm.xlane v3, v0;
	_ =	sdelay $0x1  }
0x491: {  	v3 =	vperm.xlane v3, v2;
	v4 =	vadd.s32 v1, v4;
	_ =	sdelay $0x1  }
0x492: {  	v3 =	vadd.s32 v1, v3;
	_ =	sdelay $0x1  }
0x493: {  	s19 =	simm.s32 $0x6780  }
0x494: {  	[tilespmem:s19], [sflag:$0x2] =	stream.indirect_vreg.gather [hbm4b:s1+s3], $0x80, v4, vm0, $0xb8;
	[tilespmem:$0x19780] =	vst v63  }
0x495: {  	s20 =	simm.s32 $0x6F80  }
0x496: {  	[tilespmem:s20], [sflag:$0x2] =	stream.indirect_vreg.gather [hbm4b:s1+s3], $0x80, v3, vm0, $0xb8;
	[tilespmem:$0x19780] =	vst v63  }
0x497: {  	v3 =	vld [tilespmem:$0xF60];
	_ =	sdelay $0x4  }
0x498: {  	v62 =	vshll.u32 v3, $0x1  }
0x499: {  	v3 =	vand.u32 $0x7, v3;
	v4 =	vand.u32 $0xFFFFFFF0, v62  }
0x49a: {  	v3 =	vor.u32 v3, v4  }
0x49b: {  	v4 =	vperm.xlane v3, v0;
	_ =	sdelay $0x1  }
0x49c: {  	v3 =	vperm.xlane v3, v2;
	v4 =	vadd.s32 v1, v4;
	_ =	sdelay $0x1  }
0x49d: {  	v3 =	vadd.s32 v1, v3;
	_ =	sdelay $0x1  }
0x49e: {  	s21 =	simm.s32 $0x7780  }
0x49f: {  	[tilespmem:s21], [sflag:$0x2] =	stream.indirect_vreg.gather [hbm4b:s1+s3], $0x80, v4, vm0, $0xb8;
	[tilespmem:$0x19780] =	vst v63  }
0x4a0: {  	s14 =	simm.s32 $0x7F80  }
0x4a1: {  	[tilespmem:s14], [sflag:$0x2] =	stream.indirect_vreg.gather [hbm4b:s1+s3], $0x80, v3, vm0, $0xb8;
	[tilespmem:$0x19780] =	vst v63  }
0x4a2: {  	v3 =	vld [tilespmem:$0xF70];
	_ =	sdelay $0x4  }
0x4a3: {  	v63 =	vshll.u32 v3, $0x1  }
0x4a4: {  	v3 =	vand.u32 $0x7, v3;
	v4 =	vand.u32 $0xFFFFFFF0, v63  }
0x4a5: {  	v3 =	vor.u32 v3, v4  }
0x4a6: {  	v4 =	vperm.xlane v3, v0;
	_ =	sdelay $0x1  }
0x4a7: {  	v3 =	vperm.xlane v3, v2;
	v4 =	vadd.s32 v1, v4;
	_ =	sdelay $0x1  }
0x4a8: {  	v3 =	vadd.s32 v1, v3;
	_ =	sdelay $0x1  }
0x4a9: {  	s15 =	simm.s32 $0x8780  }
0x4aa: {  	[tilespmem:s15], [sflag:$0x2] =	stream.indirect_vreg.gather [hbm4b:s1+s3], $0x80, v4, vm0, $0xb8;
	[tilespmem:$0x19780] =	vst v63  }
0x4ab: {  	s16 =	simm.s32 $0x8F80  }
0x4ac: {  	[tilespmem:s16], [sflag:$0x2] =	stream.indirect_vreg.gather [hbm4b:s1+s3], $0x80, v3, vm0, $0xb8;
	[tilespmem:$0x19780] =	vst v63  }
0x4ad: {  	_ =	swait.ge [sflag:s6], $0x8000  }
0x4ae: {  	[sflag:s6] =	ssyncset.done $0x0  }
0x4af: {  	s18 =	rddreg [dreg:$0xf];
	[sflag:s6] =	ssyncadd.s32 $0xFFFF8000  }
0x4b0: {  	[hbm4b:s18+s3] =	stream.linear.scatter [tilespmem:s7], [sflag:$0x6], $0x8000, $0x38;
	[tilespmem:$0x19780] =	vst v63  }
0x4b1: {  	_ =	swait.ge [sflag:s9], $0x8000  }
0x4b2: {  	[sflag:s9] =	ssyncset.done $0x0  }
0x4b3: {  	s19 =	rddreg [dreg:$0x10];
	[sflag:s9] =	ssyncadd.s32 $0xFFFF8000  }
0x4b4: {  	[hbm4b:s19+s3] =	stream.linear.scatter [tilespmem:s17], [sflag:$0x7], $0x8000, $0x38;
	[tilespmem:$0x19780] =	vst v63  }
0x4b5: {  	_ =	swait.ge [sflag:s4], $0x8000  }
0x4b6: {  	[sflag:s4] =	ssyncset.done $0x0  }
0x4b7: {  	s20 =	rddreg [dreg:$0x11];
	[sflag:s4] =	ssyncadd.s32 $0xFFFF8000  }
0x4b8: {  	[hbm4b:s20+s3] =	stream.linear.scatter [tilespmem:s0], [sflag:$0x5], $0x6000, $0x38;
	[tilespmem:$0x19780] =	vst v63  }
0x4b9: {  	s12 =	simm.s32 @p0 $0x0;
	s14 =	simm.s32 @p0 $0x1280;
	s16 =	rddreg [dreg:$0x12]  }
0x4ba: {  	[hbm4b:s16+s12] =	stream.linear.scatter @p0 [tilespmem:s14], [sflag:$0x8], $0x4E0, $0x38;
	[tilespmem:$0x19780] =	vst v63  }
0x4bb: {  	s12 =	simm.s32 @p0 $0x8  }
0x4bc: {  	_ =	swait.ge @p0 [sflag:s12], $0x4E0  }
0x4bd: {  	s14 =	simm.s32 @!p0 $0x7780;
	[sflag:s12] =	ssyncset.done @p0 $0x0  }
0x4be: {  	s15 =	rddreg [dreg:$0x13];
	[sflag:s12] =	ssyncadd.s32 @p0 $0xFFFFFB20;
	s12 =	simm.s32 @!p0 $0x0  }
0x4bf: {  	[hbm4b:s15+s12] =	stream.linear.scatter @!p0 [tilespmem:s14], [sflag:$0x8], $0x800, $0x38;
	[tilespmem:$0x19780] =	vst v63  }
0x4c0: {  	s14 =	simm.s32 @!p0 $0x8  }
0x4c1: {  	_ =	swait.ge @!p0 [sflag:s14], $0x800  }
0x4c2: {  	[sflag:s14] =	ssyncset.done @!p0 $0x0  }
0x4c3: {  	s15 =	simm.s32 @!p0 $0x1280;
	[sflag:s14] =	ssyncadd.s32 @!p0 $0xFFFFF800  }
0x4c4: {  	[hbm4b:s16+s12] =	stream.linear.scatter @!p0 [tilespmem:s15], [sflag:$0x8], $0x4E0, $0x38;
	[tilespmem:$0x19780] =	vst v63  }
0x4c5: {  	_ =	swait.ge @!p0 [sflag:s14], $0x4E0  }
0x4c6: {  	[sflag:s14] =	ssyncset.done @!p0 $0x0  }
0x4c7: {  	s15 =	simm.s32 @!p0 $0x1760;
	s16 =	rddreg [dreg:$0x14];
	[sflag:s14] =	ssyncadd.s32 @!p0 $0xFFFFFB20  }
0x4c8: {  	[hbm4b:s16+s12] =	stream.linear.scatter @!p0 [tilespmem:s15], [sflag:$0x8], $0x8, $0x38;
	[tilespmem:$0x19780] =	vst v63  }
0x4c9: {  	_ =	swait.ge @!p0 [sflag:s14], $0x8  }
0x4ca: {  	[sflag:s14] =	ssyncset.done @!p0 $0x0  }
0x4cb: {  	[sflag:s14] =	ssyncadd.s32 @!p0 $0xFFFFFFF8  }
0x4cc: {  	_ =	swait.ge [sflag:s5], $0x6000  }
0x4cd: {  	[sflag:s5] =	ssyncset.done $0x0  }
0x4ce: {  	[sflag:s5] =	ssyncadd.s32 $0xFFFFA000  }
0x4cf: {  	_ =	swait.ge [sflag:s8], $0x8000  }
0x4d0: {  	[sflag:s8] =	ssyncset.done $0x0  }
0x4d1: {  	[sflag:s8] =	ssyncadd.s32 $0xFFFF8000  }
0x4d2: {  	_ =	swait.ge [sflag:s10], $0x8000  }
0x4d3: {  	s11 =	sadd.s32 $0x1, s11;
	s21 =	rddreg [dreg:$0x15]  }
0x4d4: {  	p1 =	sne.s32 s11, s21  }
.Ltmp10:
0x4d5: {  	_ = 	snop;
	(pc) =	sbr.rel @p1 .LBB2_1-.Ltmp10, $3  }
0x4d6: {  	_ =	sdelay $0x1  }
0x4d7: {  	[sflag:s10] =	ssyncset.done $0x0  }
0x4d8: {  	[sflag:s10] =	ssyncadd.s32 $0xFFFF8000  }
0x4d9: {  	_ =	sfence.sel $0x180000  }
0x4da: {  	[bflag:$0x0] =	sbarrier.arrive $0xFFFF  }
0x4db: {  	_ =	strace $0x90000047  }
0x4dc: {  	s0 =	stileid.u32;
	[bflag:$0x2] =	sbarrier.arrive $0xFFFF  }
0x4dd: {  	p0 =	sne.s32 s0, $0x0;
	s0 =	rddreg [dreg:$0x4]  }
0x4de: {  	s0 =	sadd.s32 @!p0 $0x100000, s0  }
0x4df: {  	[sflag:s0] =	ssyncadd.tile.s32 @!p0 $0x1;
	_ =	shalt  }
.Lfunc_end2:
_tile_overlayer_lowered:
.L_overlay_start_2:
0x4e0: {  	(tag) =	ssettag $0x2  }
0x4e1: {  	s0 =	rddreg [dreg:$0x0];
	s2 =	stileid.u32  }
0x4e2: {  	s1 =	rddreg [dreg:$0x1];
	p0 =	sne.s32 s2, $0x0  }
0x4e3: {  	s3 =	rddreg [dreg:$0x2];
	[bflag:$0x3] =	sbarrier.arrive $0xFFFF;
	s2 =	simm.s32 @!p0 $0x1C08  }
0x4e4: {  	[timem:s3], [sflag:s2] =	dma.local @!p0 [hbm:s0], s1  }
0x4e5: {  	s0 =	simm.s32 @!p0 $0x8  }
0x4e6: {  	_ =	swait.ge @!p0 [sflag:s0], s1  }
0x4e7: {  	s1 =	ssub.s32 @!p0 $0x0, s1;
	[sflag:s0] =	ssyncset.done @!p0 $0x0  }
0x4e8: {  	[sflag:s0] =	ssyncadd.s32 @!p0 s1  }
0x4e9: {  	[bflag:$0x3] =	sbarrier.arrive $0xFFFF  }
0x4ea: {  	_ =	shalt  }

</sc_bundles>
